<compile_context>
chip_gen: v7x
topology: tpu7x:2x2x1
jax: 0.10.2.dev20260603
libtpu: 0.0.44.dev20260713+nightly
codegen_flags: <defaults>
</compile_context>

<pallas_src>
import functools

import jax
import jax.numpy as jnp
from jax import lax
from jax.experimental import pallas as pl
from jax.experimental.pallas import tpu as pltpu
from jax.experimental.pallas import tpu_sc as plsc

_CHUNK = 64
_GROUP = 8


def _sc_half(x_aug, ei, attr, zs, ze, n_pad, per_w, start):
  _, d_aug = x_aug.shape
  da = attr.shape[1]
  info = plsc.get_sparse_core_info()
  ns = info.num_subcores
  chunk = _CHUNK
  group = _GROUP
  gc = group * chunk
  n_groups = per_w // gc
  rows_per_tile = n_pad // ns

  mesh = plsc.VectorSubcoreMesh(
      core_axis_name="c", subcore_axis_name="s", num_cores=1)

  @functools.partial(
      pl.kernel,
      out_type=(
          jax.ShapeDtypeStruct((n_pad, d_aug), jnp.float32),
          jax.ShapeDtypeStruct((n_pad, da), jnp.float32),
      ),
      mesh=mesh,
      compiler_params=pltpu.CompilerParams(use_tc_tiling_on_sc=False),
      scratch_types=[
          pltpu.VMEM_SHARED((n_pad, d_aug), jnp.float32),
          pltpu.VMEM_SHARED((n_pad, da), jnp.float32),
          pltpu.VMEM((2, gc), jnp.int32),
          [pltpu.VMEM((chunk, d_aug), jnp.float32) for _ in range(2)],
          pltpu.VMEM((gc, da), jnp.float32),
          [pltpu.SemaphoreType.DMA for _ in range(2)],
      ],
  )
  def k(x_hbm, ei_hbm, attr_hbm, zs_hbm, ze_hbm,
        s_out, e_out,
        sh_s, sh_e, ebuf, xbuf, abuf, sem):
    sid = lax.axis_index("s")
    r0 = sid * rows_per_tile
    pltpu.sync_copy(zs_hbm.at[pl.ds(r0, rows_per_tile)],
                    sh_s.at[pl.ds(r0, rows_per_tile)])
    pltpu.sync_copy(ze_hbm.at[pl.ds(r0, rows_per_tile)],
                    sh_e.at[pl.ds(r0, rows_per_tile)])
    plsc.subcore_barrier()

    def gather(c, p):
      return pltpu.make_async_copy(
          x_hbm.at[ebuf.at[1, pl.ds(c * chunk, chunk)]], xbuf[p], sem[p])

    def body(g, carry):
      base = start + sid * per_w + g * gc
      pltpu.sync_copy(ei_hbm.at[:, pl.ds(base, gc)], ebuf)
      pltpu.sync_copy(attr_hbm.at[pl.ds(base, gc)], abuf)
      gather(0, 0).start()
      for c in range(group):
        p = c % 2
        rows = ebuf.at[0, pl.ds(c * chunk, chunk)]
        gather(c, p).wait()
        if c + 1 < group:
          gather(c + 1, 1 - p).start()
        pltpu.sync_copy(xbuf[p], sh_s.at[rows], add=True)
        pltpu.sync_copy(abuf.at[pl.ds(c * chunk, chunk)],
                        sh_e.at[rows], add=True)
      return carry

    lax.fori_loop(0, n_groups, body, 0)

    plsc.subcore_barrier()
    pltpu.sync_copy(sh_s.at[pl.ds(r0, rows_per_tile)],
                    s_out.at[pl.ds(r0, rows_per_tile)])
    pltpu.sync_copy(sh_e.at[pl.ds(r0, rows_per_tile)],
                    e_out.at[pl.ds(r0, rows_per_tile)])

  return k(x_aug, ei, attr, zs, ze)


def _sc_segment_sums(x, edge_index, edge_attr):
  n, d = x.shape
  ne = edge_index.shape[1]
  da = edge_attr.shape[1]
  d_aug = d + 16
  info = plsc.get_sparse_core_info()
  ns = info.num_subcores
  nhalf = 2 * ns
  chunk = _CHUNK
  gc = _GROUP * chunk
  unit = nhalf * gc
  ne_pad = -(-ne // unit) * unit
  per_w = ne_pad // nhalf
  n_pad = -(-n // (8 * ns)) * (8 * ns)

  pad = ne_pad - ne
  if pad:
    ei_pad = jnp.stack([jnp.full((pad,), n, jnp.int32),
                        jnp.zeros((pad,), jnp.int32)])
    edge_index = jnp.concatenate([edge_index, ei_pad], axis=1)
    edge_attr = jnp.concatenate(
        [edge_attr, jnp.zeros((pad, da), jnp.float32)], axis=0)

  x_aug = jnp.concatenate(
      [x, jnp.ones((n, 1), jnp.float32),
       jnp.zeros((n, d_aug - d - 1), jnp.float32)], axis=1)

  zs = jnp.zeros((n_pad, d_aug), jnp.float32)
  ze = jnp.zeros((n_pad, da), jnp.float32)

  half = ne_pad // 2
  s0, e0 = _sc_half(x_aug, edge_index, edge_attr, zs, ze, n_pad, per_w, 0)
  s1, e1 = _sc_half(x_aug, edge_index, edge_attr, zs, ze, n_pad, per_w, half)
  return (jnp.stack([s0, s1]), jnp.stack([e0, e1]))


def _tc_finish(s2, e2, w, b):
  nc, n, d_aug = s2.shape
  da = e2.shape[2]
  d = d_aug - 16
  blk = 1264
  grid = n // blk
  b2 = b.reshape(1, d)

  def body(s_ref, e_ref, w_ref, b_ref, o_ref):
    s = s_ref[0, :, 0:d] + s_ref[1, :, 0:d]
    cnt = s_ref[0, :, d:d + 1] + s_ref[1, :, d:d + 1]
    e = e_ref[0] + e_ref[1]
    acc = jnp.dot(s, w_ref[0:d, :], preferred_element_type=jnp.float32)
    acc = acc + jnp.dot(e, w_ref[d:, :], preferred_element_type=jnp.float32)
    o_ref[...] = acc / jnp.maximum(cnt, 1.0) + b_ref[...]

  return pl.pallas_call(
      body,
      grid=(grid,),
      in_specs=[
          pl.BlockSpec((nc, blk, d_aug), lambda i: (0, i, 0)),
          pl.BlockSpec((nc, blk, da), lambda i: (0, i, 0)),
          pl.BlockSpec((d + da, d), lambda i: (0, 0)),
          pl.BlockSpec((1, d), lambda i: (0, 0)),
      ],
      out_specs=pl.BlockSpec((blk, d), lambda i: (i, 0)),
      out_shape=jax.ShapeDtypeStruct((n, d), jnp.float32),
  )(s2, e2, w, b2)


def kernel(x, edge_index, edge_attr, W, b):
  s2, e2 = _sc_segment_sums(x, edge_index, edge_attr)
  return _tc_finish(s2, e2, W, b)[: x.shape[0]]

# --- scband reference (transcript-rebuilt; emitter-appended) ---
"""Pipeline reference for scband-cgconv-layer-47974784696405 (READ-ONLY COPY).

The authoritative reference and input builder live on the scoring server;
editing this copy changes nothing except your own understanding.
"""

import jax, jax.numpy as jnp
import numpy as np

N_NODES = 10000
N_EDGES = 320000
D_FEAT = 128
D_EDGE = 16


def setup_inputs(seed: int = 0) -> dict:
    key = jax.random.key(seed)
    k1, k2, k3, k4 = jax.random.split(key, 4)
    x = jax.random.normal(k1, (N_NODES, D_FEAT), dtype=jnp.float32)
    edge_index = jax.random.randint(k2, (2, N_EDGES), 0, N_NODES, dtype=jnp.int32)
    edge_attr = jax.random.normal(k3, (N_EDGES, D_EDGE), dtype=jnp.float32)
    fan_in = D_FEAT + D_EDGE
    fan_out = D_FEAT
    limit = float(np.sqrt(6.0 / (fan_in + fan_out)))
    W = jax.random.uniform(k4, (fan_in, fan_out), dtype=jnp.float32, minval=-limit, maxval=limit)
    b = jnp.zeros((fan_out,), dtype=jnp.float32)
    return {"x": x, "edge_index": edge_index, "edge_attr": edge_attr, "W": W, "b": b}


def reference(x, edge_index, edge_attr, W, b):
    row = edge_index[0]
    col = edge_index[1]
    x_j = jnp.take(x, col, axis=0)
    out = jnp.concatenate([x_j, edge_attr], axis=-1)
    out = out @ W
    num_nodes = x.shape[0]
    agg = jax.ops.segment_sum(out, row, num_segments=num_nodes)
    counts = jax.ops.segment_sum(jnp.ones((row.shape[0],), dtype=jnp.float32), row, num_segments=num_nodes)
    counts = jnp.clip(counts, 1.0, None)
    out = agg / counts[:, None]
    out = out + b
    return out

if __name__ == "__main__":
    import jax
    _d = setup_inputs()
    print(jax.jit(kernel)(*tuple(_d.values())))

</pallas_src>

<mosaic_0001>
#map = affine_map<(d0, d1) -> (0, 0)>
module attributes {stable_mosaic.version = 14 : i64} {
  func.func @k(%arg0: i32, %arg1: i32, %arg2: memref<10000x144xf32, #tpu.memory_space<hbm>>, %arg3: memref<2x327680xi32, #tpu.memory_space<hbm>>, %arg4: memref<327680x16xf32, #tpu.memory_space<hbm>>, %arg5: memref<10112x144xf32, #tpu.memory_space<hbm>>, %arg6: memref<10112x16xf32, #tpu.memory_space<hbm>>, %arg7: memref<10112x144xf32, #tpu.memory_space<hbm>>, %arg8: memref<10112x16xf32, #tpu.memory_space<hbm>>, %arg9: memref<10112x144xf32, #tpu.memory_space<vmem_shared>>, %arg10: memref<10112x16xf32, #tpu.memory_space<vmem_shared>>, %arg11: memref<2x512xi32, #tpu.memory_space<vmem>>, %arg12: memref<64x144xf32, #tpu.memory_space<vmem>>, %arg13: memref<64x144xf32, #tpu.memory_space<vmem>>, %arg14: memref<512x16xf32, #tpu.memory_space<vmem>>, %arg15: memref<!tpu.dma_semaphore, #tpu.memory_space<semaphore_mem>>, %arg16: memref<!tpu.dma_semaphore, #tpu.memory_space<semaphore_mem>>) attributes {dimension_semantics = [#tpu.dimension_semantics<core_parallel>, #tpu.dimension_semantics<subcore_parallel>], iteration_bounds = array<i64: 1, 16>, scalar_prefetch = 0 : i64, scratch_operands = 8 : i64, tpu.core_type = #tpu.core_type<sc_vector_subcore>, window_params = [{transform_indices = #map}, {transform_indices = #map}, {transform_indices = #map}, {transform_indices = #map}, {transform_indices = #map}, {transform_indices = #map}, {transform_indices = #map}]} {
    %mul3A = arith.constant 632 : i32
    %mul3A_0 = arith.muli %arg1, %mul3A : i32
    "tpu.region"() ({
      %run_scoped3A = tpu.sem_alloc : memref<!tpu.dma_semaphore, #tpu.memory_space<semaphore_mem>>
      %dma_start3A = arith.constant 0 : i32
      %dma_start3A_7 = tpu.memref_slice %arg9[%mul3A_0, %dma_start3A] : memref<10112x144xf32, #tpu.memory_space<vmem_shared>> -> memref<632x144xf32, #tpu.memory_space<vmem_shared>>
      %dma_start3A_8 = arith.constant 0 : i32
      %dma_start3A_9 = tpu.memref_slice %arg5[%mul3A_0, %dma_start3A_8] : memref<10112x144xf32, #tpu.memory_space<hbm>> -> memref<632x144xf32, #tpu.memory_space<hbm>>
      tpu.enqueue_dma source(%dma_start3A_9 : memref<632x144xf32, #tpu.memory_space<hbm>>) target(%dma_start3A_7 : memref<632x144xf32, #tpu.memory_space<vmem_shared>>) target_semaphore(%run_scoped3A : memref<!tpu.dma_semaphore, #tpu.memory_space<semaphore_mem>>)
      %dma_wait3A = arith.constant 0 : i32
      %dma_wait3A_10 = tpu.memref_slice %arg9[%mul3A_0, %dma_wait3A] : memref<10112x144xf32, #tpu.memory_space<vmem_shared>> -> memref<632x144xf32, #tpu.memory_space<vmem_shared>>
      %dma_wait3A_11 = arith.constant 0 : i32
      %dma_wait3A_12 = tpu.memref_slice %arg5[%mul3A_0, %dma_wait3A_11] : memref<10112x144xf32, #tpu.memory_space<hbm>> -> memref<632x144xf32, #tpu.memory_space<hbm>>
      tpu.wait_dma2 semaphore(%run_scoped3A : memref<!tpu.dma_semaphore, #tpu.memory_space<semaphore_mem>>) src(%dma_wait3A_12 : memref<632x144xf32, #tpu.memory_space<hbm>>) dst(%dma_wait3A_10 : memref<632x144xf32, #tpu.memory_space<vmem_shared>>)
      tpu.yield
    }) : () -> ()
    "tpu.region"() ({
      %run_scoped3A = tpu.sem_alloc : memref<!tpu.dma_semaphore, #tpu.memory_space<semaphore_mem>>
      %dma_start3A = arith.constant 0 : i32
      %dma_start3A_7 = tpu.memref_slice %arg10[%mul3A_0, %dma_start3A] : memref<10112x16xf32, #tpu.memory_space<vmem_shared>> -> memref<632x16xf32, #tpu.memory_space<vmem_shared>>
      %dma_start3A_8 = arith.constant 0 : i32
      %dma_start3A_9 = tpu.memref_slice %arg6[%mul3A_0, %dma_start3A_8] : memref<10112x16xf32, #tpu.memory_space<hbm>> -> memref<632x16xf32, #tpu.memory_space<hbm>>
      tpu.enqueue_dma source(%dma_start3A_9 : memref<632x16xf32, #tpu.memory_space<hbm>>) target(%dma_start3A_7 : memref<632x16xf32, #tpu.memory_space<vmem_shared>>) target_semaphore(%run_scoped3A : memref<!tpu.dma_semaphore, #tpu.memory_space<semaphore_mem>>)
      %dma_wait3A = arith.constant 0 : i32
      %dma_wait3A_10 = tpu.memref_slice %arg10[%mul3A_0, %dma_wait3A] : memref<10112x16xf32, #tpu.memory_space<vmem_shared>> -> memref<632x16xf32, #tpu.memory_space<vmem_shared>>
      %dma_wait3A_11 = arith.constant 0 : i32
      %dma_wait3A_12 = tpu.memref_slice %arg6[%mul3A_0, %dma_wait3A_11] : memref<10112x16xf32, #tpu.memory_space<hbm>> -> memref<632x16xf32, #tpu.memory_space<hbm>>
      tpu.wait_dma2 semaphore(%run_scoped3A : memref<!tpu.dma_semaphore, #tpu.memory_space<semaphore_mem>>) src(%dma_wait3A_12 : memref<632x16xf32, #tpu.memory_space<hbm>>) dst(%dma_wait3A_10 : memref<632x16xf32, #tpu.memory_space<vmem_shared>>)
      tpu.yield
    }) : () -> ()
    %barrier3A = arith.constant 0 : index
    tpu.barrier barrier_id(%barrier3A)
    %scan3A = arith.constant 0 : i32
    %scan3A_1 = arith.constant 0 : i32
    %scan3A_2 = arith.constant 20 : i32
    %scan3A_3 = arith.addi %scan3A_1, %scan3A_2 : i32
    %scan3A_4 = arith.constant 1 : i32
    scf.for %scan3A_7 = %scan3A_1 to %scan3A_3 step %scan3A_4  : i32 {
      %mul3A_8 = arith.constant 10240 : i32
      %mul3A_9 = arith.muli %arg1, %mul3A_8 : i32
      %add3A = arith.constant 0 : i32
      %add3A_10 = arith.addi %add3A, %mul3A_9 : i32
      %mul3A_11 = arith.constant 512 : i32
      %mul3A_12 = arith.muli %scan3A_7, %mul3A_11 : i32
      %add3A_13 = arith.addi %add3A_10, %mul3A_12 : i32
      "tpu.region"() ({
        %run_scoped3A_139 = tpu.sem_alloc : memref<!tpu.dma_semaphore, #tpu.memory_space<semaphore_mem>>
        %dma_start3A_140 = arith.constant 0 : i32
        %dma_start3A_141 = tpu.memref_slice %arg3[%dma_start3A_140, %add3A_13] : memref<2x327680xi32, #tpu.memory_space<hbm>> -> memref<2x512xi32, #tpu.memory_space<hbm>>
        %dma_start3A_142 = arith.constant 0 : i32
        %dma_start3A_143 = tpu.memref_slice %arg3[%dma_start3A_142, %add3A_13] : memref<2x327680xi32, #tpu.memory_space<hbm>> -> memref<2x512xi32, #tpu.memory_space<hbm>>
        tpu.enqueue_dma source(%dma_start3A_143 : memref<2x512xi32, #tpu.memory_space<hbm>>) target(%arg11 : memref<2x512xi32, #tpu.memory_space<vmem>>) target_semaphore(%run_scoped3A_139 : memref<!tpu.dma_semaphore, #tpu.memory_space<semaphore_mem>>)
        %dma_wait3A_144 = arith.constant 0 : i32
        %dma_wait3A_145 = tpu.memref_slice %arg3[%dma_wait3A_144, %add3A_13] : memref<2x327680xi32, #tpu.memory_space<hbm>> -> memref<2x512xi32, #tpu.memory_space<hbm>>
        %dma_wait3A_146 = arith.constant 0 : i32
        %dma_wait3A_147 = tpu.memref_slice %arg3[%dma_wait3A_146, %add3A_13] : memref<2x327680xi32, #tpu.memory_space<hbm>> -> memref<2x512xi32, #tpu.memory_space<hbm>>
        tpu.wait_dma2 semaphore(%run_scoped3A_139 : memref<!tpu.dma_semaphore, #tpu.memory_space<semaphore_mem>>) src(%dma_wait3A_147 : memref<2x512xi32, #tpu.memory_space<hbm>>) dst(%arg11 : memref<2x512xi32, #tpu.memory_space<vmem>>)
        tpu.yield
      }) : () -> ()
      "tpu.region"() ({
        %run_scoped3A_139 = tpu.sem_alloc : memref<!tpu.dma_semaphore, #tpu.memory_space<semaphore_mem>>
        %dma_start3A_140 = arith.constant 0 : i32
        %dma_start3A_141 = tpu.memref_slice %arg4[%add3A_13, %dma_start3A_140] : memref<327680x16xf32, #tpu.memory_space<hbm>> -> memref<512x16xf32, #tpu.memory_space<hbm>>
        %dma_start3A_142 = arith.constant 0 : i32
        %dma_start3A_143 = tpu.memref_slice %arg4[%add3A_13, %dma_start3A_142] : memref<327680x16xf32, #tpu.memory_space<hbm>> -> memref<512x16xf32, #tpu.memory_space<hbm>>
        tpu.enqueue_dma source(%dma_start3A_143 : memref<512x16xf32, #tpu.memory_space<hbm>>) target(%arg14 : memref<512x16xf32, #tpu.memory_space<vmem>>) target_semaphore(%run_scoped3A_139 : memref<!tpu.dma_semaphore, #tpu.memory_space<semaphore_mem>>)
        %dma_wait3A_144 = arith.constant 0 : i32
        %dma_wait3A_145 = tpu.memref_slice %arg4[%add3A_13, %dma_wait3A_144] : memref<327680x16xf32, #tpu.memory_space<hbm>> -> memref<512x16xf32, #tpu.memory_space<hbm>>
        %dma_wait3A_146 = arith.constant 0 : i32
        %dma_wait3A_147 = tpu.memref_slice %arg4[%add3A_13, %dma_wait3A_146] : memref<327680x16xf32, #tpu.memory_space<hbm>> -> memref<512x16xf32, #tpu.memory_space<hbm>>
        tpu.wait_dma2 semaphore(%run_scoped3A_139 : memref<!tpu.dma_semaphore, #tpu.memory_space<semaphore_mem>>) src(%dma_wait3A_147 : memref<512x16xf32, #tpu.memory_space<hbm>>) dst(%arg14 : memref<512x16xf32, #tpu.memory_space<vmem>>)
        tpu.yield
      }) : () -> ()
      %dma_start3A = arith.constant 1 : i32
      %dma_start3A_14 = arith.constant 0 : i32
      %dma_start3A_15 = tpu.memref_slice %arg11[%dma_start3A, %dma_start3A_14] : memref<2x512xi32, #tpu.memory_space<vmem>> -> memref<1x64xi32, #tpu.memory_space<vmem>>
      %dma_start3A_16 = tpu.memref_squeeze %dma_start3A_15 : memref<1x64xi32, #tpu.memory_space<vmem>> -> memref<64xi32, #tpu.memory_space<vmem>>
      %dma_start3A_17 = arith.constant 0 : i32
      %dma_start3A_18 = arith.constant 0 : i32
      %dma_start3A_19 = tpu.memref_slice %arg2[%dma_start3A_17, %dma_start3A_18] : memref<10000x144xf32, #tpu.memory_space<hbm>> -> memref<10000x144xf32, #tpu.memory_space<hbm>>
      tpu.enqueue_indirect_dma source(%dma_start3A_19 : memref<10000x144xf32, #tpu.memory_space<hbm>>) target(%arg12 : memref<64x144xf32, #tpu.memory_space<vmem>>) offsets(%dma_start3A_16 : memref<64xi32, #tpu.memory_space<vmem>>) semaphore(%arg15 : memref<!tpu.dma_semaphore, #tpu.memory_space<semaphore_mem>>)
      %dma_wait3A = arith.constant 1 : i32
      %dma_wait3A_20 = arith.constant 0 : i32
      %dma_wait3A_21 = tpu.memref_slice %arg11[%dma_wait3A, %dma_wait3A_20] : memref<2x512xi32, #tpu.memory_space<vmem>> -> memref<1x64xi32, #tpu.memory_space<vmem>>
      %dma_wait3A_22 = tpu.memref_squeeze %dma_wait3A_21 : memref<1x64xi32, #tpu.memory_space<vmem>> -> memref<64xi32, #tpu.memory_space<vmem>>
      %dma_wait3A_23 = arith.constant 0 : i32
      %dma_wait3A_24 = arith.constant 0 : i32
      %dma_wait3A_25 = tpu.memref_slice %arg2[%dma_wait3A_23, %dma_wait3A_24] : memref<10000x144xf32, #tpu.memory_space<hbm>> -> memref<10000x144xf32, #tpu.memory_space<hbm>>
      tpu.wait_indirect_dma semaphore(%arg15 : memref<!tpu.dma_semaphore, #tpu.memory_space<semaphore_mem>>) src(%dma_wait3A_25 : memref<10000x144xf32, #tpu.memory_space<hbm>>) dst(%arg12 : memref<64x144xf32, #tpu.memory_space<vmem>>)
      %dma_start3A_26 = arith.constant 1 : i32
      %dma_start3A_27 = arith.constant 64 : i32
      %dma_start3A_28 = tpu.memref_slice %arg11[%dma_start3A_26, %dma_start3A_27] : memref<2x512xi32, #tpu.memory_space<vmem>> -> memref<1x64xi32, #tpu.memory_space<vmem>>
      %dma_start3A_29 = tpu.memref_squeeze %dma_start3A_28 : memref<1x64xi32, #tpu.memory_space<vmem>> -> memref<64xi32, #tpu.memory_space<vmem>>
      %dma_start3A_30 = arith.constant 0 : i32
      %dma_start3A_31 = arith.constant 0 : i32
      %dma_start3A_32 = tpu.memref_slice %arg2[%dma_start3A_30, %dma_start3A_31] : memref<10000x144xf32, #tpu.memory_space<hbm>> -> memref<10000x144xf32, #tpu.memory_space<hbm>>
      tpu.enqueue_indirect_dma source(%dma_start3A_32 : memref<10000x144xf32, #tpu.memory_space<hbm>>) target(%arg13 : memref<64x144xf32, #tpu.memory_space<vmem>>) offsets(%dma_start3A_29 : memref<64xi32, #tpu.memory_space<vmem>>) semaphore(%arg16 : memref<!tpu.dma_semaphore, #tpu.memory_space<semaphore_mem>>)
      %run_scoped3A = arith.constant 0 : i32
      "tpu.region"() ({
        %run_scoped3A_139 = tpu.sem_alloc : memref<!tpu.dma_semaphore, #tpu.memory_space<semaphore_mem>>
        %dma_start3A_140 = arith.constant 0 : i32
        %dma_start3A_141 = tpu.memref_slice %arg11[%run_scoped3A, %dma_start3A_140] : memref<2x512xi32, #tpu.memory_space<vmem>> -> memref<1x64xi32, #tpu.memory_space<vmem>>
        %dma_start3A_142 = tpu.memref_squeeze %dma_start3A_141 : memref<1x64xi32, #tpu.memory_space<vmem>> -> memref<64xi32, #tpu.memory_space<vmem>>
        %dma_start3A_143 = arith.constant 0 : i32
        %dma_start3A_144 = arith.constant 0 : i32
        %dma_start3A_145 = tpu.memref_slice %arg9[%dma_start3A_143, %dma_start3A_144] : memref<10112x144xf32, #tpu.memory_space<vmem_shared>> -> memref<10112x144xf32, #tpu.memory_space<vmem_shared>>
        tpu.enqueue_indirect_dma source(%arg12 : memref<64x144xf32, #tpu.memory_space<vmem>>) target(%dma_start3A_145 : memref<10112x144xf32, #tpu.memory_space<vmem_shared>>) offsets(%dma_start3A_142 : memref<64xi32, #tpu.memory_space<vmem>>) semaphore(%run_scoped3A_139 : memref<!tpu.dma_semaphore, #tpu.memory_space<semaphore_mem>>) {add = true}
        %dma_wait3A_146 = arith.constant 0 : i32
        %dma_wait3A_147 = tpu.memref_slice %arg11[%run_scoped3A, %dma_wait3A_146] : memref<2x512xi32, #tpu.memory_space<vmem>> -> memref<1x64xi32, #tpu.memory_space<vmem>>
        %dma_wait3A_148 = tpu.memref_squeeze %dma_wait3A_147 : memref<1x64xi32, #tpu.memory_space<vmem>> -> memref<64xi32, #tpu.memory_space<vmem>>
        %dma_wait3A_149 = arith.constant 0 : i32
        %dma_wait3A_150 = arith.constant 0 : i32
        %dma_wait3A_151 = tpu.memref_slice %arg9[%dma_wait3A_149, %dma_wait3A_150] : memref<10112x144xf32, #tpu.memory_space<vmem_shared>> -> memref<10112x144xf32, #tpu.memory_space<vmem_shared>>
        tpu.wait_indirect_dma semaphore(%run_scoped3A_139 : memref<!tpu.dma_semaphore, #tpu.memory_space<semaphore_mem>>) src(%arg12 : memref<64x144xf32, #tpu.memory_space<vmem>>) dst(%dma_wait3A_151 : memref<10112x144xf32, #tpu.memory_space<vmem_shared>>)
        tpu.yield
      }) : () -> ()
      %run_scoped3A_33 = arith.constant 0 : i32
      "tpu.region"() ({
        %run_scoped3A_139 = tpu.sem_alloc : memref<!tpu.dma_semaphore, #tpu.memory_space<semaphore_mem>>
        %dma_start3A_140 = arith.constant 0 : i32
        %dma_start3A_141 = arith.constant 0 : i32
        %dma_start3A_142 = tpu.memref_slice %arg14[%dma_start3A_140, %dma_start3A_141] : memref<512x16xf32, #tpu.memory_space<vmem>> -> memref<64x16xf32, #tpu.memory_space<vmem>>
        %dma_start3A_143 = arith.constant 0 : i32
        %dma_start3A_144 = tpu.memref_slice %arg11[%run_scoped3A_33, %dma_start3A_143] : memref<2x512xi32, #tpu.memory_space<vmem>> -> memref<1x64xi32, #tpu.memory_space<vmem>>
        %dma_start3A_145 = tpu.memref_squeeze %dma_start3A_144 : memref<1x64xi32, #tpu.memory_space<vmem>> -> memref<64xi32, #tpu.memory_space<vmem>>
        %dma_start3A_146 = arith.constant 0 : i32
        %dma_start3A_147 = arith.constant 0 : i32
        %dma_start3A_148 = tpu.memref_slice %arg10[%dma_start3A_146, %dma_start3A_147] : memref<10112x16xf32, #tpu.memory_space<vmem_shared>> -> memref<10112x16xf32, #tpu.memory_space<vmem_shared>>
        tpu.enqueue_indirect_dma source(%dma_start3A_142 : memref<64x16xf32, #tpu.memory_space<vmem>>) target(%dma_start3A_148 : memref<10112x16xf32, #tpu.memory_space<vmem_shared>>) offsets(%dma_start3A_145 : memref<64xi32, #tpu.memory_space<vmem>>) semaphore(%run_scoped3A_139 : memref<!tpu.dma_semaphore, #tpu.memory_space<semaphore_mem>>) {add = true}
        %dma_wait3A_149 = arith.constant 0 : i32
        %dma_wait3A_150 = arith.constant 0 : i32
        %dma_wait3A_151 = tpu.memref_slice %arg14[%dma_wait3A_149, %dma_wait3A_150] : memref<512x16xf32, #tpu.memory_space<vmem>> -> memref<64x16xf32, #tpu.memory_space<vmem>>
        %dma_wait3A_152 = arith.constant 0 : i32
        %dma_wait3A_153 = tpu.memref_slice %arg11[%run_scoped3A_33, %dma_wait3A_152] : memref<2x512xi32, #tpu.memory_space<vmem>> -> memref<1x64xi32, #tpu.memory_space<vmem>>
        %dma_wait3A_154 = tpu.memref_squeeze %dma_wait3A_153 : memref<1x64xi32, #tpu.memory_space<vmem>> -> memref<64xi32, #tpu.memory_space<vmem>>
        %dma_wait3A_155 = arith.constant 0 : i32
        %dma_wait3A_156 = arith.constant 0 : i32
        %dma_wait3A_157 = tpu.memref_slice %arg10[%dma_wait3A_155, %dma_wait3A_156] : memref<10112x16xf32, #tpu.memory_space<vmem_shared>> -> memref<10112x16xf32, #tpu.memory_space<vmem_shared>>
        tpu.wait_indirect_dma semaphore(%run_scoped3A_139 : memref<!tpu.dma_semaphore, #tpu.memory_space<semaphore_mem>>) src(%dma_wait3A_151 : memref<64x16xf32, #tpu.memory_space<vmem>>) dst(%dma_wait3A_157 : memref<10112x16xf32, #tpu.memory_space<vmem_shared>>)
        tpu.yield
      }) : () -> ()
      %dma_wait3A_34 = arith.constant 1 : i32
      %dma_wait3A_35 = arith.constant 64 : i32
      %dma_wait3A_36 = tpu.memref_slice %arg11[%dma_wait3A_34, %dma_wait3A_35] : memref<2x512xi32, #tpu.memory_space<vmem>> -> memref<1x64xi32, #tpu.memory_space<vmem>>
      %dma_wait3A_37 = tpu.memref_squeeze %dma_wait3A_36 : memref<1x64xi32, #tpu.memory_space<vmem>> -> memref<64xi32, #tpu.memory_space<vmem>>
      %dma_wait3A_38 = arith.constant 0 : i32
      %dma_wait3A_39 = arith.constant 0 : i32
      %dma_wait3A_40 = tpu.memref_slice %arg2[%dma_wait3A_38, %dma_wait3A_39] : memref<10000x144xf32, #tpu.memory_space<hbm>> -> memref<10000x144xf32, #tpu.memory_space<hbm>>
      tpu.wait_indirect_dma semaphore(%arg16 : memref<!tpu.dma_semaphore, #tpu.memory_space<semaphore_mem>>) src(%dma_wait3A_40 : memref<10000x144xf32, #tpu.memory_space<hbm>>) dst(%arg13 : memref<64x144xf32, #tpu.memory_space<vmem>>)
      %dma_start3A_41 = arith.constant 1 : i32
      %dma_start3A_42 = arith.constant 128 : i32
      %dma_start3A_43 = tpu.memref_slice %arg11[%dma_start3A_41, %dma_start3A_42] : memref<2x512xi32, #tpu.memory_space<vmem>> -> memref<1x64xi32, #tpu.memory_space<vmem>>
      %dma_start3A_44 = tpu.memref_squeeze %dma_start3A_43 : memref<1x64xi32, #tpu.memory_space<vmem>> -> memref<64xi32, #tpu.memory_space<vmem>>
      %dma_start3A_45 = arith.constant 0 : i32
      %dma_start3A_46 = arith.constant 0 : i32
      %dma_start3A_47 = tpu.memref_slice %arg2[%dma_start3A_45, %dma_start3A_46] : memref<10000x144xf32, #tpu.memory_space<hbm>> -> memref<10000x144xf32, #tpu.memory_space<hbm>>
      tpu.enqueue_indirect_dma source(%dma_start3A_47 : memref<10000x144xf32, #tpu.memory_space<hbm>>) target(%arg12 : memref<64x144xf32, #tpu.memory_space<vmem>>) offsets(%dma_start3A_44 : memref<64xi32, #tpu.memory_space<vmem>>) semaphore(%arg15 : memref<!tpu.dma_semaphore, #tpu.memory_space<semaphore_mem>>)
      %run_scoped3A_48 = arith.constant 0 : i32
      "tpu.region"() ({
        %run_scoped3A_139 = tpu.sem_alloc : memref<!tpu.dma_semaphore, #tpu.memory_space<semaphore_mem>>
        %dma_start3A_140 = arith.constant 64 : i32
        %dma_start3A_141 = tpu.memref_slice %arg11[%run_scoped3A_48, %dma_start3A_140] : memref<2x512xi32, #tpu.memory_space<vmem>> -> memref<1x64xi32, #tpu.memory_space<vmem>>
        %dma_start3A_142 = tpu.memref_squeeze %dma_start3A_141 : memref<1x64xi32, #tpu.memory_space<vmem>> -> memref<64xi32, #tpu.memory_space<vmem>>
        %dma_start3A_143 = arith.constant 0 : i32
        %dma_start3A_144 = arith.constant 0 : i32
        %dma_start3A_145 = tpu.memref_slice %arg9[%dma_start3A_143, %dma_start3A_144] : memref<10112x144xf32, #tpu.memory_space<vmem_shared>> -> memref<10112x144xf32, #tpu.memory_space<vmem_shared>>
        tpu.enqueue_indirect_dma source(%arg13 : memref<64x144xf32, #tpu.memory_space<vmem>>) target(%dma_start3A_145 : memref<10112x144xf32, #tpu.memory_space<vmem_shared>>) offsets(%dma_start3A_142 : memref<64xi32, #tpu.memory_space<vmem>>) semaphore(%run_scoped3A_139 : memref<!tpu.dma_semaphore, #tpu.memory_space<semaphore_mem>>) {add = true}
        %dma_wait3A_146 = arith.constant 64 : i32
        %dma_wait3A_147 = tpu.memref_slice %arg11[%run_scoped3A_48, %dma_wait3A_146] : memref<2x512xi32, #tpu.memory_space<vmem>> -> memref<1x64xi32, #tpu.memory_space<vmem>>
        %dma_wait3A_148 = tpu.memref_squeeze %dma_wait3A_147 : memref<1x64xi32, #tpu.memory_space<vmem>> -> memref<64xi32, #tpu.memory_space<vmem>>
        %dma_wait3A_149 = arith.constant 0 : i32
        %dma_wait3A_150 = arith.constant 0 : i32
        %dma_wait3A_151 = tpu.memref_slice %arg9[%dma_wait3A_149, %dma_wait3A_150] : memref<10112x144xf32, #tpu.memory_space<vmem_shared>> -> memref<10112x144xf32, #tpu.memory_space<vmem_shared>>
        tpu.wait_indirect_dma semaphore(%run_scoped3A_139 : memref<!tpu.dma_semaphore, #tpu.memory_space<semaphore_mem>>) src(%arg13 : memref<64x144xf32, #tpu.memory_space<vmem>>) dst(%dma_wait3A_151 : memref<10112x144xf32, #tpu.memory_space<vmem_shared>>)
        tpu.yield
      }) : () -> ()
      %run_scoped3A_49 = arith.constant 0 : i32
      "tpu.region"() ({
        %run_scoped3A_139 = tpu.sem_alloc : memref<!tpu.dma_semaphore, #tpu.memory_space<semaphore_mem>>
        %dma_start3A_140 = arith.constant 64 : i32
        %dma_start3A_141 = arith.constant 0 : i32
        %dma_start3A_142 = tpu.memref_slice %arg14[%dma_start3A_140, %dma_start3A_141] : memref<512x16xf32, #tpu.memory_space<vmem>> -> memref<64x16xf32, #tpu.memory_space<vmem>>
        %dma_start3A_143 = arith.constant 64 : i32
        %dma_start3A_144 = tpu.memref_slice %arg11[%run_scoped3A_49, %dma_start3A_143] : memref<2x512xi32, #tpu.memory_space<vmem>> -> memref<1x64xi32, #tpu.memory_space<vmem>>
        %dma_start3A_145 = tpu.memref_squeeze %dma_start3A_144 : memref<1x64xi32, #tpu.memory_space<vmem>> -> memref<64xi32, #tpu.memory_space<vmem>>
        %dma_start3A_146 = arith.constant 0 : i32
        %dma_start3A_147 = arith.constant 0 : i32
        %dma_start3A_148 = tpu.memref_slice %arg10[%dma_start3A_146, %dma_start3A_147] : memref<10112x16xf32, #tpu.memory_space<vmem_shared>> -> memref<10112x16xf32, #tpu.memory_space<vmem_shared>>
        tpu.enqueue_indirect_dma source(%dma_start3A_142 : memref<64x16xf32, #tpu.memory_space<vmem>>) target(%dma_start3A_148 : memref<10112x16xf32, #tpu.memory_space<vmem_shared>>) offsets(%dma_start3A_145 : memref<64xi32, #tpu.memory_space<vmem>>) semaphore(%run_scoped3A_139 : memref<!tpu.dma_semaphore, #tpu.memory_space<semaphore_mem>>) {add = true}
        %dma_wait3A_149 = arith.constant 64 : i32
        %dma_wait3A_150 = arith.constant 0 : i32
        %dma_wait3A_151 = tpu.memref_slice %arg14[%dma_wait3A_149, %dma_wait3A_150] : memref<512x16xf32, #tpu.memory_space<vmem>> -> memref<64x16xf32, #tpu.memory_space<vmem>>
        %dma_wait3A_152 = arith.constant 64 : i32
        %dma_wait3A_153 = tpu.memref_slice %arg11[%run_scoped3A_49, %dma_wait3A_152] : memref<2x512xi32, #tpu.memory_space<vmem>> -> memref<1x64xi32, #tpu.memory_space<vmem>>
        %dma_wait3A_154 = tpu.memref_squeeze %dma_wait3A_153 : memref<1x64xi32, #tpu.memory_space<vmem>> -> memref<64xi32, #tpu.memory_space<vmem>>
        %dma_wait3A_155 = arith.constant 0 : i32
        %dma_wait3A_156 = arith.constant 0 : i32
        %dma_wait3A_157 = tpu.memref_slice %arg10[%dma_wait3A_155, %dma_wait3A_156] : memref<10112x16xf32, #tpu.memory_space<vmem_shared>> -> memref<10112x16xf32, #tpu.memory_space<vmem_shared>>
        tpu.wait_indirect_dma semaphore(%run_scoped3A_139 : memref<!tpu.dma_semaphore, #tpu.memory_space<semaphore_mem>>) src(%dma_wait3A_151 : memref<64x16xf32, #tpu.memory_space<vmem>>) dst(%dma_wait3A_157 : memref<10112x16xf32, #tpu.memory_space<vmem_shared>>)
        tpu.yield
      }) : () -> ()
      %dma_wait3A_50 = arith.constant 1 : i32
      %dma_wait3A_51 = arith.constant 128 : i32
      %dma_wait3A_52 = tpu.memref_slice %arg11[%dma_wait3A_50, %dma_wait3A_51] : memref<2x512xi32, #tpu.memory_space<vmem>> -> memref<1x64xi32, #tpu.memory_space<vmem>>
      %dma_wait3A_53 = tpu.memref_squeeze %dma_wait3A_52 : memref<1x64xi32, #tpu.memory_space<vmem>> -> memref<64xi32, #tpu.memory_space<vmem>>
      %dma_wait3A_54 = arith.constant 0 : i32
      %dma_wait3A_55 = arith.constant 0 : i32
      %dma_wait3A_56 = tpu.memref_slice %arg2[%dma_wait3A_54, %dma_wait3A_55] : memref<10000x144xf32, #tpu.memory_space<hbm>> -> memref<10000x144xf32, #tpu.memory_space<hbm>>
      tpu.wait_indirect_dma semaphore(%arg15 : memref<!tpu.dma_semaphore, #tpu.memory_space<semaphore_mem>>) src(%dma_wait3A_56 : memref<10000x144xf32, #tpu.memory_space<hbm>>) dst(%arg12 : memref<64x144xf32, #tpu.memory_space<vmem>>)
      %dma_start3A_57 = arith.constant 1 : i32
      %dma_start3A_58 = arith.constant 192 : i32
      %dma_start3A_59 = tpu.memref_slice %arg11[%dma_start3A_57, %dma_start3A_58] : memref<2x512xi32, #tpu.memory_space<vmem>> -> memref<1x64xi32, #tpu.memory_space<vmem>>
      %dma_start3A_60 = tpu.memref_squeeze %dma_start3A_59 : memref<1x64xi32, #tpu.memory_space<vmem>> -> memref<64xi32, #tpu.memory_space<vmem>>
      %dma_start3A_61 = arith.constant 0 : i32
      %dma_start3A_62 = arith.constant 0 : i32
      %dma_start3A_63 = tpu.memref_slice %arg2[%dma_start3A_61, %dma_start3A_62] : memref<10000x144xf32, #tpu.memory_space<hbm>> -> memref<10000x144xf32, #tpu.memory_space<hbm>>
      tpu.enqueue_indirect_dma source(%dma_start3A_63 : memref<10000x144xf32, #tpu.memory_space<hbm>>) target(%arg13 : memref<64x144xf32, #tpu.memory_space<vmem>>) offsets(%dma_start3A_60 : memref<64xi32, #tpu.memory_space<vmem>>) semaphore(%arg16 : memref<!tpu.dma_semaphore, #tpu.memory_space<semaphore_mem>>)
      %run_scoped3A_64 = arith.constant 0 : i32
      "tpu.region"() ({
        %run_scoped3A_139 = tpu.sem_alloc : memref<!tpu.dma_semaphore, #tpu.memory_space<semaphore_mem>>
        %dma_start3A_140 = arith.constant 128 : i32
        %dma_start3A_141 = tpu.memref_slice %arg11[%run_scoped3A_64, %dma_start3A_140] : memref<2x512xi32, #tpu.memory_space<vmem>> -> memref<1x64xi32, #tpu.memory_space<vmem>>
        %dma_start3A_142 = tpu.memref_squeeze %dma_start3A_141 : memref<1x64xi32, #tpu.memory_space<vmem>> -> memref<64xi32, #tpu.memory_space<vmem>>
        %dma_start3A_143 = arith.constant 0 : i32
        %dma_start3A_144 = arith.constant 0 : i32
        %dma_start3A_145 = tpu.memref_slice %arg9[%dma_start3A_143, %dma_start3A_144] : memref<10112x144xf32, #tpu.memory_space<vmem_shared>> -> memref<10112x144xf32, #tpu.memory_space<vmem_shared>>
        tpu.enqueue_indirect_dma source(%arg12 : memref<64x144xf32, #tpu.memory_space<vmem>>) target(%dma_start3A_145 : memref<10112x144xf32, #tpu.memory_space<vmem_shared>>) offsets(%dma_start3A_142 : memref<64xi32, #tpu.memory_space<vmem>>) semaphore(%run_scoped3A_139 : memref<!tpu.dma_semaphore, #tpu.memory_space<semaphore_mem>>) {add = true}
        %dma_wait3A_146 = arith.constant 128 : i32
        %dma_wait3A_147 = tpu.memref_slice %arg11[%run_scoped3A_64, %dma_wait3A_146] : memref<2x512xi32, #tpu.memory_space<vmem>> -> memref<1x64xi32, #tpu.memory_space<vmem>>
        %dma_wait3A_148 = tpu.memref_squeeze %dma_wait3A_147 : memref<1x64xi32, #tpu.memory_space<vmem>> -> memref<64xi32, #tpu.memory_space<vmem>>
        %dma_wait3A_149 = arith.constant 0 : i32
        %dma_wait3A_150 = arith.constant 0 : i32
        %dma_wait3A_151 = tpu.memref_slice %arg9[%dma_wait3A_149, %dma_wait3A_150] : memref<10112x144xf32, #tpu.memory_space<vmem_shared>> -> memref<10112x144xf32, #tpu.memory_space<vmem_shared>>
        tpu.wait_indirect_dma semaphore(%run_scoped3A_139 : memref<!tpu.dma_semaphore, #tpu.memory_space<semaphore_mem>>) src(%arg12 : memref<64x144xf32, #tpu.memory_space<vmem>>) dst(%dma_wait3A_151 : memref<10112x144xf32, #tpu.memory_space<vmem_shared>>)
        tpu.yield
      }) : () -> ()
      %run_scoped3A_65 = arith.constant 0 : i32
      "tpu.region"() ({
        %run_scoped3A_139 = tpu.sem_alloc : memref<!tpu.dma_semaphore, #tpu.memory_space<semaphore_mem>>
        %dma_start3A_140 = arith.constant 128 : i32
        %dma_start3A_141 = arith.constant 0 : i32
        %dma_start3A_142 = tpu.memref_slice %arg14[%dma_start3A_140, %dma_start3A_141] : memref<512x16xf32, #tpu.memory_space<vmem>> -> memref<64x16xf32, #tpu.memory_space<vmem>>
        %dma_start3A_143 = arith.constant 128 : i32
        %dma_start3A_144 = tpu.memref_slice %arg11[%run_scoped3A_65, %dma_start3A_143] : memref<2x512xi32, #tpu.memory_space<vmem>> -> memref<1x64xi32, #tpu.memory_space<vmem>>
        %dma_start3A_145 = tpu.memref_squeeze %dma_start3A_144 : memref<1x64xi32, #tpu.memory_space<vmem>> -> memref<64xi32, #tpu.memory_space<vmem>>
        %dma_start3A_146 = arith.constant 0 : i32
        %dma_start3A_147 = arith.constant 0 : i32
        %dma_start3A_148 = tpu.memref_slice %arg10[%dma_start3A_146, %dma_start3A_147] : memref<10112x16xf32, #tpu.memory_space<vmem_shared>> -> memref<10112x16xf32, #tpu.memory_space<vmem_shared>>
        tpu.enqueue_indirect_dma source(%dma_start3A_142 : memref<64x16xf32, #tpu.memory_space<vmem>>) target(%dma_start3A_148 : memref<10112x16xf32, #tpu.memory_space<vmem_shared>>) offsets(%dma_start3A_145 : memref<64xi32, #tpu.memory_space<vmem>>) semaphore(%run_scoped3A_139 : memref<!tpu.dma_semaphore, #tpu.memory_space<semaphore_mem>>) {add = true}
        %dma_wait3A_149 = arith.constant 128 : i32
        %dma_wait3A_150 = arith.constant 0 : i32
        %dma_wait3A_151 = tpu.memref_slice %arg14[%dma_wait3A_149, %dma_wait3A_150] : memref<512x16xf32, #tpu.memory_space<vmem>> -> memref<64x16xf32, #tpu.memory_space<vmem>>
        %dma_wait3A_152 = arith.constant 128 : i32
        %dma_wait3A_153 = tpu.memref_slice %arg11[%run_scoped3A_65, %dma_wait3A_152] : memref<2x512xi32, #tpu.memory_space<vmem>> -> memref<1x64xi32, #tpu.memory_space<vmem>>
        %dma_wait3A_154 = tpu.memref_squeeze %dma_wait3A_153 : memref<1x64xi32, #tpu.memory_space<vmem>> -> memref<64xi32, #tpu.memory_space<vmem>>
        %dma_wait3A_155 = arith.constant 0 : i32
        %dma_wait3A_156 = arith.constant 0 : i32
        %dma_wait3A_157 = tpu.memref_slice %arg10[%dma_wait3A_155, %dma_wait3A_156] : memref<10112x16xf32, #tpu.memory_space<vmem_shared>> -> memref<10112x16xf32, #tpu.memory_space<vmem_shared>>
        tpu.wait_indirect_dma semaphore(%run_scoped3A_139 : memref<!tpu.dma_semaphore, #tpu.memory_space<semaphore_mem>>) src(%dma_wait3A_151 : memref<64x16xf32, #tpu.memory_space<vmem>>) dst(%dma_wait3A_157 : memref<10112x16xf32, #tpu.memory_space<vmem_shared>>)
        tpu.yield
      }) : () -> ()
      %dma_wait3A_66 = arith.constant 1 : i32
      %dma_wait3A_67 = arith.constant 192 : i32
      %dma_wait3A_68 = tpu.memref_slice %arg11[%dma_wait3A_66, %dma_wait3A_67] : memref<2x512xi32, #tpu.memory_space<vmem>> -> memref<1x64xi32, #tpu.memory_space<vmem>>
      %dma_wait3A_69 = tpu.memref_squeeze %dma_wait3A_68 : memref<1x64xi32, #tpu.memory_space<vmem>> -> memref<64xi32, #tpu.memory_space<vmem>>
      %dma_wait3A_70 = arith.constant 0 : i32
      %dma_wait3A_71 = arith.constant 0 : i32
      %dma_wait3A_72 = tpu.memref_slice %arg2[%dma_wait3A_70, %dma_wait3A_71] : memref<10000x144xf32, #tpu.memory_space<hbm>> -> memref<10000x144xf32, #tpu.memory_space<hbm>>
      tpu.wait_indirect_dma semaphore(%arg16 : memref<!tpu.dma_semaphore, #tpu.memory_space<semaphore_mem>>) src(%dma_wait3A_72 : memref<10000x144xf32, #tpu.memory_space<hbm>>) dst(%arg13 : memref<64x144xf32, #tpu.memory_space<vmem>>)
      %dma_start3A_73 = arith.constant 1 : i32
      %dma_start3A_74 = arith.constant 256 : i32
      %dma_start3A_75 = tpu.memref_slice %arg11[%dma_start3A_73, %dma_start3A_74] : memref<2x512xi32, #tpu.memory_space<vmem>> -> memref<1x64xi32, #tpu.memory_space<vmem>>
      %dma_start3A_76 = tpu.memref_squeeze %dma_start3A_75 : memref<1x64xi32, #tpu.memory_space<vmem>> -> memref<64xi32, #tpu.memory_space<vmem>>
      %dma_start3A_77 = arith.constant 0 : i32
      %dma_start3A_78 = arith.constant 0 : i32
      %dma_start3A_79 = tpu.memref_slice %arg2[%dma_start3A_77, %dma_start3A_78] : memref<10000x144xf32, #tpu.memory_space<hbm>> -> memref<10000x144xf32, #tpu.memory_space<hbm>>
      tpu.enqueue_indirect_dma source(%dma_start3A_79 : memref<10000x144xf32, #tpu.memory_space<hbm>>) target(%arg12 : memref<64x144xf32, #tpu.memory_space<vmem>>) offsets(%dma_start3A_76 : memref<64xi32, #tpu.memory_space<vmem>>) semaphore(%arg15 : memref<!tpu.dma_semaphore, #tpu.memory_space<semaphore_mem>>)
      %run_scoped3A_80 = arith.constant 0 : i32
      "tpu.region"() ({
        %run_scoped3A_139 = tpu.sem_alloc : memref<!tpu.dma_semaphore, #tpu.memory_space<semaphore_mem>>
        %dma_start3A_140 = arith.constant 192 : i32
        %dma_start3A_141 = tpu.memref_slice %arg11[%run_scoped3A_80, %dma_start3A_140] : memref<2x512xi32, #tpu.memory_space<vmem>> -> memref<1x64xi32, #tpu.memory_space<vmem>>
        %dma_start3A_142 = tpu.memref_squeeze %dma_start3A_141 : memref<1x64xi32, #tpu.memory_space<vmem>> -> memref<64xi32, #tpu.memory_space<vmem>>
        %dma_start3A_143 = arith.constant 0 : i32
        %dma_start3A_144 = arith.constant 0 : i32
        %dma_start3A_145 = tpu.memref_slice %arg9[%dma_start3A_143, %dma_start3A_144] : memref<10112x144xf32, #tpu.memory_space<vmem_shared>> -> memref<10112x144xf32, #tpu.memory_space<vmem_shared>>
        tpu.enqueue_indirect_dma source(%arg13 : memref<64x144xf32, #tpu.memory_space<vmem>>) target(%dma_start3A_145 : memref<10112x144xf32, #tpu.memory_space<vmem_shared>>) offsets(%dma_start3A_142 : memref<64xi32, #tpu.memory_space<vmem>>) semaphore(%run_scoped3A_139 : memref<!tpu.dma_semaphore, #tpu.memory_space<semaphore_mem>>) {add = true}
        %dma_wait3A_146 = arith.constant 192 : i32
        %dma_wait3A_147 = tpu.memref_slice %arg11[%run_scoped3A_80, %dma_wait3A_146] : memref<2x512xi32, #tpu.memory_space<vmem>> -> memref<1x64xi32, #tpu.memory_space<vmem>>
        %dma_wait3A_148 = tpu.memref_squeeze %dma_wait3A_147 : memref<1x64xi32, #tpu.memory_space<vmem>> -> memref<64xi32, #tpu.memory_space<vmem>>
        %dma_wait3A_149 = arith.constant 0 : i32
        %dma_wait3A_150 = arith.constant 0 : i32
        %dma_wait3A_151 = tpu.memref_slice %arg9[%dma_wait3A_149, %dma_wait3A_150] : memref<10112x144xf32, #tpu.memory_space<vmem_shared>> -> memref<10112x144xf32, #tpu.memory_space<vmem_shared>>
        tpu.wait_indirect_dma semaphore(%run_scoped3A_139 : memref<!tpu.dma_semaphore, #tpu.memory_space<semaphore_mem>>) src(%arg13 : memref<64x144xf32, #tpu.memory_space<vmem>>) dst(%dma_wait3A_151 : memref<10112x144xf32, #tpu.memory_space<vmem_shared>>)
        tpu.yield
      }) : () -> ()
      %run_scoped3A_81 = arith.constant 0 : i32
      "tpu.region"() ({
        %run_scoped3A_139 = tpu.sem_alloc : memref<!tpu.dma_semaphore, #tpu.memory_space<semaphore_mem>>
        %dma_start3A_140 = arith.constant 192 : i32
        %dma_start3A_141 = arith.constant 0 : i32
        %dma_start3A_142 = tpu.memref_slice %arg14[%dma_start3A_140, %dma_start3A_141] : memref<512x16xf32, #tpu.memory_space<vmem>> -> memref<64x16xf32, #tpu.memory_space<vmem>>
        %dma_start3A_143 = arith.constant 192 : i32
        %dma_start3A_144 = tpu.memref_slice %arg11[%run_scoped3A_81, %dma_start3A_143] : memref<2x512xi32, #tpu.memory_space<vmem>> -> memref<1x64xi32, #tpu.memory_space<vmem>>
        %dma_start3A_145 = tpu.memref_squeeze %dma_start3A_144 : memref<1x64xi32, #tpu.memory_space<vmem>> -> memref<64xi32, #tpu.memory_space<vmem>>
        %dma_start3A_146 = arith.constant 0 : i32
        %dma_start3A_147 = arith.constant 0 : i32
        %dma_start3A_148 = tpu.memref_slice %arg10[%dma_start3A_146, %dma_start3A_147] : memref<10112x16xf32, #tpu.memory_space<vmem_shared>> -> memref<10112x16xf32, #tpu.memory_space<vmem_shared>>
        tpu.enqueue_indirect_dma source(%dma_start3A_142 : memref<64x16xf32, #tpu.memory_space<vmem>>) target(%dma_start3A_148 : memref<10112x16xf32, #tpu.memory_space<vmem_shared>>) offsets(%dma_start3A_145 : memref<64xi32, #tpu.memory_space<vmem>>) semaphore(%run_scoped3A_139 : memref<!tpu.dma_semaphore, #tpu.memory_space<semaphore_mem>>) {add = true}
        %dma_wait3A_149 = arith.constant 192 : i32
        %dma_wait3A_150 = arith.constant 0 : i32
        %dma_wait3A_151 = tpu.memref_slice %arg14[%dma_wait3A_149, %dma_wait3A_150] : memref<512x16xf32, #tpu.memory_space<vmem>> -> memref<64x16xf32, #tpu.memory_space<vmem>>
        %dma_wait3A_152 = arith.constant 192 : i32
        %dma_wait3A_153 = tpu.memref_slice %arg11[%run_scoped3A_81, %dma_wait3A_152] : memref<2x512xi32, #tpu.memory_space<vmem>> -> memref<1x64xi32, #tpu.memory_space<vmem>>
        %dma_wait3A_154 = tpu.memref_squeeze %dma_wait3A_153 : memref<1x64xi32, #tpu.memory_space<vmem>> -> memref<64xi32, #tpu.memory_space<vmem>>
        %dma_wait3A_155 = arith.constant 0 : i32
        %dma_wait3A_156 = arith.constant 0 : i32
        %dma_wait3A_157 = tpu.memref_slice %arg10[%dma_wait3A_155, %dma_wait3A_156] : memref<10112x16xf32, #tpu.memory_space<vmem_shared>> -> memref<10112x16xf32, #tpu.memory_space<vmem_shared>>
        tpu.wait_indirect_dma semaphore(%run_scoped3A_139 : memref<!tpu.dma_semaphore, #tpu.memory_space<semaphore_mem>>) src(%dma_wait3A_151 : memref<64x16xf32, #tpu.memory_space<vmem>>) dst(%dma_wait3A_157 : memref<10112x16xf32, #tpu.memory_space<vmem_shared>>)
        tpu.yield
      }) : () -> ()
      %dma_wait3A_82 = arith.constant 1 : i32
      %dma_wait3A_83 = arith.constant 256 : i32
      %dma_wait3A_84 = tpu.memref_slice %arg11[%dma_wait3A_82, %dma_wait3A_83] : memref<2x512xi32, #tpu.memory_space<vmem>> -> memref<1x64xi32, #tpu.memory_space<vmem>>
      %dma_wait3A_85 = tpu.memref_squeeze %dma_wait3A_84 : memref<1x64xi32, #tpu.memory_space<vmem>> -> memref<64xi32, #tpu.memory_space<vmem>>
      %dma_wait3A_86 = arith.constant 0 : i32
      %dma_wait3A_87 = arith.constant 0 : i32
      %dma_wait3A_88 = tpu.memref_slice %arg2[%dma_wait3A_86, %dma_wait3A_87] : memref<10000x144xf32, #tpu.memory_space<hbm>> -> memref<10000x144xf32, #tpu.memory_space<hbm>>
      tpu.wait_indirect_dma semaphore(%arg15 : memref<!tpu.dma_semaphore, #tpu.memory_space<semaphore_mem>>) src(%dma_wait3A_88 : memref<10000x144xf32, #tpu.memory_space<hbm>>) dst(%arg12 : memref<64x144xf32, #tpu.memory_space<vmem>>)
      %dma_start3A_89 = arith.constant 1 : i32
      %dma_start3A_90 = arith.constant 320 : i32
      %dma_start3A_91 = tpu.memref_slice %arg11[%dma_start3A_89, %dma_start3A_90] : memref<2x512xi32, #tpu.memory_space<vmem>> -> memref<1x64xi32, #tpu.memory_space<vmem>>
      %dma_start3A_92 = tpu.memref_squeeze %dma_start3A_91 : memref<1x64xi32, #tpu.memory_space<vmem>> -> memref<64xi32, #tpu.memory_space<vmem>>
      %dma_start3A_93 = arith.constant 0 : i32
      %dma_start3A_94 = arith.constant 0 : i32
      %dma_start3A_95 = tpu.memref_slice %arg2[%dma_start3A_93, %dma_start3A_94] : memref<10000x144xf32, #tpu.memory_space<hbm>> -> memref<10000x144xf32, #tpu.memory_space<hbm>>
      tpu.enqueue_indirect_dma source(%dma_start3A_95 : memref<10000x144xf32, #tpu.memory_space<hbm>>) target(%arg13 : memref<64x144xf32, #tpu.memory_space<vmem>>) offsets(%dma_start3A_92 : memref<64xi32, #tpu.memory_space<vmem>>) semaphore(%arg16 : memref<!tpu.dma_semaphore, #tpu.memory_space<semaphore_mem>>)
      %run_scoped3A_96 = arith.constant 0 : i32
      "tpu.region"() ({
        %run_scoped3A_139 = tpu.sem_alloc : memref<!tpu.dma_semaphore, #tpu.memory_space<semaphore_mem>>
        %dma_start3A_140 = arith.constant 256 : i32
        %dma_start3A_141 = tpu.memref_slice %arg11[%run_scoped3A_96, %dma_start3A_140] : memref<2x512xi32, #tpu.memory_space<vmem>> -> memref<1x64xi32, #tpu.memory_space<vmem>>
        %dma_start3A_142 = tpu.memref_squeeze %dma_start3A_141 : memref<1x64xi32, #tpu.memory_space<vmem>> -> memref<64xi32, #tpu.memory_space<vmem>>
        %dma_start3A_143 = arith.constant 0 : i32
        %dma_start3A_144 = arith.constant 0 : i32
        %dma_start3A_145 = tpu.memref_slice %arg9[%dma_start3A_143, %dma_start3A_144] : memref<10112x144xf32, #tpu.memory_space<vmem_shared>> -> memref<10112x144xf32, #tpu.memory_space<vmem_shared>>
        tpu.enqueue_indirect_dma source(%arg12 : memref<64x144xf32, #tpu.memory_space<vmem>>) target(%dma_start3A_145 : memref<10112x144xf32, #tpu.memory_space<vmem_shared>>) offsets(%dma_start3A_142 : memref<64xi32, #tpu.memory_space<vmem>>) semaphore(%run_scoped3A_139 : memref<!tpu.dma_semaphore, #tpu.memory_space<semaphore_mem>>) {add = true}
        %dma_wait3A_146 = arith.constant 256 : i32
        %dma_wait3A_147 = tpu.memref_slice %arg11[%run_scoped3A_96, %dma_wait3A_146] : memref<2x512xi32, #tpu.memory_space<vmem>> -> memref<1x64xi32, #tpu.memory_space<vmem>>
        %dma_wait3A_148 = tpu.memref_squeeze %dma_wait3A_147 : memref<1x64xi32, #tpu.memory_space<vmem>> -> memref<64xi32, #tpu.memory_space<vmem>>
        %dma_wait3A_149 = arith.constant 0 : i32
        %dma_wait3A_150 = arith.constant 0 : i32
        %dma_wait3A_151 = tpu.memref_slice %arg9[%dma_wait3A_149, %dma_wait3A_150] : memref<10112x144xf32, #tpu.memory_space<vmem_shared>> -> memref<10112x144xf32, #tpu.memory_space<vmem_shared>>
        tpu.wait_indirect_dma semaphore(%run_scoped3A_139 : memref<!tpu.dma_semaphore, #tpu.memory_space<semaphore_mem>>) src(%arg12 : memref<64x144xf32, #tpu.memory_space<vmem>>) dst(%dma_wait3A_151 : memref<10112x144xf32, #tpu.memory_space<vmem_shared>>)
        tpu.yield
      }) : () -> ()
      %run_scoped3A_97 = arith.constant 0 : i32
      "tpu.region"() ({
        %run_scoped3A_139 = tpu.sem_alloc : memref<!tpu.dma_semaphore, #tpu.memory_space<semaphore_mem>>
        %dma_start3A_140 = arith.constant 256 : i32
        %dma_start3A_141 = arith.constant 0 : i32
        %dma_start3A_142 = tpu.memref_slice %arg14[%dma_start3A_140, %dma_start3A_141] : memref<512x16xf32, #tpu.memory_space<vmem>> -> memref<64x16xf32, #tpu.memory_space<vmem>>
        %dma_start3A_143 = arith.constant 256 : i32
        %dma_start3A_144 = tpu.memref_slice %arg11[%run_scoped3A_97, %dma_start3A_143] : memref<2x512xi32, #tpu.memory_space<vmem>> -> memref<1x64xi32, #tpu.memory_space<vmem>>
        %dma_start3A_145 = tpu.memref_squeeze %dma_start3A_144 : memref<1x64xi32, #tpu.memory_space<vmem>> -> memref<64xi32, #tpu.memory_space<vmem>>
        %dma_start3A_146 = arith.constant 0 : i32
        %dma_start3A_147 = arith.constant 0 : i32
        %dma_start3A_148 = tpu.memref_slice %arg10[%dma_start3A_146, %dma_start3A_147] : memref<10112x16xf32, #tpu.memory_space<vmem_shared>> -> memref<10112x16xf32, #tpu.memory_space<vmem_shared>>
        tpu.enqueue_indirect_dma source(%dma_start3A_142 : memref<64x16xf32, #tpu.memory_space<vmem>>) target(%dma_start3A_148 : memref<10112x16xf32, #tpu.memory_space<vmem_shared>>) offsets(%dma_start3A_145 : memref<64xi32, #tpu.memory_space<vmem>>) semaphore(%run_scoped3A_139 : memref<!tpu.dma_semaphore, #tpu.memory_space<semaphore_mem>>) {add = true}
        %dma_wait3A_149 = arith.constant 256 : i32
        %dma_wait3A_150 = arith.constant 0 : i32
        %dma_wait3A_151 = tpu.memref_slice %arg14[%dma_wait3A_149, %dma_wait3A_150] : memref<512x16xf32, #tpu.memory_space<vmem>> -> memref<64x16xf32, #tpu.memory_space<vmem>>
        %dma_wait3A_152 = arith.constant 256 : i32
        %dma_wait3A_153 = tpu.memref_slice %arg11[%run_scoped3A_97, %dma_wait3A_152] : memref<2x512xi32, #tpu.memory_space<vmem>> -> memref<1x64xi32, #tpu.memory_space<vmem>>
        %dma_wait3A_154 = tpu.memref_squeeze %dma_wait3A_153 : memref<1x64xi32, #tpu.memory_space<vmem>> -> memref<64xi32, #tpu.memory_space<vmem>>
        %dma_wait3A_155 = arith.constant 0 : i32
        %dma_wait3A_156 = arith.constant 0 : i32
        %dma_wait3A_157 = tpu.memref_slice %arg10[%dma_wait3A_155, %dma_wait3A_156] : memref<10112x16xf32, #tpu.memory_space<vmem_shared>> -> memref<10112x16xf32, #tpu.memory_space<vmem_shared>>
        tpu.wait_indirect_dma semaphore(%run_scoped3A_139 : memref<!tpu.dma_semaphore, #tpu.memory_space<semaphore_mem>>) src(%dma_wait3A_151 : memref<64x16xf32, #tpu.memory_space<vmem>>) dst(%dma_wait3A_157 : memref<10112x16xf32, #tpu.memory_space<vmem_shared>>)
        tpu.yield
      }) : () -> ()
      %dma_wait3A_98 = arith.constant 1 : i32
      %dma_wait3A_99 = arith.constant 320 : i32
      %dma_wait3A_100 = tpu.memref_slice %arg11[%dma_wait3A_98, %dma_wait3A_99] : memref<2x512xi32, #tpu.memory_space<vmem>> -> memref<1x64xi32, #tpu.memory_space<vmem>>
      %dma_wait3A_101 = tpu.memref_squeeze %dma_wait3A_100 : memref<1x64xi32, #tpu.memory_space<vmem>> -> memref<64xi32, #tpu.memory_space<vmem>>
      %dma_wait3A_102 = arith.constant 0 : i32
      %dma_wait3A_103 = arith.constant 0 : i32
      %dma_wait3A_104 = tpu.memref_slice %arg2[%dma_wait3A_102, %dma_wait3A_103] : memref<10000x144xf32, #tpu.memory_space<hbm>> -> memref<10000x144xf32, #tpu.memory_space<hbm>>
      tpu.wait_indirect_dma semaphore(%arg16 : memref<!tpu.dma_semaphore, #tpu.memory_space<semaphore_mem>>) src(%dma_wait3A_104 : memref<10000x144xf32, #tpu.memory_space<hbm>>) dst(%arg13 : memref<64x144xf32, #tpu.memory_space<vmem>>)
      %dma_start3A_105 = arith.constant 1 : i32
      %dma_start3A_106 = arith.constant 384 : i32
      %dma_start3A_107 = tpu.memref_slice %arg11[%dma_start3A_105, %dma_start3A_106] : memref<2x512xi32, #tpu.memory_space<vmem>> -> memref<1x64xi32, #tpu.memory_space<vmem>>
      %dma_start3A_108 = tpu.memref_squeeze %dma_start3A_107 : memref<1x64xi32, #tpu.memory_space<vmem>> -> memref<64xi32, #tpu.memory_space<vmem>>
      %dma_start3A_109 = arith.constant 0 : i32
      %dma_start3A_110 = arith.constant 0 : i32
      %dma_start3A_111 = tpu.memref_slice %arg2[%dma_start3A_109, %dma_start3A_110] : memref<10000x144xf32, #tpu.memory_space<hbm>> -> memref<10000x144xf32, #tpu.memory_space<hbm>>
      tpu.enqueue_indirect_dma source(%dma_start3A_111 : memref<10000x144xf32, #tpu.memory_space<hbm>>) target(%arg12 : memref<64x144xf32, #tpu.memory_space<vmem>>) offsets(%dma_start3A_108 : memref<64xi32, #tpu.memory_space<vmem>>) semaphore(%arg15 : memref<!tpu.dma_semaphore, #tpu.memory_space<semaphore_mem>>)
      %run_scoped3A_112 = arith.constant 0 : i32
      "tpu.region"() ({
        %run_scoped3A_139 = tpu.sem_alloc : memref<!tpu.dma_semaphore, #tpu.memory_space<semaphore_mem>>
        %dma_start3A_140 = arith.constant 320 : i32
        %dma_start3A_141 = tpu.memref_slice %arg11[%run_scoped3A_112, %dma_start3A_140] : memref<2x512xi32, #tpu.memory_space<vmem>> -> memref<1x64xi32, #tpu.memory_space<vmem>>
        %dma_start3A_142 = tpu.memref_squeeze %dma_start3A_141 : memref<1x64xi32, #tpu.memory_space<vmem>> -> memref<64xi32, #tpu.memory_space<vmem>>
        %dma_start3A_143 = arith.constant 0 : i32
        %dma_start3A_144 = arith.constant 0 : i32
        %dma_start3A_145 = tpu.memref_slice %arg9[%dma_start3A_143, %dma_start3A_144] : memref<10112x144xf32, #tpu.memory_space<vmem_shared>> -> memref<10112x144xf32, #tpu.memory_space<vmem_shared>>
        tpu.enqueue_indirect_dma source(%arg13 : memref<64x144xf32, #tpu.memory_space<vmem>>) target(%dma_start3A_145 : memref<10112x144xf32, #tpu.memory_space<vmem_shared>>) offsets(%dma_start3A_142 : memref<64xi32, #tpu.memory_space<vmem>>) semaphore(%run_scoped3A_139 : memref<!tpu.dma_semaphore, #tpu.memory_space<semaphore_mem>>) {add = true}
        %dma_wait3A_146 = arith.constant 320 : i32
        %dma_wait3A_147 = tpu.memref_slice %arg11[%run_scoped3A_112, %dma_wait3A_146] : memref<2x512xi32, #tpu.memory_space<vmem>> -> memref<1x64xi32, #tpu.memory_space<vmem>>
        %dma_wait3A_148 = tpu.memref_squeeze %dma_wait3A_147 : memref<1x64xi32, #tpu.memory_space<vmem>> -> memref<64xi32, #tpu.memory_space<vmem>>
        %dma_wait3A_149 = arith.constant 0 : i32
        %dma_wait3A_150 = arith.constant 0 : i32
        %dma_wait3A_151 = tpu.memref_slice %arg9[%dma_wait3A_149, %dma_wait3A_150] : memref<10112x144xf32, #tpu.memory_space<vmem_shared>> -> memref<10112x144xf32, #tpu.memory_space<vmem_shared>>
        tpu.wait_indirect_dma semaphore(%run_scoped3A_139 : memref<!tpu.dma_semaphore, #tpu.memory_space<semaphore_mem>>) src(%arg13 : memref<64x144xf32, #tpu.memory_space<vmem>>) dst(%dma_wait3A_151 : memref<10112x144xf32, #tpu.memory_space<vmem_shared>>)
        tpu.yield
      }) : () -> ()
      %run_scoped3A_113 = arith.constant 0 : i32
      "tpu.region"() ({
        %run_scoped3A_139 = tpu.sem_alloc : memref<!tpu.dma_semaphore, #tpu.memory_space<semaphore_mem>>
        %dma_start3A_140 = arith.constant 320 : i32
        %dma_start3A_141 = arith.constant 0 : i32
        %dma_start3A_142 = tpu.memref_slice %arg14[%dma_start3A_140, %dma_start3A_141] : memref<512x16xf32, #tpu.memory_space<vmem>> -> memref<64x16xf32, #tpu.memory_space<vmem>>
        %dma_start3A_143 = arith.constant 320 : i32
        %dma_start3A_144 = tpu.memref_slice %arg11[%run_scoped3A_113, %dma_start3A_143] : memref<2x512xi32, #tpu.memory_space<vmem>> -> memref<1x64xi32, #tpu.memory_space<vmem>>
        %dma_start3A_145 = tpu.memref_squeeze %dma_start3A_144 : memref<1x64xi32, #tpu.memory_space<vmem>> -> memref<64xi32, #tpu.memory_space<vmem>>
        %dma_start3A_146 = arith.constant 0 : i32
        %dma_start3A_147 = arith.constant 0 : i32
        %dma_start3A_148 = tpu.memref_slice %arg10[%dma_start3A_146, %dma_start3A_147] : memref<10112x16xf32, #tpu.memory_space<vmem_shared>> -> memref<10112x16xf32, #tpu.memory_space<vmem_shared>>
        tpu.enqueue_indirect_dma source(%dma_start3A_142 : memref<64x16xf32, #tpu.memory_space<vmem>>) target(%dma_start3A_148 : memref<10112x16xf32, #tpu.memory_space<vmem_shared>>) offsets(%dma_start3A_145 : memref<64xi32, #tpu.memory_space<vmem>>) semaphore(%run_scoped3A_139 : memref<!tpu.dma_semaphore, #tpu.memory_space<semaphore_mem>>) {add = true}
        %dma_wait3A_149 = arith.constant 320 : i32
        %dma_wait3A_150 = arith.constant 0 : i32
        %dma_wait3A_151 = tpu.memref_slice %arg14[%dma_wait3A_149, %dma_wait3A_150] : memref<512x16xf32, #tpu.memory_space<vmem>> -> memref<64x16xf32, #tpu.memory_space<vmem>>
        %dma_wait3A_152 = arith.constant 320 : i32
        %dma_wait3A_153 = tpu.memref_slice %arg11[%run_scoped3A_113, %dma_wait3A_152] : memref<2x512xi32, #tpu.memory_space<vmem>> -> memref<1x64xi32, #tpu.memory_space<vmem>>
        %dma_wait3A_154 = tpu.memref_squeeze %dma_wait3A_153 : memref<1x64xi32, #tpu.memory_space<vmem>> -> memref<64xi32, #tpu.memory_space<vmem>>
        %dma_wait3A_155 = arith.constant 0 : i32
        %dma_wait3A_156 = arith.constant 0 : i32
        %dma_wait3A_157 = tpu.memref_slice %arg10[%dma_wait3A_155, %dma_wait3A_156] : memref<10112x16xf32, #tpu.memory_space<vmem_shared>> -> memref<10112x16xf32, #tpu.memory_space<vmem_shared>>
        tpu.wait_indirect_dma semaphore(%run_scoped3A_139 : memref<!tpu.dma_semaphore, #tpu.memory_space<semaphore_mem>>) src(%dma_wait3A_151 : memref<64x16xf32, #tpu.memory_space<vmem>>) dst(%dma_wait3A_157 : memref<10112x16xf32, #tpu.memory_space<vmem_shared>>)
        tpu.yield
      }) : () -> ()
      %dma_wait3A_114 = arith.constant 1 : i32
      %dma_wait3A_115 = arith.constant 384 : i32
      %dma_wait3A_116 = tpu.memref_slice %arg11[%dma_wait3A_114, %dma_wait3A_115] : memref<2x512xi32, #tpu.memory_space<vmem>> -> memref<1x64xi32, #tpu.memory_space<vmem>>
      %dma_wait3A_117 = tpu.memref_squeeze %dma_wait3A_116 : memref<1x64xi32, #tpu.memory_space<vmem>> -> memref<64xi32, #tpu.memory_space<vmem>>
      %dma_wait3A_118 = arith.constant 0 : i32
      %dma_wait3A_119 = arith.constant 0 : i32
      %dma_wait3A_120 = tpu.memref_slice %arg2[%dma_wait3A_118, %dma_wait3A_119] : memref<10000x144xf32, #tpu.memory_space<hbm>> -> memref<10000x144xf32, #tpu.memory_space<hbm>>
      tpu.wait_indirect_dma semaphore(%arg15 : memref<!tpu.dma_semaphore, #tpu.memory_space<semaphore_mem>>) src(%dma_wait3A_120 : memref<10000x144xf32, #tpu.memory_space<hbm>>) dst(%arg12 : memref<64x144xf32, #tpu.memory_space<vmem>>)
      %dma_start3A_121 = arith.constant 1 : i32
      %dma_start3A_122 = arith.constant 448 : i32
      %dma_start3A_123 = tpu.memref_slice %arg11[%dma_start3A_121, %dma_start3A_122] : memref<2x512xi32, #tpu.memory_space<vmem>> -> memref<1x64xi32, #tpu.memory_space<vmem>>
      %dma_start3A_124 = tpu.memref_squeeze %dma_start3A_123 : memref<1x64xi32, #tpu.memory_space<vmem>> -> memref<64xi32, #tpu.memory_space<vmem>>
      %dma_start3A_125 = arith.constant 0 : i32
      %dma_start3A_126 = arith.constant 0 : i32
      %dma_start3A_127 = tpu.memref_slice %arg2[%dma_start3A_125, %dma_start3A_126] : memref<10000x144xf32, #tpu.memory_space<hbm>> -> memref<10000x144xf32, #tpu.memory_space<hbm>>
      tpu.enqueue_indirect_dma source(%dma_start3A_127 : memref<10000x144xf32, #tpu.memory_space<hbm>>) target(%arg13 : memref<64x144xf32, #tpu.memory_space<vmem>>) offsets(%dma_start3A_124 : memref<64xi32, #tpu.memory_space<vmem>>) semaphore(%arg16 : memref<!tpu.dma_semaphore, #tpu.memory_space<semaphore_mem>>)
      %run_scoped3A_128 = arith.constant 0 : i32
      "tpu.region"() ({
        %run_scoped3A_139 = tpu.sem_alloc : memref<!tpu.dma_semaphore, #tpu.memory_space<semaphore_mem>>
        %dma_start3A_140 = arith.constant 384 : i32
        %dma_start3A_141 = tpu.memref_slice %arg11[%run_scoped3A_128, %dma_start3A_140] : memref<2x512xi32, #tpu.memory_space<vmem>> -> memref<1x64xi32, #tpu.memory_space<vmem>>
        %dma_start3A_142 = tpu.memref_squeeze %dma_start3A_141 : memref<1x64xi32, #tpu.memory_space<vmem>> -> memref<64xi32, #tpu.memory_space<vmem>>
        %dma_start3A_143 = arith.constant 0 : i32
        %dma_start3A_144 = arith.constant 0 : i32
        %dma_start3A_145 = tpu.memref_slice %arg9[%dma_start3A_143, %dma_start3A_144] : memref<10112x144xf32, #tpu.memory_space<vmem_shared>> -> memref<10112x144xf32, #tpu.memory_space<vmem_shared>>
        tpu.enqueue_indirect_dma source(%arg12 : memref<64x144xf32, #tpu.memory_space<vmem>>) target(%dma_start3A_145 : memref<10112x144xf32, #tpu.memory_space<vmem_shared>>) offsets(%dma_start3A_142 : memref<64xi32, #tpu.memory_space<vmem>>) semaphore(%run_scoped3A_139 : memref<!tpu.dma_semaphore, #tpu.memory_space<semaphore_mem>>) {add = true}
        %dma_wait3A_146 = arith.constant 384 : i32
        %dma_wait3A_147 = tpu.memref_slice %arg11[%run_scoped3A_128, %dma_wait3A_146] : memref<2x512xi32, #tpu.memory_space<vmem>> -> memref<1x64xi32, #tpu.memory_space<vmem>>
        %dma_wait3A_148 = tpu.memref_squeeze %dma_wait3A_147 : memref<1x64xi32, #tpu.memory_space<vmem>> -> memref<64xi32, #tpu.memory_space<vmem>>
        %dma_wait3A_149 = arith.constant 0 : i32
        %dma_wait3A_150 = arith.constant 0 : i32
        %dma_wait3A_151 = tpu.memref_slice %arg9[%dma_wait3A_149, %dma_wait3A_150] : memref<10112x144xf32, #tpu.memory_space<vmem_shared>> -> memref<10112x144xf32, #tpu.memory_space<vmem_shared>>
        tpu.wait_indirect_dma semaphore(%run_scoped3A_139 : memref<!tpu.dma_semaphore, #tpu.memory_space<semaphore_mem>>) src(%arg12 : memref<64x144xf32, #tpu.memory_space<vmem>>) dst(%dma_wait3A_151 : memref<10112x144xf32, #tpu.memory_space<vmem_shared>>)
        tpu.yield
      }) : () -> ()
      %run_scoped3A_129 = arith.constant 0 : i32
      "tpu.region"() ({
        %run_scoped3A_139 = tpu.sem_alloc : memref<!tpu.dma_semaphore, #tpu.memory_space<semaphore_mem>>
        %dma_start3A_140 = arith.constant 384 : i32
        %dma_start3A_141 = arith.constant 0 : i32
        %dma_start3A_142 = tpu.memref_slice %arg14[%dma_start3A_140, %dma_start3A_141] : memref<512x16xf32, #tpu.memory_space<vmem>> -> memref<64x16xf32, #tpu.memory_space<vmem>>
        %dma_start3A_143 = arith.constant 384 : i32
        %dma_start3A_144 = tpu.memref_slice %arg11[%run_scoped3A_129, %dma_start3A_143] : memref<2x512xi32, #tpu.memory_space<vmem>> -> memref<1x64xi32, #tpu.memory_space<vmem>>
        %dma_start3A_145 = tpu.memref_squeeze %dma_start3A_144 : memref<1x64xi32, #tpu.memory_space<vmem>> -> memref<64xi32, #tpu.memory_space<vmem>>
        %dma_start3A_146 = arith.constant 0 : i32
        %dma_start3A_147 = arith.constant 0 : i32
        %dma_start3A_148 = tpu.memref_slice %arg10[%dma_start3A_146, %dma_start3A_147] : memref<10112x16xf32, #tpu.memory_space<vmem_shared>> -> memref<10112x16xf32, #tpu.memory_space<vmem_shared>>
        tpu.enqueue_indirect_dma source(%dma_start3A_142 : memref<64x16xf32, #tpu.memory_space<vmem>>) target(%dma_start3A_148 : memref<10112x16xf32, #tpu.memory_space<vmem_shared>>) offsets(%dma_start3A_145 : memref<64xi32, #tpu.memory_space<vmem>>) semaphore(%run_scoped3A_139 : memref<!tpu.dma_semaphore, #tpu.memory_space<semaphore_mem>>) {add = true}
        %dma_wait3A_149 = arith.constant 384 : i32
        %dma_wait3A_150 = arith.constant 0 : i32
        %dma_wait3A_151 = tpu.memref_slice %arg14[%dma_wait3A_149, %dma_wait3A_150] : memref<512x16xf32, #tpu.memory_space<vmem>> -> memref<64x16xf32, #tpu.memory_space<vmem>>
        %dma_wait3A_152 = arith.constant 384 : i32
        %dma_wait3A_153 = tpu.memref_slice %arg11[%run_scoped3A_129, %dma_wait3A_152] : memref<2x512xi32, #tpu.memory_space<vmem>> -> memref<1x64xi32, #tpu.memory_space<vmem>>
        %dma_wait3A_154 = tpu.memref_squeeze %dma_wait3A_153 : memref<1x64xi32, #tpu.memory_space<vmem>> -> memref<64xi32, #tpu.memory_space<vmem>>
        %dma_wait3A_155 = arith.constant 0 : i32
        %dma_wait3A_156 = arith.constant 0 : i32
        %dma_wait3A_157 = tpu.memref_slice %arg10[%dma_wait3A_155, %dma_wait3A_156] : memref<10112x16xf32, #tpu.memory_space<vmem_shared>> -> memref<10112x16xf32, #tpu.memory_space<vmem_shared>>
        tpu.wait_indirect_dma semaphore(%run_scoped3A_139 : memref<!tpu.dma_semaphore, #tpu.memory_space<semaphore_mem>>) src(%dma_wait3A_151 : memref<64x16xf32, #tpu.memory_space<vmem>>) dst(%dma_wait3A_157 : memref<10112x16xf32, #tpu.memory_space<vmem_shared>>)
        tpu.yield
      }) : () -> ()
      %dma_wait3A_130 = arith.constant 1 : i32
      %dma_wait3A_131 = arith.constant 448 : i32
      %dma_wait3A_132 = tpu.memref_slice %arg11[%dma_wait3A_130, %dma_wait3A_131] : memref<2x512xi32, #tpu.memory_space<vmem>> -> memref<1x64xi32, #tpu.memory_space<vmem>>
      %dma_wait3A_133 = tpu.memref_squeeze %dma_wait3A_132 : memref<1x64xi32, #tpu.memory_space<vmem>> -> memref<64xi32, #tpu.memory_space<vmem>>
      %dma_wait3A_134 = arith.constant 0 : i32
      %dma_wait3A_135 = arith.constant 0 : i32
      %dma_wait3A_136 = tpu.memref_slice %arg2[%dma_wait3A_134, %dma_wait3A_135] : memref<10000x144xf32, #tpu.memory_space<hbm>> -> memref<10000x144xf32, #tpu.memory_space<hbm>>
      tpu.wait_indirect_dma semaphore(%arg16 : memref<!tpu.dma_semaphore, #tpu.memory_space<semaphore_mem>>) src(%dma_wait3A_136 : memref<10000x144xf32, #tpu.memory_space<hbm>>) dst(%arg13 : memref<64x144xf32, #tpu.memory_space<vmem>>)
      %run_scoped3A_137 = arith.constant 0 : i32
      "tpu.region"() ({
        %run_scoped3A_139 = tpu.sem_alloc : memref<!tpu.dma_semaphore, #tpu.memory_space<semaphore_mem>>
        %dma_start3A_140 = arith.constant 448 : i32
        %dma_start3A_141 = tpu.memref_slice %arg11[%run_scoped3A_137, %dma_start3A_140] : memref<2x512xi32, #tpu.memory_space<vmem>> -> memref<1x64xi32, #tpu.memory_space<vmem>>
        %dma_start3A_142 = tpu.memref_squeeze %dma_start3A_141 : memref<1x64xi32, #tpu.memory_space<vmem>> -> memref<64xi32, #tpu.memory_space<vmem>>
        %dma_start3A_143 = arith.constant 0 : i32
        %dma_start3A_144 = arith.constant 0 : i32
        %dma_start3A_145 = tpu.memref_slice %arg9[%dma_start3A_143, %dma_start3A_144] : memref<10112x144xf32, #tpu.memory_space<vmem_shared>> -> memref<10112x144xf32, #tpu.memory_space<vmem_shared>>
        tpu.enqueue_indirect_dma source(%arg13 : memref<64x144xf32, #tpu.memory_space<vmem>>) target(%dma_start3A_145 : memref<10112x144xf32, #tpu.memory_space<vmem_shared>>) offsets(%dma_start3A_142 : memref<64xi32, #tpu.memory_space<vmem>>) semaphore(%run_scoped3A_139 : memref<!tpu.dma_semaphore, #tpu.memory_space<semaphore_mem>>) {add = true}
        %dma_wait3A_146 = arith.constant 448 : i32
        %dma_wait3A_147 = tpu.memref_slice %arg11[%run_scoped3A_137, %dma_wait3A_146] : memref<2x512xi32, #tpu.memory_space<vmem>> -> memref<1x64xi32, #tpu.memory_space<vmem>>
        %dma_wait3A_148 = tpu.memref_squeeze %dma_wait3A_147 : memref<1x64xi32, #tpu.memory_space<vmem>> -> memref<64xi32, #tpu.memory_space<vmem>>
        %dma_wait3A_149 = arith.constant 0 : i32
        %dma_wait3A_150 = arith.constant 0 : i32
        %dma_wait3A_151 = tpu.memref_slice %arg9[%dma_wait3A_149, %dma_wait3A_150] : memref<10112x144xf32, #tpu.memory_space<vmem_shared>> -> memref<10112x144xf32, #tpu.memory_space<vmem_shared>>
        tpu.wait_indirect_dma semaphore(%run_scoped3A_139 : memref<!tpu.dma_semaphore, #tpu.memory_space<semaphore_mem>>) src(%arg13 : memref<64x144xf32, #tpu.memory_space<vmem>>) dst(%dma_wait3A_151 : memref<10112x144xf32, #tpu.memory_space<vmem_shared>>)
        tpu.yield
      }) : () -> ()
      %run_scoped3A_138 = arith.constant 0 : i32
      "tpu.region"() ({
        %run_scoped3A_139 = tpu.sem_alloc : memref<!tpu.dma_semaphore, #tpu.memory_space<semaphore_mem>>
        %dma_start3A_140 = arith.constant 448 : i32
        %dma_start3A_141 = arith.constant 0 : i32
        %dma_start3A_142 = tpu.memref_slice %arg14[%dma_start3A_140, %dma_start3A_141] : memref<512x16xf32, #tpu.memory_space<vmem>> -> memref<64x16xf32, #tpu.memory_space<vmem>>
        %dma_start3A_143 = arith.constant 448 : i32
        %dma_start3A_144 = tpu.memref_slice %arg11[%run_scoped3A_138, %dma_start3A_143] : memref<2x512xi32, #tpu.memory_space<vmem>> -> memref<1x64xi32, #tpu.memory_space<vmem>>
        %dma_start3A_145 = tpu.memref_squeeze %dma_start3A_144 : memref<1x64xi32, #tpu.memory_space<vmem>> -> memref<64xi32, #tpu.memory_space<vmem>>
        %dma_start3A_146 = arith.constant 0 : i32
        %dma_start3A_147 = arith.constant 0 : i32
        %dma_start3A_148 = tpu.memref_slice %arg10[%dma_start3A_146, %dma_start3A_147] : memref<10112x16xf32, #tpu.memory_space<vmem_shared>> -> memref<10112x16xf32, #tpu.memory_space<vmem_shared>>
        tpu.enqueue_indirect_dma source(%dma_start3A_142 : memref<64x16xf32, #tpu.memory_space<vmem>>) target(%dma_start3A_148 : memref<10112x16xf32, #tpu.memory_space<vmem_shared>>) offsets(%dma_start3A_145 : memref<64xi32, #tpu.memory_space<vmem>>) semaphore(%run_scoped3A_139 : memref<!tpu.dma_semaphore, #tpu.memory_space<semaphore_mem>>) {add = true}
        %dma_wait3A_149 = arith.constant 448 : i32
        %dma_wait3A_150 = arith.constant 0 : i32
        %dma_wait3A_151 = tpu.memref_slice %arg14[%dma_wait3A_149, %dma_wait3A_150] : memref<512x16xf32, #tpu.memory_space<vmem>> -> memref<64x16xf32, #tpu.memory_space<vmem>>
        %dma_wait3A_152 = arith.constant 448 : i32
        %dma_wait3A_153 = tpu.memref_slice %arg11[%run_scoped3A_138, %dma_wait3A_152] : memref<2x512xi32, #tpu.memory_space<vmem>> -> memref<1x64xi32, #tpu.memory_space<vmem>>
        %dma_wait3A_154 = tpu.memref_squeeze %dma_wait3A_153 : memref<1x64xi32, #tpu.memory_space<vmem>> -> memref<64xi32, #tpu.memory_space<vmem>>
        %dma_wait3A_155 = arith.constant 0 : i32
        %dma_wait3A_156 = arith.constant 0 : i32
        %dma_wait3A_157 = tpu.memref_slice %arg10[%dma_wait3A_155, %dma_wait3A_156] : memref<10112x16xf32, #tpu.memory_space<vmem_shared>> -> memref<10112x16xf32, #tpu.memory_space<vmem_shared>>
        tpu.wait_indirect_dma semaphore(%run_scoped3A_139 : memref<!tpu.dma_semaphore, #tpu.memory_space<semaphore_mem>>) src(%dma_wait3A_151 : memref<64x16xf32, #tpu.memory_space<vmem>>) dst(%dma_wait3A_157 : memref<10112x16xf32, #tpu.memory_space<vmem_shared>>)
        tpu.yield
      }) : () -> ()
    }
    %scan3A_5 = arith.constant 20 : i32
    %barrier3A_6 = arith.constant 0 : index
    tpu.barrier barrier_id(%barrier3A_6)
    "tpu.region"() ({
      %run_scoped3A = tpu.sem_alloc : memref<!tpu.dma_semaphore, #tpu.memory_space<semaphore_mem>>
      %dma_start3A = arith.constant 0 : i32
      %dma_start3A_7 = tpu.memref_slice %arg7[%mul3A_0, %dma_start3A] : memref<10112x144xf32, #tpu.memory_space<hbm>> -> memref<632x144xf32, #tpu.memory_space<hbm>>
      %dma_start3A_8 = arith.constant 0 : i32
      %dma_start3A_9 = tpu.memref_slice %arg9[%mul3A_0, %dma_start3A_8] : memref<10112x144xf32, #tpu.memory_space<vmem_shared>> -> memref<632x144xf32, #tpu.memory_space<vmem_shared>>
      tpu.enqueue_dma source(%dma_start3A_9 : memref<632x144xf32, #tpu.memory_space<vmem_shared>>) target(%dma_start3A_7 : memref<632x144xf32, #tpu.memory_space<hbm>>) target_semaphore(%run_scoped3A : memref<!tpu.dma_semaphore, #tpu.memory_space<semaphore_mem>>)
      %dma_wait3A = arith.constant 0 : i32
      %dma_wait3A_10 = tpu.memref_slice %arg7[%mul3A_0, %dma_wait3A] : memref<10112x144xf32, #tpu.memory_space<hbm>> -> memref<632x144xf32, #tpu.memory_space<hbm>>
      %dma_wait3A_11 = arith.constant 0 : i32
      %dma_wait3A_12 = tpu.memref_slice %arg9[%mul3A_0, %dma_wait3A_11] : memref<10112x144xf32, #tpu.memory_space<vmem_shared>> -> memref<632x144xf32, #tpu.memory_space<vmem_shared>>
      tpu.wait_dma2 semaphore(%run_scoped3A : memref<!tpu.dma_semaphore, #tpu.memory_space<semaphore_mem>>) src(%dma_wait3A_12 : memref<632x144xf32, #tpu.memory_space<vmem_shared>>) dst(%dma_wait3A_10 : memref<632x144xf32, #tpu.memory_space<hbm>>)
      tpu.yield
    }) : () -> ()
    "tpu.region"() ({
      %run_scoped3A = tpu.sem_alloc : memref<!tpu.dma_semaphore, #tpu.memory_space<semaphore_mem>>
      %dma_start3A = arith.constant 0 : i32
      %dma_start3A_7 = tpu.memref_slice %arg8[%mul3A_0, %dma_start3A] : memref<10112x16xf32, #tpu.memory_space<hbm>> -> memref<632x16xf32, #tpu.memory_space<hbm>>
      %dma_start3A_8 = arith.constant 0 : i32
      %dma_start3A_9 = tpu.memref_slice %arg10[%mul3A_0, %dma_start3A_8] : memref<10112x16xf32, #tpu.memory_space<vmem_shared>> -> memref<632x16xf32, #tpu.memory_space<vmem_shared>>
      tpu.enqueue_dma source(%dma_start3A_9 : memref<632x16xf32, #tpu.memory_space<vmem_shared>>) target(%dma_start3A_7 : memref<632x16xf32, #tpu.memory_space<hbm>>) target_semaphore(%run_scoped3A : memref<!tpu.dma_semaphore, #tpu.memory_space<semaphore_mem>>)
      %dma_wait3A = arith.constant 0 : i32
      %dma_wait3A_10 = tpu.memref_slice %arg8[%mul3A_0, %dma_wait3A] : memref<10112x16xf32, #tpu.memory_space<hbm>> -> memref<632x16xf32, #tpu.memory_space<hbm>>
      %dma_wait3A_11 = arith.constant 0 : i32
      %dma_wait3A_12 = tpu.memref_slice %arg10[%mul3A_0, %dma_wait3A_11] : memref<10112x16xf32, #tpu.memory_space<vmem_shared>> -> memref<632x16xf32, #tpu.memory_space<vmem_shared>>
      tpu.wait_dma2 semaphore(%run_scoped3A : memref<!tpu.dma_semaphore, #tpu.memory_space<semaphore_mem>>) src(%dma_wait3A_12 : memref<632x16xf32, #tpu.memory_space<vmem_shared>>) dst(%dma_wait3A_10 : memref<632x16xf32, #tpu.memory_space<hbm>>)
      tpu.yield
    }) : () -> ()
    return
  }
}

#map = affine_map<(d0, d1) -> (0, 0)>
module attributes {stable_mosaic.version = 14 : i64} {
  func.func @k(%arg0: i32, %arg1: i32, %arg2: memref<10000x144xf32, #tpu.memory_space<hbm>>, %arg3: memref<2x327680xi32, #tpu.memory_space<hbm>>, %arg4: memref<327680x16xf32, #tpu.memory_space<hbm>>, %arg5: memref<10112x144xf32, #tpu.memory_space<hbm>>, %arg6: memref<10112x16xf32, #tpu.memory_space<hbm>>, %arg7: memref<10112x144xf32, #tpu.memory_space<hbm>>, %arg8: memref<10112x16xf32, #tpu.memory_space<hbm>>, %arg9: memref<10112x144xf32, #tpu.memory_space<vmem_shared>>, %arg10: memref<10112x16xf32, #tpu.memory_space<vmem_shared>>, %arg11: memref<2x512xi32, #tpu.memory_space<vmem>>, %arg12: memref<64x144xf32, #tpu.memory_space<vmem>>, %arg13: memref<64x144xf32, #tpu.memory_space<vmem>>, %arg14: memref<512x16xf32, #tpu.memory_space<vmem>>, %arg15: memref<!tpu.dma_semaphore, #tpu.memory_space<semaphore_mem>>, %arg16: memref<!tpu.dma_semaphore, #tpu.memory_space<semaphore_mem>>) attributes {dimension_semantics = [#tpu.dimension_semantics<core_parallel>, #tpu.dimension_semantics<subcore_parallel>], iteration_bounds = array<i64: 1, 16>, scalar_prefetch = 0 : i64, scratch_operands = 8 : i64, tpu.core_type = #tpu.core_type<sc_vector_subcore>, window_params = [{transform_indices = #map}, {transform_indices = #map}, {transform_indices = #map}, {transform_indices = #map}, {transform_indices = #map}, {transform_indices = #map}, {transform_indices = #map}]} {
    %mul3A = arith.constant 632 : i32
    %mul3A_0 = arith.muli %arg1, %mul3A : i32
    "tpu.region"() ({
      %run_scoped3A = tpu.sem_alloc : memref<!tpu.dma_semaphore, #tpu.memory_space<semaphore_mem>>
      %dma_start3A = arith.constant 0 : i32
      %dma_start3A_7 = tpu.memref_slice %arg9[%mul3A_0, %dma_start3A] : memref<10112x144xf32, #tpu.memory_space<vmem_shared>> -> memref<632x144xf32, #tpu.memory_space<vmem_shared>>
      %dma_start3A_8 = arith.constant 0 : i32
      %dma_start3A_9 = tpu.memref_slice %arg5[%mul3A_0, %dma_start3A_8] : memref<10112x144xf32, #tpu.memory_space<hbm>> -> memref<632x144xf32, #tpu.memory_space<hbm>>
      tpu.enqueue_dma source(%dma_start3A_9 : memref<632x144xf32, #tpu.memory_space<hbm>>) target(%dma_start3A_7 : memref<632x144xf32, #tpu.memory_space<vmem_shared>>) target_semaphore(%run_scoped3A : memref<!tpu.dma_semaphore, #tpu.memory_space<semaphore_mem>>)
      %dma_wait3A = arith.constant 0 : i32
      %dma_wait3A_10 = tpu.memref_slice %arg9[%mul3A_0, %dma_wait3A] : memref<10112x144xf32, #tpu.memory_space<vmem_shared>> -> memref<632x144xf32, #tpu.memory_space<vmem_shared>>
      %dma_wait3A_11 = arith.constant 0 : i32
      %dma_wait3A_12 = tpu.memref_slice %arg5[%mul3A_0, %dma_wait3A_11] : memref<10112x144xf32, #tpu.memory_space<hbm>> -> memref<632x144xf32, #tpu.memory_space<hbm>>
      tpu.wait_dma2 semaphore(%run_scoped3A : memref<!tpu.dma_semaphore, #tpu.memory_space<semaphore_mem>>) src(%dma_wait3A_12 : memref<632x144xf32, #tpu.memory_space<hbm>>) dst(%dma_wait3A_10 : memref<632x144xf32, #tpu.memory_space<vmem_shared>>)
      tpu.yield
    }) : () -> ()
    "tpu.region"() ({
      %run_scoped3A = tpu.sem_alloc : memref<!tpu.dma_semaphore, #tpu.memory_space<semaphore_mem>>
      %dma_start3A = arith.constant 0 : i32
      %dma_start3A_7 = tpu.memref_slice %arg10[%mul3A_0, %dma_start3A] : memref<10112x16xf32, #tpu.memory_space<vmem_shared>> -> memref<632x16xf32, #tpu.memory_space<vmem_shared>>
      %dma_start3A_8 = arith.constant 0 : i32
      %dma_start3A_9 = tpu.memref_slice %arg6[%mul3A_0, %dma_start3A_8] : memref<10112x16xf32, #tpu.memory_space<hbm>> -> memref<632x16xf32, #tpu.memory_space<hbm>>
      tpu.enqueue_dma source(%dma_start3A_9 : memref<632x16xf32, #tpu.memory_space<hbm>>) target(%dma_start3A_7 : memref<632x16xf32, #tpu.memory_space<vmem_shared>>) target_semaphore(%run_scoped3A : memref<!tpu.dma_semaphore, #tpu.memory_space<semaphore_mem>>)
      %dma_wait3A = arith.constant 0 : i32
      %dma_wait3A_10 = tpu.memref_slice %arg10[%mul3A_0, %dma_wait3A] : memref<10112x16xf32, #tpu.memory_space<vmem_shared>> -> memref<632x16xf32, #tpu.memory_space<vmem_shared>>
      %dma_wait3A_11 = arith.constant 0 : i32
      %dma_wait3A_12 = tpu.memref_slice %arg6[%mul3A_0, %dma_wait3A_11] : memref<10112x16xf32, #tpu.memory_space<hbm>> -> memref<632x16xf32, #tpu.memory_space<hbm>>
      tpu.wait_dma2 semaphore(%run_scoped3A : memref<!tpu.dma_semaphore, #tpu.memory_space<semaphore_mem>>) src(%dma_wait3A_12 : memref<632x16xf32, #tpu.memory_space<hbm>>) dst(%dma_wait3A_10 : memref<632x16xf32, #tpu.memory_space<vmem_shared>>)
      tpu.yield
    }) : () -> ()
    %barrier3A = arith.constant 0 : index
    tpu.barrier barrier_id(%barrier3A)
    %scan3A = arith.constant 0 : i32
    %scan3A_1 = arith.constant 0 : i32
    %scan3A_2 = arith.constant 20 : i32
    %scan3A_3 = arith.addi %scan3A_1, %scan3A_2 : i32
    %scan3A_4 = arith.constant 1 : i32
    scf.for %scan3A_7 = %scan3A_1 to %scan3A_3 step %scan3A_4  : i32 {
      %mul3A_8 = arith.constant 10240 : i32
      %mul3A_9 = arith.muli %arg1, %mul3A_8 : i32
      %add3A = arith.constant 163840 : i32
      %add3A_10 = arith.addi %add3A, %mul3A_9 : i32
      %mul3A_11 = arith.constant 512 : i32
      %mul3A_12 = arith.muli %scan3A_7, %mul3A_11 : i32
      %add3A_13 = arith.addi %add3A_10, %mul3A_12 : i32
      "tpu.region"() ({
        %run_scoped3A_139 = tpu.sem_alloc : memref<!tpu.dma_semaphore, #tpu.memory_space<semaphore_mem>>
        %dma_start3A_140 = arith.constant 0 : i32
        %dma_start3A_141 = tpu.memref_slice %arg3[%dma_start3A_140, %add3A_13] : memref<2x327680xi32, #tpu.memory_space<hbm>> -> memref<2x512xi32, #tpu.memory_space<hbm>>
        %dma_start3A_142 = arith.constant 0 : i32
        %dma_start3A_143 = tpu.memref_slice %arg3[%dma_start3A_142, %add3A_13] : memref<2x327680xi32, #tpu.memory_space<hbm>> -> memref<2x512xi32, #tpu.memory_space<hbm>>
        tpu.enqueue_dma source(%dma_start3A_143 : memref<2x512xi32, #tpu.memory_space<hbm>>) target(%arg11 : memref<2x512xi32, #tpu.memory_space<vmem>>) target_semaphore(%run_scoped3A_139 : memref<!tpu.dma_semaphore, #tpu.memory_space<semaphore_mem>>)
        %dma_wait3A_144 = arith.constant 0 : i32
        %dma_wait3A_145 = tpu.memref_slice %arg3[%dma_wait3A_144, %add3A_13] : memref<2x327680xi32, #tpu.memory_space<hbm>> -> memref<2x512xi32, #tpu.memory_space<hbm>>
        %dma_wait3A_146 = arith.constant 0 : i32
        %dma_wait3A_147 = tpu.memref_slice %arg3[%dma_wait3A_146, %add3A_13] : memref<2x327680xi32, #tpu.memory_space<hbm>> -> memref<2x512xi32, #tpu.memory_space<hbm>>
        tpu.wait_dma2 semaphore(%run_scoped3A_139 : memref<!tpu.dma_semaphore, #tpu.memory_space<semaphore_mem>>) src(%dma_wait3A_147 : memref<2x512xi32, #tpu.memory_space<hbm>>) dst(%arg11 : memref<2x512xi32, #tpu.memory_space<vmem>>)
        tpu.yield
      }) : () -> ()
      "tpu.region"() ({
        %run_scoped3A_139 = tpu.sem_alloc : memref<!tpu.dma_semaphore, #tpu.memory_space<semaphore_mem>>
        %dma_start3A_140 = arith.constant 0 : i32
        %dma_start3A_141 = tpu.memref_slice %arg4[%add3A_13, %dma_start3A_140] : memref<327680x16xf32, #tpu.memory_space<hbm>> -> memref<512x16xf32, #tpu.memory_space<hbm>>
        %dma_start3A_142 = arith.constant 0 : i32
        %dma_start3A_143 = tpu.memref_slice %arg4[%add3A_13, %dma_start3A_142] : memref<327680x16xf32, #tpu.memory_space<hbm>> -> memref<512x16xf32, #tpu.memory_space<hbm>>
        tpu.enqueue_dma source(%dma_start3A_143 : memref<512x16xf32, #tpu.memory_space<hbm>>) target(%arg14 : memref<512x16xf32, #tpu.memory_space<vmem>>) target_semaphore(%run_scoped3A_139 : memref<!tpu.dma_semaphore, #tpu.memory_space<semaphore_mem>>)
        %dma_wait3A_144 = arith.constant 0 : i32
        %dma_wait3A_145 = tpu.memref_slice %arg4[%add3A_13, %dma_wait3A_144] : memref<327680x16xf32, #tpu.memory_space<hbm>> -> memref<512x16xf32, #tpu.memory_space<hbm>>
        %dma_wait3A_146 = arith.constant 0 : i32
        %dma_wait3A_147 = tpu.memref_slice %arg4[%add3A_13, %dma_wait3A_146] : memref<327680x16xf32, #tpu.memory_space<hbm>> -> memref<512x16xf32, #tpu.memory_space<hbm>>
        tpu.wait_dma2 semaphore(%run_scoped3A_139 : memref<!tpu.dma_semaphore, #tpu.memory_space<semaphore_mem>>) src(%dma_wait3A_147 : memref<512x16xf32, #tpu.memory_space<hbm>>) dst(%arg14 : memref<512x16xf32, #tpu.memory_space<vmem>>)
        tpu.yield
      }) : () -> ()
      %dma_start3A = arith.constant 1 : i32
      %dma_start3A_14 = arith.constant 0 : i32
      %dma_start3A_15 = tpu.memref_slice %arg11[%dma_start3A, %dma_start3A_14] : memref<2x512xi32, #tpu.memory_space<vmem>> -> memref<1x64xi32, #tpu.memory_space<vmem>>
      %dma_start3A_16 = tpu.memref_squeeze %dma_start3A_15 : memref<1x64xi32, #tpu.memory_space<vmem>> -> memref<64xi32, #tpu.memory_space<vmem>>
      %dma_start3A_17 = arith.constant 0 : i32
      %dma_start3A_18 = arith.constant 0 : i32
      %dma_start3A_19 = tpu.memref_slice %arg2[%dma_start3A_17, %dma_start3A_18] : memref<10000x144xf32, #tpu.memory_space<hbm>> -> memref<10000x144xf32, #tpu.memory_space<hbm>>
      tpu.enqueue_indirect_dma source(%dma_start3A_19 : memref<10000x144xf32, #tpu.memory_space<hbm>>) target(%arg12 : memref<64x144xf32, #tpu.memory_space<vmem>>) offsets(%dma_start3A_16 : memref<64xi32, #tpu.memory_space<vmem>>) semaphore(%arg15 : memref<!tpu.dma_semaphore, #tpu.memory_space<semaphore_mem>>)
      %dma_wait3A = arith.constant 1 : i32
      %dma_wait3A_20 = arith.constant 0 : i32
      %dma_wait3A_21 = tpu.memref_slice %arg11[%dma_wait3A, %dma_wait3A_20] : memref<2x512xi32, #tpu.memory_space<vmem>> -> memref<1x64xi32, #tpu.memory_space<vmem>>
      %dma_wait3A_22 = tpu.memref_squeeze %dma_wait3A_21 : memref<1x64xi32, #tpu.memory_space<vmem>> -> memref<64xi32, #tpu.memory_space<vmem>>
      %dma_wait3A_23 = arith.constant 0 : i32
      %dma_wait3A_24 = arith.constant 0 : i32
      %dma_wait3A_25 = tpu.memref_slice %arg2[%dma_wait3A_23, %dma_wait3A_24] : memref<10000x144xf32, #tpu.memory_space<hbm>> -> memref<10000x144xf32, #tpu.memory_space<hbm>>
      tpu.wait_indirect_dma semaphore(%arg15 : memref<!tpu.dma_semaphore, #tpu.memory_space<semaphore_mem>>) src(%dma_wait3A_25 : memref<10000x144xf32, #tpu.memory_space<hbm>>) dst(%arg12 : memref<64x144xf32, #tpu.memory_space<vmem>>)
      %dma_start3A_26 = arith.constant 1 : i32
      %dma_start3A_27 = arith.constant 64 : i32
      %dma_start3A_28 = tpu.memref_slice %arg11[%dma_start3A_26, %dma_start3A_27] : memref<2x512xi32, #tpu.memory_space<vmem>> -> memref<1x64xi32, #tpu.memory_space<vmem>>
      %dma_start3A_29 = tpu.memref_squeeze %dma_start3A_28 : memref<1x64xi32, #tpu.memory_space<vmem>> -> memref<64xi32, #tpu.memory_space<vmem>>
      %dma_start3A_30 = arith.constant 0 : i32
      %dma_start3A_31 = arith.constant 0 : i32
      %dma_start3A_32 = tpu.memref_slice %arg2[%dma_start3A_30, %dma_start3A_31] : memref<10000x144xf32, #tpu.memory_space<hbm>> -> memref<10000x144xf32, #tpu.memory_space<hbm>>
      tpu.enqueue_indirect_dma source(%dma_start3A_32 : memref<10000x144xf32, #tpu.memory_space<hbm>>) target(%arg13 : memref<64x144xf32, #tpu.memory_space<vmem>>) offsets(%dma_start3A_29 : memref<64xi32, #tpu.memory_space<vmem>>) semaphore(%arg16 : memref<!tpu.dma_semaphore, #tpu.memory_space<semaphore_mem>>)
      %run_scoped3A = arith.constant 0 : i32
      "tpu.region"() ({
        %run_scoped3A_139 = tpu.sem_alloc : memref<!tpu.dma_semaphore, #tpu.memory_space<semaphore_mem>>
        %dma_start3A_140 = arith.constant 0 : i32
        %dma_start3A_141 = tpu.memref_slice %arg11[%run_scoped3A, %dma_start3A_140] : memref<2x512xi32, #tpu.memory_space<vmem>> -> memref<1x64xi32, #tpu.memory_space<vmem>>
        %dma_start3A_142 = tpu.memref_squeeze %dma_start3A_141 : memref<1x64xi32, #tpu.memory_space<vmem>> -> memref<64xi32, #tpu.memory_space<vmem>>
        %dma_start3A_143 = arith.constant 0 : i32
        %dma_start3A_144 = arith.constant 0 : i32
        %dma_start3A_145 = tpu.memref_slice %arg9[%dma_start3A_143, %dma_start3A_144] : memref<10112x144xf32, #tpu.memory_space<vmem_shared>> -> memref<10112x144xf32, #tpu.memory_space<vmem_shared>>
        tpu.enqueue_indirect_dma source(%arg12 : memref<64x144xf32, #tpu.memory_space<vmem>>) target(%dma_start3A_145 : memref<10112x144xf32, #tpu.memory_space<vmem_shared>>) offsets(%dma_start3A_142 : memref<64xi32, #tpu.memory_space<vmem>>) semaphore(%run_scoped3A_139 : memref<!tpu.dma_semaphore, #tpu.memory_space<semaphore_mem>>) {add = true}
        %dma_wait3A_146 = arith.constant 0 : i32
        %dma_wait3A_147 = tpu.memref_slice %arg11[%run_scoped3A, %dma_wait3A_146] : memref<2x512xi32, #tpu.memory_space<vmem>> -> memref<1x64xi32, #tpu.memory_space<vmem>>
        %dma_wait3A_148 = tpu.memref_squeeze %dma_wait3A_147 : memref<1x64xi32, #tpu.memory_space<vmem>> -> memref<64xi32, #tpu.memory_space<vmem>>
        %dma_wait3A_149 = arith.constant 0 : i32
        %dma_wait3A_150 = arith.constant 0 : i32
        %dma_wait3A_151 = tpu.memref_slice %arg9[%dma_wait3A_149, %dma_wait3A_150] : memref<10112x144xf32, #tpu.memory_space<vmem_shared>> -> memref<10112x144xf32, #tpu.memory_space<vmem_shared>>
        tpu.wait_indirect_dma semaphore(%run_scoped3A_139 : memref<!tpu.dma_semaphore, #tpu.memory_space<semaphore_mem>>) src(%arg12 : memref<64x144xf32, #tpu.memory_space<vmem>>) dst(%dma_wait3A_151 : memref<10112x144xf32, #tpu.memory_space<vmem_shared>>)
        tpu.yield
      }) : () -> ()
      %run_scoped3A_33 = arith.constant 0 : i32
      "tpu.region"() ({
        %run_scoped3A_139 = tpu.sem_alloc : memref<!tpu.dma_semaphore, #tpu.memory_space<semaphore_mem>>
        %dma_start3A_140 = arith.constant 0 : i32
        %dma_start3A_141 = arith.constant 0 : i32
        %dma_start3A_142 = tpu.memref_slice %arg14[%dma_start3A_140, %dma_start3A_141] : memref<512x16xf32, #tpu.memory_space<vmem>> -> memref<64x16xf32, #tpu.memory_space<vmem>>
        %dma_start3A_143 = arith.constant 0 : i32
        %dma_start3A_144 = tpu.memref_slice %arg11[%run_scoped3A_33, %dma_start3A_143] : memref<2x512xi32, #tpu.memory_space<vmem>> -> memref<1x64xi32, #tpu.memory_space<vmem>>
        %dma_start3A_145 = tpu.memref_squeeze %dma_start3A_144 : memref<1x64xi32, #tpu.memory_space<vmem>> -> memref<64xi32, #tpu.memory_space<vmem>>
        %dma_start3A_146 = arith.constant 0 : i32
        %dma_start3A_147 = arith.constant 0 : i32
        %dma_start3A_148 = tpu.memref_slice %arg10[%dma_start3A_146, %dma_start3A_147] : memref<10112x16xf32, #tpu.memory_space<vmem_shared>> -> memref<10112x16xf32, #tpu.memory_space<vmem_shared>>
        tpu.enqueue_indirect_dma source(%dma_start3A_142 : memref<64x16xf32, #tpu.memory_space<vmem>>) target(%dma_start3A_148 : memref<10112x16xf32, #tpu.memory_space<vmem_shared>>) offsets(%dma_start3A_145 : memref<64xi32, #tpu.memory_space<vmem>>) semaphore(%run_scoped3A_139 : memref<!tpu.dma_semaphore, #tpu.memory_space<semaphore_mem>>) {add = true}
        %dma_wait3A_149 = arith.constant 0 : i32
        %dma_wait3A_150 = arith.constant 0 : i32
        %dma_wait3A_151 = tpu.memref_slice %arg14[%dma_wait3A_149, %dma_wait3A_150] : memref<512x16xf32, #tpu.memory_space<vmem>> -> memref<64x16xf32, #tpu.memory_space<vmem>>
        %dma_wait3A_152 = arith.constant 0 : i32
        %dma_wait3A_153 = tpu.memref_slice %arg11[%run_scoped3A_33, %dma_wait3A_152] : memref<2x512xi32, #tpu.memory_space<vmem>> -> memref<1x64xi32, #tpu.memory_space<vmem>>
        %dma_wait3A_154 = tpu.memref_squeeze %dma_wait3A_153 : memref<1x64xi32, #tpu.memory_space<vmem>> -> memref<64xi32, #tpu.memory_space<vmem>>
        %dma_wait3A_155 = arith.constant 0 : i32
        %dma_wait3A_156 = arith.constant 0 : i32
        %dma_wait3A_157 = tpu.memref_slice %arg10[%dma_wait3A_155, %dma_wait3A_156] : memref<10112x16xf32, #tpu.memory_space<vmem_shared>> -> memref<10112x16xf32, #tpu.memory_space<vmem_shared>>
        tpu.wait_indirect_dma semaphore(%run_scoped3A_139 : memref<!tpu.dma_semaphore, #tpu.memory_space<semaphore_mem>>) src(%dma_wait3A_151 : memref<64x16xf32, #tpu.memory_space<vmem>>) dst(%dma_wait3A_157 : memref<10112x16xf32, #tpu.memory_space<vmem_shared>>)
        tpu.yield
      }) : () -> ()
      %dma_wait3A_34 = arith.constant 1 : i32
      %dma_wait3A_35 = arith.constant 64 : i32
      %dma_wait3A_36 = tpu.memref_slice %arg11[%dma_wait3A_34, %dma_wait3A_35] : memref<2x512xi32, #tpu.memory_space<vmem>> -> memref<1x64xi32, #tpu.memory_space<vmem>>
      %dma_wait3A_37 = tpu.memref_squeeze %dma_wait3A_36 : memref<1x64xi32, #tpu.memory_space<vmem>> -> memref<64xi32, #tpu.memory_space<vmem>>
      %dma_wait3A_38 = arith.constant 0 : i32
      %dma_wait3A_39 = arith.constant 0 : i32
      %dma_wait3A_40 = tpu.memref_slice %arg2[%dma_wait3A_38, %dma_wait3A_39] : memref<10000x144xf32, #tpu.memory_space<hbm>> -> memref<10000x144xf32, #tpu.memory_space<hbm>>
      tpu.wait_indirect_dma semaphore(%arg16 : memref<!tpu.dma_semaphore, #tpu.memory_space<semaphore_mem>>) src(%dma_wait3A_40 : memref<10000x144xf32, #tpu.memory_space<hbm>>) dst(%arg13 : memref<64x144xf32, #tpu.memory_space<vmem>>)
      %dma_start3A_41 = arith.constant 1 : i32
      %dma_start3A_42 = arith.constant 128 : i32
      %dma_start3A_43 = tpu.memref_slice %arg11[%dma_start3A_41, %dma_start3A_42] : memref<2x512xi32, #tpu.memory_space<vmem>> -> memref<1x64xi32, #tpu.memory_space<vmem>>
      %dma_start3A_44 = tpu.memref_squeeze %dma_start3A_43 : memref<1x64xi32, #tpu.memory_space<vmem>> -> memref<64xi32, #tpu.memory_space<vmem>>
      %dma_start3A_45 = arith.constant 0 : i32
      %dma_start3A_46 = arith.constant 0 : i32
      %dma_start3A_47 = tpu.memref_slice %arg2[%dma_start3A_45, %dma_start3A_46] : memref<10000x144xf32, #tpu.memory_space<hbm>> -> memref<10000x144xf32, #tpu.memory_space<hbm>>
      tpu.enqueue_indirect_dma source(%dma_start3A_47 : memref<10000x144xf32, #tpu.memory_space<hbm>>) target(%arg12 : memref<64x144xf32, #tpu.memory_space<vmem>>) offsets(%dma_start3A_44 : memref<64xi32, #tpu.memory_space<vmem>>) semaphore(%arg15 : memref<!tpu.dma_semaphore, #tpu.memory_space<semaphore_mem>>)
      %run_scoped3A_48 = arith.constant 0 : i32
      "tpu.region"() ({
        %run_scoped3A_139 = tpu.sem_alloc : memref<!tpu.dma_semaphore, #tpu.memory_space<semaphore_mem>>
        %dma_start3A_140 = arith.constant 64 : i32
        %dma_start3A_141 = tpu.memref_slice %arg11[%run_scoped3A_48, %dma_start3A_140] : memref<2x512xi32, #tpu.memory_space<vmem>> -> memref<1x64xi32, #tpu.memory_space<vmem>>
        %dma_start3A_142 = tpu.memref_squeeze %dma_start3A_141 : memref<1x64xi32, #tpu.memory_space<vmem>> -> memref<64xi32, #tpu.memory_space<vmem>>
        %dma_start3A_143 = arith.constant 0 : i32
        %dma_start3A_144 = arith.constant 0 : i32
        %dma_start3A_145 = tpu.memref_slice %arg9[%dma_start3A_143, %dma_start3A_144] : memref<10112x144xf32, #tpu.memory_space<vmem_shared>> -> memref<10112x144xf32, #tpu.memory_space<vmem_shared>>
        tpu.enqueue_indirect_dma source(%arg13 : memref<64x144xf32, #tpu.memory_space<vmem>>) target(%dma_start3A_145 : memref<10112x144xf32, #tpu.memory_space<vmem_shared>>) offsets(%dma_start3A_142 : memref<64xi32, #tpu.memory_space<vmem>>) semaphore(%run_scoped3A_139 : memref<!tpu.dma_semaphore, #tpu.memory_space<semaphore_mem>>) {add = true}
        %dma_wait3A_146 = arith.constant 64 : i32
        %dma_wait3A_147 = tpu.memref_slice %arg11[%run_scoped3A_48, %dma_wait3A_146] : memref<2x512xi32, #tpu.memory_space<vmem>> -> memref<1x64xi32, #tpu.memory_space<vmem>>
        %dma_wait3A_148 = tpu.memref_squeeze %dma_wait3A_147 : memref<1x64xi32, #tpu.memory_space<vmem>> -> memref<64xi32, #tpu.memory_space<vmem>>
        %dma_wait3A_149 = arith.constant 0 : i32
        %dma_wait3A_150 = arith.constant 0 : i32
        %dma_wait3A_151 = tpu.memref_slice %arg9[%dma_wait3A_149, %dma_wait3A_150] : memref<10112x144xf32, #tpu.memory_space<vmem_shared>> -> memref<10112x144xf32, #tpu.memory_space<vmem_shared>>
        tpu.wait_indirect_dma semaphore(%run_scoped3A_139 : memref<!tpu.dma_semaphore, #tpu.memory_space<semaphore_mem>>) src(%arg13 : memref<64x144xf32, #tpu.memory_space<vmem>>) dst(%dma_wait3A_151 : memref<10112x144xf32, #tpu.memory_space<vmem_shared>>)
        tpu.yield
      }) : () -> ()
      %run_scoped3A_49 = arith.constant 0 : i32
      "tpu.region"() ({
        %run_scoped3A_139 = tpu.sem_alloc : memref<!tpu.dma_semaphore, #tpu.memory_space<semaphore_mem>>
        %dma_start3A_140 = arith.constant 64 : i32
        %dma_start3A_141 = arith.constant 0 : i32
        %dma_start3A_142 = tpu.memref_slice %arg14[%dma_start3A_140, %dma_start3A_141] : memref<512x16xf32, #tpu.memory_space<vmem>> -> memref<64x16xf32, #tpu.memory_space<vmem>>
        %dma_start3A_143 = arith.constant 64 : i32
        %dma_start3A_144 = tpu.memref_slice %arg11[%run_scoped3A_49, %dma_start3A_143] : memref<2x512xi32, #tpu.memory_space<vmem>> -> memref<1x64xi32, #tpu.memory_space<vmem>>
        %dma_start3A_145 = tpu.memref_squeeze %dma_start3A_144 : memref<1x64xi32, #tpu.memory_space<vmem>> -> memref<64xi32, #tpu.memory_space<vmem>>
        %dma_start3A_146 = arith.constant 0 : i32
        %dma_start3A_147 = arith.constant 0 : i32
        %dma_start3A_148 = tpu.memref_slice %arg10[%dma_start3A_146, %dma_start3A_147] : memref<10112x16xf32, #tpu.memory_space<vmem_shared>> -> memref<10112x16xf32, #tpu.memory_space<vmem_shared>>
        tpu.enqueue_indirect_dma source(%dma_start3A_142 : memref<64x16xf32, #tpu.memory_space<vmem>>) target(%dma_start3A_148 : memref<10112x16xf32, #tpu.memory_space<vmem_shared>>) offsets(%dma_start3A_145 : memref<64xi32, #tpu.memory_space<vmem>>) semaphore(%run_scoped3A_139 : memref<!tpu.dma_semaphore, #tpu.memory_space<semaphore_mem>>) {add = true}
        %dma_wait3A_149 = arith.constant 64 : i32
        %dma_wait3A_150 = arith.constant 0 : i32
        %dma_wait3A_151 = tpu.memref_slice %arg14[%dma_wait3A_149, %dma_wait3A_150] : memref<512x16xf32, #tpu.memory_space<vmem>> -> memref<64x16xf32, #tpu.memory_space<vmem>>
        %dma_wait3A_152 = arith.constant 64 : i32
        %dma_wait3A_153 = tpu.memref_slice %arg11[%run_scoped3A_49, %dma_wait3A_152] : memref<2x512xi32, #tpu.memory_space<vmem>> -> memref<1x64xi32, #tpu.memory_space<vmem>>
        %dma_wait3A_154 = tpu.memref_squeeze %dma_wait3A_153 : memref<1x64xi32, #tpu.memory_space<vmem>> -> memref<64xi32, #tpu.memory_space<vmem>>
        %dma_wait3A_155 = arith.constant 0 : i32
        %dma_wait3A_156 = arith.constant 0 : i32
        %dma_wait3A_157 = tpu.memref_slice %arg10[%dma_wait3A_155, %dma_wait3A_156] : memref<10112x16xf32, #tpu.memory_space<vmem_shared>> -> memref<10112x16xf32, #tpu.memory_space<vmem_shared>>
        tpu.wait_indirect_dma semaphore(%run_scoped3A_139 : memref<!tpu.dma_semaphore, #tpu.memory_space<semaphore_mem>>) src(%dma_wait3A_151 : memref<64x16xf32, #tpu.memory_space<vmem>>) dst(%dma_wait3A_157 : memref<10112x16xf32, #tpu.memory_space<vmem_shared>>)
        tpu.yield
      }) : () -> ()
      %dma_wait3A_50 = arith.constant 1 : i32
      %dma_wait3A_51 = arith.constant 128 : i32
      %dma_wait3A_52 = tpu.memref_slice %arg11[%dma_wait3A_50, %dma_wait3A_51] : memref<2x512xi32, #tpu.memory_space<vmem>> -> memref<1x64xi32, #tpu.memory_space<vmem>>
      %dma_wait3A_53 = tpu.memref_squeeze %dma_wait3A_52 : memref<1x64xi32, #tpu.memory_space<vmem>> -> memref<64xi32, #tpu.memory_space<vmem>>
      %dma_wait3A_54 = arith.constant 0 : i32
      %dma_wait3A_55 = arith.constant 0 : i32
      %dma_wait3A_56 = tpu.memref_slice %arg2[%dma_wait3A_54, %dma_wait3A_55] : memref<10000x144xf32, #tpu.memory_space<hbm>> -> memref<10000x144xf32, #tpu.memory_space<hbm>>
      tpu.wait_indirect_dma semaphore(%arg15 : memref<!tpu.dma_semaphore, #tpu.memory_space<semaphore_mem>>) src(%dma_wait3A_56 : memref<10000x144xf32, #tpu.memory_space<hbm>>) dst(%arg12 : memref<64x144xf32, #tpu.memory_space<vmem>>)
      %dma_start3A_57 = arith.constant 1 : i32
      %dma_start3A_58 = arith.constant 192 : i32
      %dma_start3A_59 = tpu.memref_slice %arg11[%dma_start3A_57, %dma_start3A_58] : memref<2x512xi32, #tpu.memory_space<vmem>> -> memref<1x64xi32, #tpu.memory_space<vmem>>
      %dma_start3A_60 = tpu.memref_squeeze %dma_start3A_59 : memref<1x64xi32, #tpu.memory_space<vmem>> -> memref<64xi32, #tpu.memory_space<vmem>>
      %dma_start3A_61 = arith.constant 0 : i32
      %dma_start3A_62 = arith.constant 0 : i32
      %dma_start3A_63 = tpu.memref_slice %arg2[%dma_start3A_61, %dma_start3A_62] : memref<10000x144xf32, #tpu.memory_space<hbm>> -> memref<10000x144xf32, #tpu.memory_space<hbm>>
      tpu.enqueue_indirect_dma source(%dma_start3A_63 : memref<10000x144xf32, #tpu.memory_space<hbm>>) target(%arg13 : memref<64x144xf32, #tpu.memory_space<vmem>>) offsets(%dma_start3A_60 : memref<64xi32, #tpu.memory_space<vmem>>) semaphore(%arg16 : memref<!tpu.dma_semaphore, #tpu.memory_space<semaphore_mem>>)
      %run_scoped3A_64 = arith.constant 0 : i32
      "tpu.region"() ({
        %run_scoped3A_139 = tpu.sem_alloc : memref<!tpu.dma_semaphore, #tpu.memory_space<semaphore_mem>>
        %dma_start3A_140 = arith.constant 128 : i32
        %dma_start3A_141 = tpu.memref_slice %arg11[%run_scoped3A_64, %dma_start3A_140] : memref<2x512xi32, #tpu.memory_space<vmem>> -> memref<1x64xi32, #tpu.memory_space<vmem>>
        %dma_start3A_142 = tpu.memref_squeeze %dma_start3A_141 : memref<1x64xi32, #tpu.memory_space<vmem>> -> memref<64xi32, #tpu.memory_space<vmem>>
        %dma_start3A_143 = arith.constant 0 : i32
        %dma_start3A_144 = arith.constant 0 : i32
        %dma_start3A_145 = tpu.memref_slice %arg9[%dma_start3A_143, %dma_start3A_144] : memref<10112x144xf32, #tpu.memory_space<vmem_shared>> -> memref<10112x144xf32, #tpu.memory_space<vmem_shared>>
        tpu.enqueue_indirect_dma source(%arg12 : memref<64x144xf32, #tpu.memory_space<vmem>>) target(%dma_start3A_145 : memref<10112x144xf32, #tpu.memory_space<vmem_shared>>) offsets(%dma_start3A_142 : memref<64xi32, #tpu.memory_space<vmem>>) semaphore(%run_scoped3A_139 : memref<!tpu.dma_semaphore, #tpu.memory_space<semaphore_mem>>) {add = true}
        %dma_wait3A_146 = arith.constant 128 : i32
        %dma_wait3A_147 = tpu.memref_slice %arg11[%run_scoped3A_64, %dma_wait3A_146] : memref<2x512xi32, #tpu.memory_space<vmem>> -> memref<1x64xi32, #tpu.memory_space<vmem>>
        %dma_wait3A_148 = tpu.memref_squeeze %dma_wait3A_147 : memref<1x64xi32, #tpu.memory_space<vmem>> -> memref<64xi32, #tpu.memory_space<vmem>>
        %dma_wait3A_149 = arith.constant 0 : i32
        %dma_wait3A_150 = arith.constant 0 : i32
        %dma_wait3A_151 = tpu.memref_slice %arg9[%dma_wait3A_149, %dma_wait3A_150] : memref<10112x144xf32, #tpu.memory_space<vmem_shared>> -> memref<10112x144xf32, #tpu.memory_space<vmem_shared>>
        tpu.wait_indirect_dma semaphore(%run_scoped3A_139 : memref<!tpu.dma_semaphore, #tpu.memory_space<semaphore_mem>>) src(%arg12 : memref<64x144xf32, #tpu.memory_space<vmem>>) dst(%dma_wait3A_151 : memref<10112x144xf32, #tpu.memory_space<vmem_shared>>)
        tpu.yield
      }) : () -> ()
      %run_scoped3A_65 = arith.constant 0 : i32
      "tpu.region"() ({
        %run_scoped3A_139 = tpu.sem_alloc : memref<!tpu.dma_semaphore, #tpu.memory_space<semaphore_mem>>
        %dma_start3A_140 = arith.constant 128 : i32
        %dma_start3A_141 = arith.constant 0 : i32
        %dma_start3A_142 = tpu.memref_slice %arg14[%dma_start3A_140, %dma_start3A_141] : memref<512x16xf32, #tpu.memory_space<vmem>> -> memref<64x16xf32, #tpu.memory_space<vmem>>
        %dma_start3A_143 = arith.constant 128 : i32
        %dma_start3A_144 = tpu.memref_slice %arg11[%run_scoped3A_65, %dma_start3A_143] : memref<2x512xi32, #tpu.memory_space<vmem>> -> memref<1x64xi32, #tpu.memory_space<vmem>>
        %dma_start3A_145 = tpu.memref_squeeze %dma_start3A_144 : memref<1x64xi32, #tpu.memory_space<vmem>> -> memref<64xi32, #tpu.memory_space<vmem>>
        %dma_start3A_146 = arith.constant 0 : i32
        %dma_start3A_147 = arith.constant 0 : i32
        %dma_start3A_148 = tpu.memref_slice %arg10[%dma_start3A_146, %dma_start3A_147] : memref<10112x16xf32, #tpu.memory_space<vmem_shared>> -> memref<10112x16xf32, #tpu.memory_space<vmem_shared>>
        tpu.enqueue_indirect_dma source(%dma_start3A_142 : memref<64x16xf32, #tpu.memory_space<vmem>>) target(%dma_start3A_148 : memref<10112x16xf32, #tpu.memory_space<vmem_shared>>) offsets(%dma_start3A_145 : memref<64xi32, #tpu.memory_space<vmem>>) semaphore(%run_scoped3A_139 : memref<!tpu.dma_semaphore, #tpu.memory_space<semaphore_mem>>) {add = true}
        %dma_wait3A_149 = arith.constant 128 : i32
        %dma_wait3A_150 = arith.constant 0 : i32
        %dma_wait3A_151 = tpu.memref_slice %arg14[%dma_wait3A_149, %dma_wait3A_150] : memref<512x16xf32, #tpu.memory_space<vmem>> -> memref<64x16xf32, #tpu.memory_space<vmem>>
        %dma_wait3A_152 = arith.constant 128 : i32
        %dma_wait3A_153 = tpu.memref_slice %arg11[%run_scoped3A_65, %dma_wait3A_152] : memref<2x512xi32, #tpu.memory_space<vmem>> -> memref<1x64xi32, #tpu.memory_space<vmem>>
        %dma_wait3A_154 = tpu.memref_squeeze %dma_wait3A_153 : memref<1x64xi32, #tpu.memory_space<vmem>> -> memref<64xi32, #tpu.memory_space<vmem>>
        %dma_wait3A_155 = arith.constant 0 : i32
        %dma_wait3A_156 = arith.constant 0 : i32
        %dma_wait3A_157 = tpu.memref_slice %arg10[%dma_wait3A_155, %dma_wait3A_156] : memref<10112x16xf32, #tpu.memory_space<vmem_shared>> -> memref<10112x16xf32, #tpu.memory_space<vmem_shared>>
        tpu.wait_indirect_dma semaphore(%run_scoped3A_139 : memref<!tpu.dma_semaphore, #tpu.memory_space<semaphore_mem>>) src(%dma_wait3A_151 : memref<64x16xf32, #tpu.memory_space<vmem>>) dst(%dma_wait3A_157 : memref<10112x16xf32, #tpu.memory_space<vmem_shared>>)
        tpu.yield
      }) : () -> ()
      %dma_wait3A_66 = arith.constant 1 : i32
      %dma_wait3A_67 = arith.constant 192 : i32
      %dma_wait3A_68 = tpu.memref_slice %arg11[%dma_wait3A_66, %dma_wait3A_67] : memref<2x512xi32, #tpu.memory_space<vmem>> -> memref<1x64xi32, #tpu.memory_space<vmem>>
      %dma_wait3A_69 = tpu.memref_squeeze %dma_wait3A_68 : memref<1x64xi32, #tpu.memory_space<vmem>> -> memref<64xi32, #tpu.memory_space<vmem>>
      %dma_wait3A_70 = arith.constant 0 : i32
      %dma_wait3A_71 = arith.constant 0 : i32
      %dma_wait3A_72 = tpu.memref_slice %arg2[%dma_wait3A_70, %dma_wait3A_71] : memref<10000x144xf32, #tpu.memory_space<hbm>> -> memref<10000x144xf32, #tpu.memory_space<hbm>>
      tpu.wait_indirect_dma semaphore(%arg16 : memref<!tpu.dma_semaphore, #tpu.memory_space<semaphore_mem>>) src(%dma_wait3A_72 : memref<10000x144xf32, #tpu.memory_space<hbm>>) dst(%arg13 : memref<64x144xf32, #tpu.memory_space<vmem>>)
      %dma_start3A_73 = arith.constant 1 : i32
      %dma_start3A_74 = arith.constant 256 : i32
      %dma_start3A_75 = tpu.memref_slice %arg11[%dma_start3A_73, %dma_start3A_74] : memref<2x512xi32, #tpu.memory_space<vmem>> -> memref<1x64xi32, #tpu.memory_space<vmem>>
      %dma_start3A_76 = tpu.memref_squeeze %dma_start3A_75 : memref<1x64xi32, #tpu.memory_space<vmem>> -> memref<64xi32, #tpu.memory_space<vmem>>
      %dma_start3A_77 = arith.constant 0 : i32
      %dma_start3A_78 = arith.constant 0 : i32
      %dma_start3A_79 = tpu.memref_slice %arg2[%dma_start3A_77, %dma_start3A_78] : memref<10000x144xf32, #tpu.memory_space<hbm>> -> memref<10000x144xf32, #tpu.memory_space<hbm>>
      tpu.enqueue_indirect_dma source(%dma_start3A_79 : memref<10000x144xf32, #tpu.memory_space<hbm>>) target(%arg12 : memref<64x144xf32, #tpu.memory_space<vmem>>) offsets(%dma_start3A_76 : memref<64xi32, #tpu.memory_space<vmem>>) semaphore(%arg15 : memref<!tpu.dma_semaphore, #tpu.memory_space<semaphore_mem>>)
      %run_scoped3A_80 = arith.constant 0 : i32
      "tpu.region"() ({
        %run_scoped3A_139 = tpu.sem_alloc : memref<!tpu.dma_semaphore, #tpu.memory_space<semaphore_mem>>
        %dma_start3A_140 = arith.constant 192 : i32
        %dma_start3A_141 = tpu.memref_slice %arg11[%run_scoped3A_80, %dma_start3A_140] : memref<2x512xi32, #tpu.memory_space<vmem>> -> memref<1x64xi32, #tpu.memory_space<vmem>>
        %dma_start3A_142 = tpu.memref_squeeze %dma_start3A_141 : memref<1x64xi32, #tpu.memory_space<vmem>> -> memref<64xi32, #tpu.memory_space<vmem>>
        %dma_start3A_143 = arith.constant 0 : i32
        %dma_start3A_144 = arith.constant 0 : i32
        %dma_start3A_145 = tpu.memref_slice %arg9[%dma_start3A_143, %dma_start3A_144] : memref<10112x144xf32, #tpu.memory_space<vmem_shared>> -> memref<10112x144xf32, #tpu.memory_space<vmem_shared>>
        tpu.enqueue_indirect_dma source(%arg13 : memref<64x144xf32, #tpu.memory_space<vmem>>) target(%dma_start3A_145 : memref<10112x144xf32, #tpu.memory_space<vmem_shared>>) offsets(%dma_start3A_142 : memref<64xi32, #tpu.memory_space<vmem>>) semaphore(%run_scoped3A_139 : memref<!tpu.dma_semaphore, #tpu.memory_space<semaphore_mem>>) {add = true}
        %dma_wait3A_146 = arith.constant 192 : i32
        %dma_wait3A_147 = tpu.memref_slice %arg11[%run_scoped3A_80, %dma_wait3A_146] : memref<2x512xi32, #tpu.memory_space<vmem>> -> memref<1x64xi32, #tpu.memory_space<vmem>>
        %dma_wait3A_148 = tpu.memref_squeeze %dma_wait3A_147 : memref<1x64xi32, #tpu.memory_space<vmem>> -> memref<64xi32, #tpu.memory_space<vmem>>
        %dma_wait3A_149 = arith.constant 0 : i32
        %dma_wait3A_150 = arith.constant 0 : i32
        %dma_wait3A_151 = tpu.memref_slice %arg9[%dma_wait3A_149, %dma_wait3A_150] : memref<10112x144xf32, #tpu.memory_space<vmem_shared>> -> memref<10112x144xf32, #tpu.memory_space<vmem_shared>>
        tpu.wait_indirect_dma semaphore(%run_scoped3A_139 : memref<!tpu.dma_semaphore, #tpu.memory_space<semaphore_mem>>) src(%arg13 : memref<64x144xf32, #tpu.memory_space<vmem>>) dst(%dma_wait3A_151 : memref<10112x144xf32, #tpu.memory_space<vmem_shared>>)
        tpu.yield
      }) : () -> ()
      %run_scoped3A_81 = arith.constant 0 : i32
      "tpu.region"() ({
        %run_scoped3A_139 = tpu.sem_alloc : memref<!tpu.dma_semaphore, #tpu.memory_space<semaphore_mem>>
        %dma_start3A_140 = arith.constant 192 : i32
        %dma_start3A_141 = arith.constant 0 : i32
        %dma_start3A_142 = tpu.memref_slice %arg14[%dma_start3A_140, %dma_start3A_141] : memref<512x16xf32, #tpu.memory_space<vmem>> -> memref<64x16xf32, #tpu.memory_space<vmem>>
        %dma_start3A_143 = arith.constant 192 : i32
        %dma_start3A_144 = tpu.memref_slice %arg11[%run_scoped3A_81, %dma_start3A_143] : memref<2x512xi32, #tpu.memory_space<vmem>> -> memref<1x64xi32, #tpu.memory_space<vmem>>
        %dma_start3A_145 = tpu.memref_squeeze %dma_start3A_144 : memref<1x64xi32, #tpu.memory_space<vmem>> -> memref<64xi32, #tpu.memory_space<vmem>>
        %dma_start3A_146 = arith.constant 0 : i32
        %dma_start3A_147 = arith.constant 0 : i32
        %dma_start3A_148 = tpu.memref_slice %arg10[%dma_start3A_146, %dma_start3A_147] : memref<10112x16xf32, #tpu.memory_space<vmem_shared>> -> memref<10112x16xf32, #tpu.memory_space<vmem_shared>>
        tpu.enqueue_indirect_dma source(%dma_start3A_142 : memref<64x16xf32, #tpu.memory_space<vmem>>) target(%dma_start3A_148 : memref<10112x16xf32, #tpu.memory_space<vmem_shared>>) offsets(%dma_start3A_145 : memref<64xi32, #tpu.memory_space<vmem>>) semaphore(%run_scoped3A_139 : memref<!tpu.dma_semaphore, #tpu.memory_space<semaphore_mem>>) {add = true}
        %dma_wait3A_149 = arith.constant 192 : i32
        %dma_wait3A_150 = arith.constant 0 : i32
        %dma_wait3A_151 = tpu.memref_slice %arg14[%dma_wait3A_149, %dma_wait3A_150] : memref<512x16xf32, #tpu.memory_space<vmem>> -> memref<64x16xf32, #tpu.memory_space<vmem>>
        %dma_wait3A_152 = arith.constant 192 : i32
        %dma_wait3A_153 = tpu.memref_slice %arg11[%run_scoped3A_81, %dma_wait3A_152] : memref<2x512xi32, #tpu.memory_space<vmem>> -> memref<1x64xi32, #tpu.memory_space<vmem>>
        %dma_wait3A_154 = tpu.memref_squeeze %dma_wait3A_153 : memref<1x64xi32, #tpu.memory_space<vmem>> -> memref<64xi32, #tpu.memory_space<vmem>>
        %dma_wait3A_155 = arith.constant 0 : i32
        %dma_wait3A_156 = arith.constant 0 : i32
        %dma_wait3A_157 = tpu.memref_slice %arg10[%dma_wait3A_155, %dma_wait3A_156] : memref<10112x16xf32, #tpu.memory_space<vmem_shared>> -> memref<10112x16xf32, #tpu.memory_space<vmem_shared>>
        tpu.wait_indirect_dma semaphore(%run_scoped3A_139 : memref<!tpu.dma_semaphore, #tpu.memory_space<semaphore_mem>>) src(%dma_wait3A_151 : memref<64x16xf32, #tpu.memory_space<vmem>>) dst(%dma_wait3A_157 : memref<10112x16xf32, #tpu.memory_space<vmem_shared>>)
        tpu.yield
      }) : () -> ()
      %dma_wait3A_82 = arith.constant 1 : i32
      %dma_wait3A_83 = arith.constant 256 : i32
      %dma_wait3A_84 = tpu.memref_slice %arg11[%dma_wait3A_82, %dma_wait3A_83] : memref<2x512xi32, #tpu.memory_space<vmem>> -> memref<1x64xi32, #tpu.memory_space<vmem>>
      %dma_wait3A_85 = tpu.memref_squeeze %dma_wait3A_84 : memref<1x64xi32, #tpu.memory_space<vmem>> -> memref<64xi32, #tpu.memory_space<vmem>>
      %dma_wait3A_86 = arith.constant 0 : i32
      %dma_wait3A_87 = arith.constant 0 : i32
      %dma_wait3A_88 = tpu.memref_slice %arg2[%dma_wait3A_86, %dma_wait3A_87] : memref<10000x144xf32, #tpu.memory_space<hbm>> -> memref<10000x144xf32, #tpu.memory_space<hbm>>
      tpu.wait_indirect_dma semaphore(%arg15 : memref<!tpu.dma_semaphore, #tpu.memory_space<semaphore_mem>>) src(%dma_wait3A_88 : memref<10000x144xf32, #tpu.memory_space<hbm>>) dst(%arg12 : memref<64x144xf32, #tpu.memory_space<vmem>>)
      %dma_start3A_89 = arith.constant 1 : i32
      %dma_start3A_90 = arith.constant 320 : i32
      %dma_start3A_91 = tpu.memref_slice %arg11[%dma_start3A_89, %dma_start3A_90] : memref<2x512xi32, #tpu.memory_space<vmem>> -> memref<1x64xi32, #tpu.memory_space<vmem>>
      %dma_start3A_92 = tpu.memref_squeeze %dma_start3A_91 : memref<1x64xi32, #tpu.memory_space<vmem>> -> memref<64xi32, #tpu.memory_space<vmem>>
      %dma_start3A_93 = arith.constant 0 : i32
      %dma_start3A_94 = arith.constant 0 : i32
      %dma_start3A_95 = tpu.memref_slice %arg2[%dma_start3A_93, %dma_start3A_94] : memref<10000x144xf32, #tpu.memory_space<hbm>> -> memref<10000x144xf32, #tpu.memory_space<hbm>>
      tpu.enqueue_indirect_dma source(%dma_start3A_95 : memref<10000x144xf32, #tpu.memory_space<hbm>>) target(%arg13 : memref<64x144xf32, #tpu.memory_space<vmem>>) offsets(%dma_start3A_92 : memref<64xi32, #tpu.memory_space<vmem>>) semaphore(%arg16 : memref<!tpu.dma_semaphore, #tpu.memory_space<semaphore_mem>>)
      %run_scoped3A_96 = arith.constant 0 : i32
      "tpu.region"() ({
        %run_scoped3A_139 = tpu.sem_alloc : memref<!tpu.dma_semaphore, #tpu.memory_space<semaphore_mem>>
        %dma_start3A_140 = arith.constant 256 : i32
        %dma_start3A_141 = tpu.memref_slice %arg11[%run_scoped3A_96, %dma_start3A_140] : memref<2x512xi32, #tpu.memory_space<vmem>> -> memref<1x64xi32, #tpu.memory_space<vmem>>
        %dma_start3A_142 = tpu.memref_squeeze %dma_start3A_141 : memref<1x64xi32, #tpu.memory_space<vmem>> -> memref<64xi32, #tpu.memory_space<vmem>>
        %dma_start3A_143 = arith.constant 0 : i32
        %dma_start3A_144 = arith.constant 0 : i32
        %dma_start3A_145 = tpu.memref_slice %arg9[%dma_start3A_143, %dma_start3A_144] : memref<10112x144xf32, #tpu.memory_space<vmem_shared>> -> memref<10112x144xf32, #tpu.memory_space<vmem_shared>>
        tpu.enqueue_indirect_dma source(%arg12 : memref<64x144xf32, #tpu.memory_space<vmem>>) target(%dma_start3A_145 : memref<10112x144xf32, #tpu.memory_space<vmem_shared>>) offsets(%dma_start3A_142 : memref<64xi32, #tpu.memory_space<vmem>>) semaphore(%run_scoped3A_139 : memref<!tpu.dma_semaphore, #tpu.memory_space<semaphore_mem>>) {add = true}
        %dma_wait3A_146 = arith.constant 256 : i32
        %dma_wait3A_147 = tpu.memref_slice %arg11[%run_scoped3A_96, %dma_wait3A_146] : memref<2x512xi32, #tpu.memory_space<vmem>> -> memref<1x64xi32, #tpu.memory_space<vmem>>
        %dma_wait3A_148 = tpu.memref_squeeze %dma_wait3A_147 : memref<1x64xi32, #tpu.memory_space<vmem>> -> memref<64xi32, #tpu.memory_space<vmem>>
        %dma_wait3A_149 = arith.constant 0 : i32
        %dma_wait3A_150 = arith.constant 0 : i32
        %dma_wait3A_151 = tpu.memref_slice %arg9[%dma_wait3A_149, %dma_wait3A_150] : memref<10112x144xf32, #tpu.memory_space<vmem_shared>> -> memref<10112x144xf32, #tpu.memory_space<vmem_shared>>
        tpu.wait_indirect_dma semaphore(%run_scoped3A_139 : memref<!tpu.dma_semaphore, #tpu.memory_space<semaphore_mem>>) src(%arg12 : memref<64x144xf32, #tpu.memory_space<vmem>>) dst(%dma_wait3A_151 : memref<10112x144xf32, #tpu.memory_space<vmem_shared>>)
        tpu.yield
      }) : () -> ()
      %run_scoped3A_97 = arith.constant 0 : i32
      "tpu.region"() ({
        %run_scoped3A_139 = tpu.sem_alloc : memref<!tpu.dma_semaphore, #tpu.memory_space<semaphore_mem>>
        %dma_start3A_140 = arith.constant 256 : i32
        %dma_start3A_141 = arith.constant 0 : i32
        %dma_start3A_142 = tpu.memref_slice %arg14[%dma_start3A_140, %dma_start3A_141] : memref<512x16xf32, #tpu.memory_space<vmem>> -> memref<64x16xf32, #tpu.memory_space<vmem>>
        %dma_start3A_143 = arith.constant 256 : i32
        %dma_start3A_144 = tpu.memref_slice %arg11[%run_scoped3A_97, %dma_start3A_143] : memref<2x512xi32, #tpu.memory_space<vmem>> -> memref<1x64xi32, #tpu.memory_space<vmem>>
        %dma_start3A_145 = tpu.memref_squeeze %dma_start3A_144 : memref<1x64xi32, #tpu.memory_space<vmem>> -> memref<64xi32, #tpu.memory_space<vmem>>
        %dma_start3A_146 = arith.constant 0 : i32
        %dma_start3A_147 = arith.constant 0 : i32
        %dma_start3A_148 = tpu.memref_slice %arg10[%dma_start3A_146, %dma_start3A_147] : memref<10112x16xf32, #tpu.memory_space<vmem_shared>> -> memref<10112x16xf32, #tpu.memory_space<vmem_shared>>
        tpu.enqueue_indirect_dma source(%dma_start3A_142 : memref<64x16xf32, #tpu.memory_space<vmem>>) target(%dma_start3A_148 : memref<10112x16xf32, #tpu.memory_space<vmem_shared>>) offsets(%dma_start3A_145 : memref<64xi32, #tpu.memory_space<vmem>>) semaphore(%run_scoped3A_139 : memref<!tpu.dma_semaphore, #tpu.memory_space<semaphore_mem>>) {add = true}
        %dma_wait3A_149 = arith.constant 256 : i32
        %dma_wait3A_150 = arith.constant 0 : i32
        %dma_wait3A_151 = tpu.memref_slice %arg14[%dma_wait3A_149, %dma_wait3A_150] : memref<512x16xf32, #tpu.memory_space<vmem>> -> memref<64x16xf32, #tpu.memory_space<vmem>>
        %dma_wait3A_152 = arith.constant 256 : i32
        %dma_wait3A_153 = tpu.memref_slice %arg11[%run_scoped3A_97, %dma_wait3A_152] : memref<2x512xi32, #tpu.memory_space<vmem>> -> memref<1x64xi32, #tpu.memory_space<vmem>>
        %dma_wait3A_154 = tpu.memref_squeeze %dma_wait3A_153 : memref<1x64xi32, #tpu.memory_space<vmem>> -> memref<64xi32, #tpu.memory_space<vmem>>
        %dma_wait3A_155 = arith.constant 0 : i32
        %dma_wait3A_156 = arith.constant 0 : i32
        %dma_wait3A_157 = tpu.memref_slice %arg10[%dma_wait3A_155, %dma_wait3A_156] : memref<10112x16xf32, #tpu.memory_space<vmem_shared>> -> memref<10112x16xf32, #tpu.memory_space<vmem_shared>>
        tpu.wait_indirect_dma semaphore(%run_scoped3A_139 : memref<!tpu.dma_semaphore, #tpu.memory_space<semaphore_mem>>) src(%dma_wait3A_151 : memref<64x16xf32, #tpu.memory_space<vmem>>) dst(%dma_wait3A_157 : memref<10112x16xf32, #tpu.memory_space<vmem_shared>>)
        tpu.yield
      }) : () -> ()
      %dma_wait3A_98 = arith.constant 1 : i32
      %dma_wait3A_99 = arith.constant 320 : i32
      %dma_wait3A_100 = tpu.memref_slice %arg11[%dma_wait3A_98, %dma_wait3A_99] : memref<2x512xi32, #tpu.memory_space<vmem>> -> memref<1x64xi32, #tpu.memory_space<vmem>>
      %dma_wait3A_101 = tpu.memref_squeeze %dma_wait3A_100 : memref<1x64xi32, #tpu.memory_space<vmem>> -> memref<64xi32, #tpu.memory_space<vmem>>
      %dma_wait3A_102 = arith.constant 0 : i32
      %dma_wait3A_103 = arith.constant 0 : i32
      %dma_wait3A_104 = tpu.memref_slice %arg2[%dma_wait3A_102, %dma_wait3A_103] : memref<10000x144xf32, #tpu.memory_space<hbm>> -> memref<10000x144xf32, #tpu.memory_space<hbm>>
      tpu.wait_indirect_dma semaphore(%arg16 : memref<!tpu.dma_semaphore, #tpu.memory_space<semaphore_mem>>) src(%dma_wait3A_104 : memref<10000x144xf32, #tpu.memory_space<hbm>>) dst(%arg13 : memref<64x144xf32, #tpu.memory_space<vmem>>)
      %dma_start3A_105 = arith.constant 1 : i32
      %dma_start3A_106 = arith.constant 384 : i32
      %dma_start3A_107 = tpu.memref_slice %arg11[%dma_start3A_105, %dma_start3A_106] : memref<2x512xi32, #tpu.memory_space<vmem>> -> memref<1x64xi32, #tpu.memory_space<vmem>>
      %dma_start3A_108 = tpu.memref_squeeze %dma_start3A_107 : memref<1x64xi32, #tpu.memory_space<vmem>> -> memref<64xi32, #tpu.memory_space<vmem>>
      %dma_start3A_109 = arith.constant 0 : i32
      %dma_start3A_110 = arith.constant 0 : i32
      %dma_start3A_111 = tpu.memref_slice %arg2[%dma_start3A_109, %dma_start3A_110] : memref<10000x144xf32, #tpu.memory_space<hbm>> -> memref<10000x144xf32, #tpu.memory_space<hbm>>
      tpu.enqueue_indirect_dma source(%dma_start3A_111 : memref<10000x144xf32, #tpu.memory_space<hbm>>) target(%arg12 : memref<64x144xf32, #tpu.memory_space<vmem>>) offsets(%dma_start3A_108 : memref<64xi32, #tpu.memory_space<vmem>>) semaphore(%arg15 : memref<!tpu.dma_semaphore, #tpu.memory_space<semaphore_mem>>)
      %run_scoped3A_112 = arith.constant 0 : i32
      "tpu.region"() ({
        %run_scoped3A_139 = tpu.sem_alloc : memref<!tpu.dma_semaphore, #tpu.memory_space<semaphore_mem>>
        %dma_start3A_140 = arith.constant 320 : i32
        %dma_start3A_141 = tpu.memref_slice %arg11[%run_scoped3A_112, %dma_start3A_140] : memref<2x512xi32, #tpu.memory_space<vmem>> -> memref<1x64xi32, #tpu.memory_space<vmem>>
        %dma_start3A_142 = tpu.memref_squeeze %dma_start3A_141 : memref<1x64xi32, #tpu.memory_space<vmem>> -> memref<64xi32, #tpu.memory_space<vmem>>
        %dma_start3A_143 = arith.constant 0 : i32
        %dma_start3A_144 = arith.constant 0 : i32
        %dma_start3A_145 = tpu.memref_slice %arg9[%dma_start3A_143, %dma_start3A_144] : memref<10112x144xf32, #tpu.memory_space<vmem_shared>> -> memref<10112x144xf32, #tpu.memory_space<vmem_shared>>
        tpu.enqueue_indirect_dma source(%arg13 : memref<64x144xf32, #tpu.memory_space<vmem>>) target(%dma_start3A_145 : memref<10112x144xf32, #tpu.memory_space<vmem_shared>>) offsets(%dma_start3A_142 : memref<64xi32, #tpu.memory_space<vmem>>) semaphore(%run_scoped3A_139 : memref<!tpu.dma_semaphore, #tpu.memory_space<semaphore_mem>>) {add = true}
        %dma_wait3A_146 = arith.constant 320 : i32
        %dma_wait3A_147 = tpu.memref_slice %arg11[%run_scoped3A_112, %dma_wait3A_146] : memref<2x512xi32, #tpu.memory_space<vmem>> -> memref<1x64xi32, #tpu.memory_space<vmem>>
        %dma_wait3A_148 = tpu.memref_squeeze %dma_wait3A_147 : memref<1x64xi32, #tpu.memory_space<vmem>> -> memref<64xi32, #tpu.memory_space<vmem>>
        %dma_wait3A_149 = arith.constant 0 : i32
        %dma_wait3A_150 = arith.constant 0 : i32
        %dma_wait3A_151 = tpu.memref_slice %arg9[%dma_wait3A_149, %dma_wait3A_150] : memref<10112x144xf32, #tpu.memory_space<vmem_shared>> -> memref<10112x144xf32, #tpu.memory_space<vmem_shared>>
        tpu.wait_indirect_dma semaphore(%run_scoped3A_139 : memref<!tpu.dma_semaphore, #tpu.memory_space<semaphore_mem>>) src(%arg13 : memref<64x144xf32, #tpu.memory_space<vmem>>) dst(%dma_wait3A_151 : memref<10112x144xf32, #tpu.memory_space<vmem_shared>>)
        tpu.yield
      }) : () -> ()
      %run_scoped3A_113 = arith.constant 0 : i32
      "tpu.region"() ({
        %run_scoped3A_139 = tpu.sem_alloc : memref<!tpu.dma_semaphore, #tpu.memory_space<semaphore_mem>>
        %dma_start3A_140 = arith.constant 320 : i32
        %dma_start3A_141 = arith.constant 0 : i32
        %dma_start3A_142 = tpu.memref_slice %arg14[%dma_start3A_140, %dma_start3A_141] : memref<512x16xf32, #tpu.memory_space<vmem>> -> memref<64x16xf32, #tpu.memory_space<vmem>>
        %dma_start3A_143 = arith.constant 320 : i32
        %dma_start3A_144 = tpu.memref_slice %arg11[%run_scoped3A_113, %dma_start3A_143] : memref<2x512xi32, #tpu.memory_space<vmem>> -> memref<1x64xi32, #tpu.memory_space<vmem>>
        %dma_start3A_145 = tpu.memref_squeeze %dma_start3A_144 : memref<1x64xi32, #tpu.memory_space<vmem>> -> memref<64xi32, #tpu.memory_space<vmem>>
        %dma_start3A_146 = arith.constant 0 : i32
        %dma_start3A_147 = arith.constant 0 : i32
        %dma_start3A_148 = tpu.memref_slice %arg10[%dma_start3A_146, %dma_start3A_147] : memref<10112x16xf32, #tpu.memory_space<vmem_shared>> -> memref<10112x16xf32, #tpu.memory_space<vmem_shared>>
        tpu.enqueue_indirect_dma source(%dma_start3A_142 : memref<64x16xf32, #tpu.memory_space<vmem>>) target(%dma_start3A_148 : memref<10112x16xf32, #tpu.memory_space<vmem_shared>>) offsets(%dma_start3A_145 : memref<64xi32, #tpu.memory_space<vmem>>) semaphore(%run_scoped3A_139 : memref<!tpu.dma_semaphore, #tpu.memory_space<semaphore_mem>>) {add = true}
        %dma_wait3A_149 = arith.constant 320 : i32
        %dma_wait3A_150 = arith.constant 0 : i32
        %dma_wait3A_151 = tpu.memref_slice %arg14[%dma_wait3A_149, %dma_wait3A_150] : memref<512x16xf32, #tpu.memory_space<vmem>> -> memref<64x16xf32, #tpu.memory_space<vmem>>
        %dma_wait3A_152 = arith.constant 320 : i32
        %dma_wait3A_153 = tpu.memref_slice %arg11[%run_scoped3A_113, %dma_wait3A_152] : memref<2x512xi32, #tpu.memory_space<vmem>> -> memref<1x64xi32, #tpu.memory_space<vmem>>
        %dma_wait3A_154 = tpu.memref_squeeze %dma_wait3A_153 : memref<1x64xi32, #tpu.memory_space<vmem>> -> memref<64xi32, #tpu.memory_space<vmem>>
        %dma_wait3A_155 = arith.constant 0 : i32
        %dma_wait3A_156 = arith.constant 0 : i32
        %dma_wait3A_157 = tpu.memref_slice %arg10[%dma_wait3A_155, %dma_wait3A_156] : memref<10112x16xf32, #tpu.memory_space<vmem_shared>> -> memref<10112x16xf32, #tpu.memory_space<vmem_shared>>
        tpu.wait_indirect_dma semaphore(%run_scoped3A_139 : memref<!tpu.dma_semaphore, #tpu.memory_space<semaphore_mem>>) src(%dma_wait3A_151 : memref<64x16xf32, #tpu.memory_space<vmem>>) dst(%dma_wait3A_157 : memref<10112x16xf32, #tpu.memory_space<vmem_shared>>)
        tpu.yield
      }) : () -> ()
      %dma_wait3A_114 = arith.constant 1 : i32
      %dma_wait3A_115 = arith.constant 384 : i32
      %dma_wait3A_116 = tpu.memref_slice %arg11[%dma_wait3A_114, %dma_wait3A_115] : memref<2x512xi32, #tpu.memory_space<vmem>> -> memref<1x64xi32, #tpu.memory_space<vmem>>
      %dma_wait3A_117 = tpu.memref_squeeze %dma_wait3A_116 : memref<1x64xi32, #tpu.memory_space<vmem>> -> memref<64xi32, #tpu.memory_space<vmem>>
      %dma_wait3A_118 = arith.constant 0 : i32
      %dma_wait3A_119 = arith.constant 0 : i32
      %dma_wait3A_120 = tpu.memref_slice %arg2[%dma_wait3A_118, %dma_wait3A_119] : memref<10000x144xf32, #tpu.memory_space<hbm>> -> memref<10000x144xf32, #tpu.memory_space<hbm>>
      tpu.wait_indirect_dma semaphore(%arg15 : memref<!tpu.dma_semaphore, #tpu.memory_space<semaphore_mem>>) src(%dma_wait3A_120 : memref<10000x144xf32, #tpu.memory_space<hbm>>) dst(%arg12 : memref<64x144xf32, #tpu.memory_space<vmem>>)
      %dma_start3A_121 = arith.constant 1 : i32
      %dma_start3A_122 = arith.constant 448 : i32
      %dma_start3A_123 = tpu.memref_slice %arg11[%dma_start3A_121, %dma_start3A_122] : memref<2x512xi32, #tpu.memory_space<vmem>> -> memref<1x64xi32, #tpu.memory_space<vmem>>
      %dma_start3A_124 = tpu.memref_squeeze %dma_start3A_123 : memref<1x64xi32, #tpu.memory_space<vmem>> -> memref<64xi32, #tpu.memory_space<vmem>>
      %dma_start3A_125 = arith.constant 0 : i32
      %dma_start3A_126 = arith.constant 0 : i32
      %dma_start3A_127 = tpu.memref_slice %arg2[%dma_start3A_125, %dma_start3A_126] : memref<10000x144xf32, #tpu.memory_space<hbm>> -> memref<10000x144xf32, #tpu.memory_space<hbm>>
      tpu.enqueue_indirect_dma source(%dma_start3A_127 : memref<10000x144xf32, #tpu.memory_space<hbm>>) target(%arg13 : memref<64x144xf32, #tpu.memory_space<vmem>>) offsets(%dma_start3A_124 : memref<64xi32, #tpu.memory_space<vmem>>) semaphore(%arg16 : memref<!tpu.dma_semaphore, #tpu.memory_space<semaphore_mem>>)
      %run_scoped3A_128 = arith.constant 0 : i32
      "tpu.region"() ({
        %run_scoped3A_139 = tpu.sem_alloc : memref<!tpu.dma_semaphore, #tpu.memory_space<semaphore_mem>>
        %dma_start3A_140 = arith.constant 384 : i32
        %dma_start3A_141 = tpu.memref_slice %arg11[%run_scoped3A_128, %dma_start3A_140] : memref<2x512xi32, #tpu.memory_space<vmem>> -> memref<1x64xi32, #tpu.memory_space<vmem>>
        %dma_start3A_142 = tpu.memref_squeeze %dma_start3A_141 : memref<1x64xi32, #tpu.memory_space<vmem>> -> memref<64xi32, #tpu.memory_space<vmem>>
        %dma_start3A_143 = arith.constant 0 : i32
        %dma_start3A_144 = arith.constant 0 : i32
        %dma_start3A_145 = tpu.memref_slice %arg9[%dma_start3A_143, %dma_start3A_144] : memref<10112x144xf32, #tpu.memory_space<vmem_shared>> -> memref<10112x144xf32, #tpu.memory_space<vmem_shared>>
        tpu.enqueue_indirect_dma source(%arg12 : memref<64x144xf32, #tpu.memory_space<vmem>>) target(%dma_start3A_145 : memref<10112x144xf32, #tpu.memory_space<vmem_shared>>) offsets(%dma_start3A_142 : memref<64xi32, #tpu.memory_space<vmem>>) semaphore(%run_scoped3A_139 : memref<!tpu.dma_semaphore, #tpu.memory_space<semaphore_mem>>) {add = true}
        %dma_wait3A_146 = arith.constant 384 : i32
        %dma_wait3A_147 = tpu.memref_slice %arg11[%run_scoped3A_128, %dma_wait3A_146] : memref<2x512xi32, #tpu.memory_space<vmem>> -> memref<1x64xi32, #tpu.memory_space<vmem>>
        %dma_wait3A_148 = tpu.memref_squeeze %dma_wait3A_147 : memref<1x64xi32, #tpu.memory_space<vmem>> -> memref<64xi32, #tpu.memory_space<vmem>>
        %dma_wait3A_149 = arith.constant 0 : i32
        %dma_wait3A_150 = arith.constant 0 : i32
        %dma_wait3A_151 = tpu.memref_slice %arg9[%dma_wait3A_149, %dma_wait3A_150] : memref<10112x144xf32, #tpu.memory_space<vmem_shared>> -> memref<10112x144xf32, #tpu.memory_space<vmem_shared>>
        tpu.wait_indirect_dma semaphore(%run_scoped3A_139 : memref<!tpu.dma_semaphore, #tpu.memory_space<semaphore_mem>>) src(%arg12 : memref<64x144xf32, #tpu.memory_space<vmem>>) dst(%dma_wait3A_151 : memref<10112x144xf32, #tpu.memory_space<vmem_shared>>)
        tpu.yield
      }) : () -> ()
      %run_scoped3A_129 = arith.constant 0 : i32
      "tpu.region"() ({
        %run_scoped3A_139 = tpu.sem_alloc : memref<!tpu.dma_semaphore, #tpu.memory_space<semaphore_mem>>
        %dma_start3A_140 = arith.constant 384 : i32
        %dma_start3A_141 = arith.constant 0 : i32
        %dma_start3A_142 = tpu.memref_slice %arg14[%dma_start3A_140, %dma_start3A_141] : memref<512x16xf32, #tpu.memory_space<vmem>> -> memref<64x16xf32, #tpu.memory_space<vmem>>
        %dma_start3A_143 = arith.constant 384 : i32
        %dma_start3A_144 = tpu.memref_slice %arg11[%run_scoped3A_129, %dma_start3A_143] : memref<2x512xi32, #tpu.memory_space<vmem>> -> memref<1x64xi32, #tpu.memory_space<vmem>>
        %dma_start3A_145 = tpu.memref_squeeze %dma_start3A_144 : memref<1x64xi32, #tpu.memory_space<vmem>> -> memref<64xi32, #tpu.memory_space<vmem>>
        %dma_start3A_146 = arith.constant 0 : i32
        %dma_start3A_147 = arith.constant 0 : i32
        %dma_start3A_148 = tpu.memref_slice %arg10[%dma_start3A_146, %dma_start3A_147] : memref<10112x16xf32, #tpu.memory_space<vmem_shared>> -> memref<10112x16xf32, #tpu.memory_space<vmem_shared>>
        tpu.enqueue_indirect_dma source(%dma_start3A_142 : memref<64x16xf32, #tpu.memory_space<vmem>>) target(%dma_start3A_148 : memref<10112x16xf32, #tpu.memory_space<vmem_shared>>) offsets(%dma_start3A_145 : memref<64xi32, #tpu.memory_space<vmem>>) semaphore(%run_scoped3A_139 : memref<!tpu.dma_semaphore, #tpu.memory_space<semaphore_mem>>) {add = true}
        %dma_wait3A_149 = arith.constant 384 : i32
        %dma_wait3A_150 = arith.constant 0 : i32
        %dma_wait3A_151 = tpu.memref_slice %arg14[%dma_wait3A_149, %dma_wait3A_150] : memref<512x16xf32, #tpu.memory_space<vmem>> -> memref<64x16xf32, #tpu.memory_space<vmem>>
        %dma_wait3A_152 = arith.constant 384 : i32
        %dma_wait3A_153 = tpu.memref_slice %arg11[%run_scoped3A_129, %dma_wait3A_152] : memref<2x512xi32, #tpu.memory_space<vmem>> -> memref<1x64xi32, #tpu.memory_space<vmem>>
        %dma_wait3A_154 = tpu.memref_squeeze %dma_wait3A_153 : memref<1x64xi32, #tpu.memory_space<vmem>> -> memref<64xi32, #tpu.memory_space<vmem>>
        %dma_wait3A_155 = arith.constant 0 : i32
        %dma_wait3A_156 = arith.constant 0 : i32
        %dma_wait3A_157 = tpu.memref_slice %arg10[%dma_wait3A_155, %dma_wait3A_156] : memref<10112x16xf32, #tpu.memory_space<vmem_shared>> -> memref<10112x16xf32, #tpu.memory_space<vmem_shared>>
        tpu.wait_indirect_dma semaphore(%run_scoped3A_139 : memref<!tpu.dma_semaphore, #tpu.memory_space<semaphore_mem>>) src(%dma_wait3A_151 : memref<64x16xf32, #tpu.memory_space<vmem>>) dst(%dma_wait3A_157 : memref<10112x16xf32, #tpu.memory_space<vmem_shared>>)
        tpu.yield
      }) : () -> ()
      %dma_wait3A_130 = arith.constant 1 : i32
      %dma_wait3A_131 = arith.constant 448 : i32
      %dma_wait3A_132 = tpu.memref_slice %arg11[%dma_wait3A_130, %dma_wait3A_131] : memref<2x512xi32, #tpu.memory_space<vmem>> -> memref<1x64xi32, #tpu.memory_space<vmem>>
      %dma_wait3A_133 = tpu.memref_squeeze %dma_wait3A_132 : memref<1x64xi32, #tpu.memory_space<vmem>> -> memref<64xi32, #tpu.memory_space<vmem>>
      %dma_wait3A_134 = arith.constant 0 : i32
      %dma_wait3A_135 = arith.constant 0 : i32
      %dma_wait3A_136 = tpu.memref_slice %arg2[%dma_wait3A_134, %dma_wait3A_135] : memref<10000x144xf32, #tpu.memory_space<hbm>> -> memref<10000x144xf32, #tpu.memory_space<hbm>>
      tpu.wait_indirect_dma semaphore(%arg16 : memref<!tpu.dma_semaphore, #tpu.memory_space<semaphore_mem>>) src(%dma_wait3A_136 : memref<10000x144xf32, #tpu.memory_space<hbm>>) dst(%arg13 : memref<64x144xf32, #tpu.memory_space<vmem>>)
      %run_scoped3A_137 = arith.constant 0 : i32
      "tpu.region"() ({
        %run_scoped3A_139 = tpu.sem_alloc : memref<!tpu.dma_semaphore, #tpu.memory_space<semaphore_mem>>
        %dma_start3A_140 = arith.constant 448 : i32
        %dma_start3A_141 = tpu.memref_slice %arg11[%run_scoped3A_137, %dma_start3A_140] : memref<2x512xi32, #tpu.memory_space<vmem>> -> memref<1x64xi32, #tpu.memory_space<vmem>>
        %dma_start3A_142 = tpu.memref_squeeze %dma_start3A_141 : memref<1x64xi32, #tpu.memory_space<vmem>> -> memref<64xi32, #tpu.memory_space<vmem>>
        %dma_start3A_143 = arith.constant 0 : i32
        %dma_start3A_144 = arith.constant 0 : i32
        %dma_start3A_145 = tpu.memref_slice %arg9[%dma_start3A_143, %dma_start3A_144] : memref<10112x144xf32, #tpu.memory_space<vmem_shared>> -> memref<10112x144xf32, #tpu.memory_space<vmem_shared>>
        tpu.enqueue_indirect_dma source(%arg13 : memref<64x144xf32, #tpu.memory_space<vmem>>) target(%dma_start3A_145 : memref<10112x144xf32, #tpu.memory_space<vmem_shared>>) offsets(%dma_start3A_142 : memref<64xi32, #tpu.memory_space<vmem>>) semaphore(%run_scoped3A_139 : memref<!tpu.dma_semaphore, #tpu.memory_space<semaphore_mem>>) {add = true}
        %dma_wait3A_146 = arith.constant 448 : i32
        %dma_wait3A_147 = tpu.memref_slice %arg11[%run_scoped3A_137, %dma_wait3A_146] : memref<2x512xi32, #tpu.memory_space<vmem>> -> memref<1x64xi32, #tpu.memory_space<vmem>>
        %dma_wait3A_148 = tpu.memref_squeeze %dma_wait3A_147 : memref<1x64xi32, #tpu.memory_space<vmem>> -> memref<64xi32, #tpu.memory_space<vmem>>
        %dma_wait3A_149 = arith.constant 0 : i32
        %dma_wait3A_150 = arith.constant 0 : i32
        %dma_wait3A_151 = tpu.memref_slice %arg9[%dma_wait3A_149, %dma_wait3A_150] : memref<10112x144xf32, #tpu.memory_space<vmem_shared>> -> memref<10112x144xf32, #tpu.memory_space<vmem_shared>>
        tpu.wait_indirect_dma semaphore(%run_scoped3A_139 : memref<!tpu.dma_semaphore, #tpu.memory_space<semaphore_mem>>) src(%arg13 : memref<64x144xf32, #tpu.memory_space<vmem>>) dst(%dma_wait3A_151 : memref<10112x144xf32, #tpu.memory_space<vmem_shared>>)
        tpu.yield
      }) : () -> ()
      %run_scoped3A_138 = arith.constant 0 : i32
      "tpu.region"() ({
        %run_scoped3A_139 = tpu.sem_alloc : memref<!tpu.dma_semaphore, #tpu.memory_space<semaphore_mem>>
        %dma_start3A_140 = arith.constant 448 : i32
        %dma_start3A_141 = arith.constant 0 : i32
        %dma_start3A_142 = tpu.memref_slice %arg14[%dma_start3A_140, %dma_start3A_141] : memref<512x16xf32, #tpu.memory_space<vmem>> -> memref<64x16xf32, #tpu.memory_space<vmem>>
        %dma_start3A_143 = arith.constant 448 : i32
        %dma_start3A_144 = tpu.memref_slice %arg11[%run_scoped3A_138, %dma_start3A_143] : memref<2x512xi32, #tpu.memory_space<vmem>> -> memref<1x64xi32, #tpu.memory_space<vmem>>
        %dma_start3A_145 = tpu.memref_squeeze %dma_start3A_144 : memref<1x64xi32, #tpu.memory_space<vmem>> -> memref<64xi32, #tpu.memory_space<vmem>>
        %dma_start3A_146 = arith.constant 0 : i32
        %dma_start3A_147 = arith.constant 0 : i32
        %dma_start3A_148 = tpu.memref_slice %arg10[%dma_start3A_146, %dma_start3A_147] : memref<10112x16xf32, #tpu.memory_space<vmem_shared>> -> memref<10112x16xf32, #tpu.memory_space<vmem_shared>>
        tpu.enqueue_indirect_dma source(%dma_start3A_142 : memref<64x16xf32, #tpu.memory_space<vmem>>) target(%dma_start3A_148 : memref<10112x16xf32, #tpu.memory_space<vmem_shared>>) offsets(%dma_start3A_145 : memref<64xi32, #tpu.memory_space<vmem>>) semaphore(%run_scoped3A_139 : memref<!tpu.dma_semaphore, #tpu.memory_space<semaphore_mem>>) {add = true}
        %dma_wait3A_149 = arith.constant 448 : i32
        %dma_wait3A_150 = arith.constant 0 : i32
        %dma_wait3A_151 = tpu.memref_slice %arg14[%dma_wait3A_149, %dma_wait3A_150] : memref<512x16xf32, #tpu.memory_space<vmem>> -> memref<64x16xf32, #tpu.memory_space<vmem>>
        %dma_wait3A_152 = arith.constant 448 : i32
        %dma_wait3A_153 = tpu.memref_slice %arg11[%run_scoped3A_138, %dma_wait3A_152] : memref<2x512xi32, #tpu.memory_space<vmem>> -> memref<1x64xi32, #tpu.memory_space<vmem>>
        %dma_wait3A_154 = tpu.memref_squeeze %dma_wait3A_153 : memref<1x64xi32, #tpu.memory_space<vmem>> -> memref<64xi32, #tpu.memory_space<vmem>>
        %dma_wait3A_155 = arith.constant 0 : i32
        %dma_wait3A_156 = arith.constant 0 : i32
        %dma_wait3A_157 = tpu.memref_slice %arg10[%dma_wait3A_155, %dma_wait3A_156] : memref<10112x16xf32, #tpu.memory_space<vmem_shared>> -> memref<10112x16xf32, #tpu.memory_space<vmem_shared>>
        tpu.wait_indirect_dma semaphore(%run_scoped3A_139 : memref<!tpu.dma_semaphore, #tpu.memory_space<semaphore_mem>>) src(%dma_wait3A_151 : memref<64x16xf32, #tpu.memory_space<vmem>>) dst(%dma_wait3A_157 : memref<10112x16xf32, #tpu.memory_space<vmem_shared>>)
        tpu.yield
      }) : () -> ()
    }
    %scan3A_5 = arith.constant 20 : i32
    %barrier3A_6 = arith.constant 0 : index
    tpu.barrier barrier_id(%barrier3A_6)
    "tpu.region"() ({
      %run_scoped3A = tpu.sem_alloc : memref<!tpu.dma_semaphore, #tpu.memory_space<semaphore_mem>>
      %dma_start3A = arith.constant 0 : i32
      %dma_start3A_7 = tpu.memref_slice %arg7[%mul3A_0, %dma_start3A] : memref<10112x144xf32, #tpu.memory_space<hbm>> -> memref<632x144xf32, #tpu.memory_space<hbm>>
      %dma_start3A_8 = arith.constant 0 : i32
      %dma_start3A_9 = tpu.memref_slice %arg9[%mul3A_0, %dma_start3A_8] : memref<10112x144xf32, #tpu.memory_space<vmem_shared>> -> memref<632x144xf32, #tpu.memory_space<vmem_shared>>
      tpu.enqueue_dma source(%dma_start3A_9 : memref<632x144xf32, #tpu.memory_space<vmem_shared>>) target(%dma_start3A_7 : memref<632x144xf32, #tpu.memory_space<hbm>>) target_semaphore(%run_scoped3A : memref<!tpu.dma_semaphore, #tpu.memory_space<semaphore_mem>>)
      %dma_wait3A = arith.constant 0 : i32
      %dma_wait3A_10 = tpu.memref_slice %arg7[%mul3A_0, %dma_wait3A] : memref<10112x144xf32, #tpu.memory_space<hbm>> -> memref<632x144xf32, #tpu.memory_space<hbm>>
      %dma_wait3A_11 = arith.constant 0 : i32
      %dma_wait3A_12 = tpu.memref_slice %arg9[%mul3A_0, %dma_wait3A_11] : memref<10112x144xf32, #tpu.memory_space<vmem_shared>> -> memref<632x144xf32, #tpu.memory_space<vmem_shared>>
      tpu.wait_dma2 semaphore(%run_scoped3A : memref<!tpu.dma_semaphore, #tpu.memory_space<semaphore_mem>>) src(%dma_wait3A_12 : memref<632x144xf32, #tpu.memory_space<vmem_shared>>) dst(%dma_wait3A_10 : memref<632x144xf32, #tpu.memory_space<hbm>>)
      tpu.yield
    }) : () -> ()
    "tpu.region"() ({
      %run_scoped3A = tpu.sem_alloc : memref<!tpu.dma_semaphore, #tpu.memory_space<semaphore_mem>>
      %dma_start3A = arith.constant 0 : i32
      %dma_start3A_7 = tpu.memref_slice %arg8[%mul3A_0, %dma_start3A] : memref<10112x16xf32, #tpu.memory_space<hbm>> -> memref<632x16xf32, #tpu.memory_space<hbm>>
      %dma_start3A_8 = arith.constant 0 : i32
      %dma_start3A_9 = tpu.memref_slice %arg10[%mul3A_0, %dma_start3A_8] : memref<10112x16xf32, #tpu.memory_space<vmem_shared>> -> memref<632x16xf32, #tpu.memory_space<vmem_shared>>
      tpu.enqueue_dma source(%dma_start3A_9 : memref<632x16xf32, #tpu.memory_space<vmem_shared>>) target(%dma_start3A_7 : memref<632x16xf32, #tpu.memory_space<hbm>>) target_semaphore(%run_scoped3A : memref<!tpu.dma_semaphore, #tpu.memory_space<semaphore_mem>>)
      %dma_wait3A = arith.constant 0 : i32
      %dma_wait3A_10 = tpu.memref_slice %arg8[%mul3A_0, %dma_wait3A] : memref<10112x16xf32, #tpu.memory_space<hbm>> -> memref<632x16xf32, #tpu.memory_space<hbm>>
      %dma_wait3A_11 = arith.constant 0 : i32
      %dma_wait3A_12 = tpu.memref_slice %arg10[%mul3A_0, %dma_wait3A_11] : memref<10112x16xf32, #tpu.memory_space<vmem_shared>> -> memref<632x16xf32, #tpu.memory_space<vmem_shared>>
      tpu.wait_dma2 semaphore(%run_scoped3A : memref<!tpu.dma_semaphore, #tpu.memory_space<semaphore_mem>>) src(%dma_wait3A_12 : memref<632x16xf32, #tpu.memory_space<vmem_shared>>) dst(%dma_wait3A_10 : memref<632x16xf32, #tpu.memory_space<hbm>>)
      tpu.yield
    }) : () -> ()
    return
  }
}

module attributes {stable_mosaic.version = 14 : i64} {
  func.func @body(%arg0: i32, %arg1: memref<2x1264x144xf32, #tpu.memory_space<vmem>>, %arg2: memref<2x1264x16xf32, #tpu.memory_space<vmem>>, %arg3: memref<144x128xf32, #tpu.memory_space<vmem>>, %arg4: memref<1x128xf32, #tpu.memory_space<vmem>>, %arg5: memref<1264x128xf32, #tpu.memory_space<vmem>>) attributes {dimension_semantics = [#tpu.dimension_semantics<arbitrary>], iteration_bounds = array<i64: 8>, scalar_prefetch = 0 : i64, scratch_operands = 0 : i64, tpu.core_type = #tpu.core_type<tc>, window_params = [{transform_indices = @transform_0, window_bounds = array<i64: 2, 1264, 144>}, {transform_indices = @transform_1, window_bounds = array<i64: 2, 1264, 16>}, {pipeline_mode = #tpu.pipeline_mode<synchronous>, transform_indices = @transform_2, window_bounds = array<i64: 144, 128>}, {pipeline_mode = #tpu.pipeline_mode<synchronous>, transform_indices = @transform_3, window_bounds = array<i64: 1, 128>}, {transform_indices = @transform_4, window_bounds = array<i64: 1264, 128>}]} {
    %get3A = arith.constant 0 : index
    %get3A_0 = arith.constant 0 : index
    %get3A_1 = arith.constant 0 : index
    %get3A_2 = vector.load %arg1[%get3A, %get3A_0, %get3A_1] : memref<2x1264x144xf32, #tpu.memory_space<vmem>>, vector<1x1264x128xf32>
    %get3A_3 = vector.shape_cast %get3A_2 : vector<1x1264x128xf32> to vector<1264x128xf32>
    %get3A_4 = arith.constant 1 : index
    %get3A_5 = arith.constant 0 : index
    %get3A_6 = arith.constant 0 : index
    %get3A_7 = vector.load %arg1[%get3A_4, %get3A_5, %get3A_6] : memref<2x1264x144xf32, #tpu.memory_space<vmem>>, vector<1x1264x128xf32>
    %get3A_8 = vector.shape_cast %get3A_7 : vector<1x1264x128xf32> to vector<1264x128xf32>
    %add3A = arith.addf %get3A_3, %get3A_8 : vector<1264x128xf32>
    %get3A_9 = arith.constant 0 : index
    %get3A_10 = arith.constant 0 : index
    %get3A_11 = arith.constant 128 : index
    %get3A_12 = vector.load %arg1[%get3A_9, %get3A_10, %get3A_11] : memref<2x1264x144xf32, #tpu.memory_space<vmem>>, vector<1x1264x1xf32>
    %get3A_13 = vector.shape_cast %get3A_12 : vector<1x1264x1xf32> to vector<1264x1xf32>
    %get3A_14 = arith.constant 1 : index
    %get3A_15 = arith.constant 0 : index
    %get3A_16 = arith.constant 128 : index
    %get3A_17 = vector.load %arg1[%get3A_14, %get3A_15, %get3A_16] : memref<2x1264x144xf32, #tpu.memory_space<vmem>>, vector<1x1264x1xf32>
    %get3A_18 = vector.shape_cast %get3A_17 : vector<1x1264x1xf32> to vector<1264x1xf32>
    %add3A_19 = arith.addf %get3A_13, %get3A_18 : vector<1264x1xf32>
    %get3A_20 = arith.constant 0 : index
    %get3A_21 = arith.constant 0 : index
    %get3A_22 = arith.constant 0 : index
    %get3A_23 = vector.load %arg2[%get3A_20, %get3A_21, %get3A_22] : memref<2x1264x16xf32, #tpu.memory_space<vmem>>, vector<1x1264x16xf32>
    %get3A_24 = vector.shape_cast %get3A_23 : vector<1x1264x16xf32> to vector<1264x16xf32>
    %get3A_25 = arith.constant 1 : index
    %get3A_26 = arith.constant 0 : index
    %get3A_27 = arith.constant 0 : index
    %get3A_28 = vector.load %arg2[%get3A_25, %get3A_26, %get3A_27] : memref<2x1264x16xf32, #tpu.memory_space<vmem>>, vector<1x1264x16xf32>
    %get3A_29 = vector.shape_cast %get3A_28 : vector<1x1264x16xf32> to vector<1264x16xf32>
    %add3A_30 = arith.addf %get3A_24, %get3A_29 : vector<1264x16xf32>
    %get3A_31 = arith.constant 0 : index
    %get3A_32 = arith.constant 0 : index
    %get3A_33 = vector.load %arg3[%get3A_31, %get3A_32] : memref<144x128xf32, #tpu.memory_space<vmem>>, vector<128x128xf32>
    %dot_general3A = arith.constant dense<0.000000e+00> : vector<1264x128xf32>
    %dot_general3A_34 = tpu.matmul %add3A, %get3A_33, %dot_general3A {dimension_numbers = #tpu.dot_dimension_numbers<[1], [0], [0], [1], [0, 0, 1, 1], [], []>, transpose_lhs_hint = false} : vector<1264x128xf32>, vector<128x128xf32>, vector<1264x128xf32> -> vector<1264x128xf32>
    %get3A_35 = arith.constant 128 : index
    %get3A_36 = arith.constant 0 : index
    %get3A_37 = vector.load %arg3[%get3A_35, %get3A_36] : memref<144x128xf32, #tpu.memory_space<vmem>>, vector<16x128xf32>
    %dot_general3A_38 = arith.constant dense<0.000000e+00> : vector<1264x128xf32>
    %dot_general3A_39 = tpu.matmul %add3A_30, %get3A_37, %dot_general3A_38 {dimension_numbers = #tpu.dot_dimension_numbers<[1], [0], [0], [1], [0, 0, 1, 1], [], []>, transpose_lhs_hint = false} : vector<1264x16xf32>, vector<16x128xf32>, vector<1264x128xf32> -> vector<1264x128xf32>
    %add3A_40 = arith.addf %dot_general3A_34, %dot_general3A_39 : vector<1264x128xf32>
    %max3A = arith.constant 1.000000e+00 : f32
    %max3A_41 = vector.broadcast %max3A : f32 to vector<1264x1xf32>
    %max3A_42 = arith.maximumf %add3A_19, %max3A_41 : vector<1264x1xf32>
    %div3A = vector.broadcast %max3A_42 : vector<1264x1xf32> to vector<1264x128xf32>
    %div3A_43 = arith.divf %add3A_40, %div3A : vector<1264x128xf32>
    %get3A_44 = arith.constant 0 : index
    %get3A_45 = arith.constant 0 : index
    %get3A_46 = vector.load %arg4[%get3A_44, %get3A_45] : memref<1x128xf32, #tpu.memory_space<vmem>>, vector<1x128xf32>
    %add3A_47 = vector.broadcast %get3A_46 : vector<1x128xf32> to vector<1264x128xf32>
    %add3A_48 = arith.addf %div3A_43, %add3A_47 : vector<1264x128xf32>
    %swap3A = arith.constant 0 : index
    %swap3A_49 = arith.constant 0 : index
    %swap3A_50 = vector.load %arg5[%swap3A, %swap3A_49] : memref<1264x128xf32, #tpu.memory_space<vmem>>, vector<1264x128xf32>
    tpu.vector_store %arg5[%swap3A, %swap3A_49], %add3A_48 {strides = array<i32>} : memref<1264x128xf32, #tpu.memory_space<vmem>>, vector<1264x128xf32>,
    return
  }
  func.func @transform_0(%arg0: i32) -> (i32, i32, i32) {
    %c0_i32 = arith.constant 0 : i32
    %c0_i32_0 = arith.constant 0 : i32
    %c0_i32_1 = arith.constant 0 : i32
    return %c0_i32, %arg0, %c0_i32_0 : i32, i32, i32
  }
  func.func @transform_1(%arg0: i32) -> (i32, i32, i32) {
    %c0_i32 = arith.constant 0 : i32
    %c0_i32_0 = arith.constant 0 : i32
    %c0_i32_1 = arith.constant 0 : i32
    return %c0_i32, %arg0, %c0_i32_0 : i32, i32, i32
  }
  func.func @transform_2(%arg0: i32) -> (i32, i32) {
    %c0_i32 = arith.constant 0 : i32
    %c0_i32_0 = arith.constant 0 : i32
    %c0_i32_1 = arith.constant 0 : i32
    return %c0_i32, %c0_i32_0 : i32, i32
  }
  func.func @transform_3(%arg0: i32) -> (i32, i32) {
    %c0_i32 = arith.constant 0 : i32
    %c0_i32_0 = arith.constant 0 : i32
    %c0_i32_1 = arith.constant 0 : i32
    return %c0_i32, %c0_i32_0 : i32, i32
  }
  func.func @transform_4(%arg0: i32) -> (i32, i32) {
    %c0_i32 = arith.constant 0 : i32
    %c0_i32_0 = arith.constant 0 : i32
    return %arg0, %c0_i32 : i32, i32
  }
}

</mosaic_0001>

<sc_bundles>
// kernel: kernel.5.cloned.1.call-start
scs
__scs_entry_jumppad:
0x0: {  	(pc) =	sbr.rel $0x88, $3  }
0x1: {  	(tag) =	ssettag $0x0;
	lr =	simm.s32 $0x1  }
0x2: {  	[smem:$0x3F9C] =	sst lr;
	_ =	strace $0xD0000000  }
0x3: {  	_ = 	snop  }
0x4: {  	_ = 	snop  }
0x5: {  	_ = 	snop  }
0x6: {  	_ = 	snop  }
0x7: {  	_ = 	snop  }
__scs_overlays_trampoline_lowered:
0x8: {  	[smem:$0x3FAB] =	sst s0  }
0x9: {  	[smem:$0x3FAC] =	sst s1  }
0xa: {  	[smem:$0x3FAD] =	sst s2  }
0xb: {  	[smem:$0x3FAE] =	sst s3  }
0xc: {  	[smem:$0x3FAF] =	sst s4  }
0xd: {  	[smem:$0x3FB0] =	sst s5  }
0xe: {  	[smem:$0x3FB1] =	sst s6  }
0xf: {  	[smem:$0x3FB2] =	sst s7  }
0x10: {  	[smem:$0x3FB3] =	sst s8  }
0x11: {  	[smem:$0x3FB4] =	sst s9;
	s0 =	simm.s32 @!p0 $0x0  }
0x12: {  	s1 =	sld [smem:$0x3F9A];
	s0 =	simm.s32 @p0 $0x1  }
0x13: {  	[smem:$0x3FB5] =	sst s0;
	s0 =	simm.s32 @!p1 $0x0  }
0x14: {  	s2 =	sld [smem:$0x3F99];
	s0 =	simm.s32 @p1 $0x1  }
0x15: {  	[smem:$0x3FB6] =	sst s0;
	s0 =	simm.s32 @!p2 $0x0  }
0x16: {  	s3 =	sld [smem:$0x3FDB];
	s0 =	simm.s32 @p2 $0x1  }
0x17: {  	s4 =	simm.s32 $0x1BF5;
	[smem:$0x3FB8] =	sst s0  }
0x18: {  	s0 =	sld [smem:$0x3F9B];
	_ =	swait.ge [sflag:s4], $0x0  }
0x19: {  	s7 =	sld [smem:$0x3F9C]  }
0x1a: {  	s8 =	sadd.s32 $0xFFFFE003, lr  }
0x1b: {  	s9 =	sadd.s32 $0xFFFFFEF7, lr;
	s5 =	simm.s32 $0xFFFFFFFF;
	p2 =	slt.u32 s8, $0xFFFFF086  }
0x1c: {  	p1 =	slt.u32 s9, $0xF7A;
	s5 =	simm.s32 @!p2 $0x0  }
0x1d: {  	s5 =	simm.s32 @p1 $0x1;
	p0 =	seq.s32 s7, s2  }
0x1e: {  	s7 =	smul.u32 @!p0 $0xF7A, s2;
	p2 =	seq.s32 @!p0 s5, $0x0  }
0x1f: {  	s9 =	smul.u32 $0xF7A, s1;
	s8 =	simm.s32 @!p0 $0x1BF5;
	p2 =	por !p2, p0  }
0x20: {  	[sflag:s8] =	ssyncset.s32 @!p0 $0xFFFFF086;
	s6 =	sadd.s32 @!p0 s3, s7;
	s7 =	simm.s32 @!p0 $0x108  }
0x21: {  	s3 =	sadd.s32 s3, s9;
	s6 =	sadd.s32 @!p0 $0x88, s6;
	s7 =	simm.s32 @p2 $0x1082  }
0x22: {  	[simem:s7], [sflag:s8] =	dma.local @!p0 [hbm:s6], $0xF7A  }
0x23: {  	s9 =	sor.u32 $0xD0000000, s2;
	s6 =	simm.s32 $0x108;
	_ =	swait.ge @!p0 [sflag:s8], $0x0  }
0x24: {  	s3 =	sadd.s32 $0x88, s3;
	s6 =	simm.s32 @!p1 $0x1082;
	[sflag:s4] =	ssyncset.s32 $0xFFFFF086  }
0x25: {  	[simem:s6], [sflag:s4] =	dma.local [hbm:s3], $0xF7A  }
0x26: {  	[smem:$0x3F9C] =	sst s1;
	(tag) =	ssettag s2;
	_ =	strace s9  }
0x27: {  	s1 =	sld [smem:$0x3FAC]  }
0x28: {  	s2 =	sld [smem:$0x3FAD]  }
0x29: {  	s4 =	sld [smem:$0x3FAF]  }
0x2a: {  	p0 =	seq.s32 s5, $0x0;
	s5 =	sld [smem:$0x3FB0]  }
0x2b: {  	s6 =	sld [smem:$0x3FB1]  }
0x2c: {  	s7 =	sld [smem:$0x3FB2]  }
0x2d: {  	s3 =	simm.s32 $0x108;
	s8 =	sld [smem:$0x3FB3]  }
0x2e: {  	s3 =	simm.s32 @!p0 $0x1082;
	s9 =	sld [smem:$0x3FB4]  }
0x2f: {  	lr =	sadd.s32 s0, s3;
	s0 =	sld [smem:$0x3FAB]  }
0x30: {  	s3 =	sld [smem:$0x3FAE]  }
0x31: {  	[smem:$0x3FB7] =	sst s10  }
0x32: {  	s10 =	sld [smem:$0x3FB5];
	_ =	sdelay $0x3  }
0x33: {  	p0 =	seq.s32 s10, $0x1;
	s10 =	sld [smem:$0x3FB7];
	_ =	sdelay $0x3  }
0x34: {  	[smem:$0x3FB7] =	sst s10  }
0x35: {  	s10 =	sld [smem:$0x3FB6];
	_ =	sdelay $0x3  }
0x36: {  	p1 =	seq.s32 s10, $0x1;
	s10 =	sld [smem:$0x3FB7];
	_ =	sdelay $0x3  }
0x37: {  	[smem:$0x3FB7] =	sst s10  }
0x38: {  	s10 =	sld [smem:$0x3FB8]  }
0x39: {  	_ = 	snop;
	(pc) =	sbr.ind lr, $3  }
0x3a: {  	_ = 	snop  }
0x3b: {  	_ = 	snop  }
0x3c: {  	p2 =	seq.s32 s10, $0x1;
	s10 =	sld [smem:$0x3FB7]  }
0x3d: {  	_ =	shalt  }
0x3e: {  	_ =	shalt  }
0x3f: {  	_ =	shalt  }
0x40: {  	_ =	shalt  }
0x41: {  	_ =	shalt  }
0x42: {  	_ =	shalt  }
0x43: {  	_ =	shalt  }
0x44: {  	_ =	shalt  }
0x45: {  	_ =	shalt  }
0x46: {  	_ =	shalt  }
0x47: {  	_ =	shalt  }
0x48: {  	_ =	shalt  }
0x49: {  	_ =	shalt  }
0x4a: {  	_ =	shalt  }
0x4b: {  	_ =	shalt  }
0x4c: {  	_ =	shalt  }
0x4d: {  	_ =	shalt  }
0x4e: {  	_ =	shalt  }
0x4f: {  	_ =	shalt  }
0x50: {  	_ =	shalt  }
0x51: {  	_ =	shalt  }
0x52: {  	_ =	shalt  }
0x53: {  	_ =	shalt  }
0x54: {  	_ =	shalt  }
0x55: {  	_ =	shalt  }
0x56: {  	_ =	shalt  }
0x57: {  	_ =	shalt  }
0x58: {  	_ =	shalt  }
0x59: {  	_ =	shalt  }
0x5a: {  	_ =	shalt  }
0x5b: {  	_ =	shalt  }
0x5c: {  	_ =	shalt  }
0x5d: {  	_ =	shalt  }
0x5e: {  	_ =	shalt  }
0x5f: {  	_ =	shalt  }
0x60: {  	_ =	shalt  }
0x61: {  	_ =	shalt  }
0x62: {  	_ =	shalt  }
0x63: {  	_ =	shalt  }
0x64: {  	_ =	shalt  }
0x65: {  	_ =	shalt  }
0x66: {  	_ =	shalt  }
0x67: {  	_ =	shalt  }
0x68: {  	_ =	shalt  }
0x69: {  	_ =	shalt  }
0x6a: {  	_ =	shalt  }
0x6b: {  	_ =	shalt  }
0x6c: {  	_ =	shalt  }
0x6d: {  	_ =	shalt  }
0x6e: {  	_ =	shalt  }
0x6f: {  	_ =	shalt  }
0x70: {  	_ =	shalt  }
0x71: {  	_ =	shalt  }
0x72: {  	_ =	shalt  }
0x73: {  	_ =	shalt  }
0x74: {  	_ =	shalt  }
0x75: {  	_ =	shalt  }
0x76: {  	_ =	shalt  }
0x77: {  	_ =	shalt  }
0x78: {  	_ =	shalt  }
0x79: {  	_ =	shalt  }
0x7a: {  	_ =	shalt  }
0x7b: {  	_ =	shalt  }
0x7c: {  	_ =	shalt  }
0x7d: {  	_ =	shalt  }
0x7e: {  	_ =	shalt  }
0x7f: {  	_ =	shalt  }
0x80: {  	_ =	shalt  }
0x81: {  	_ =	shalt  }
0x82: {  	_ =	shalt  }
0x83: {  	_ =	shalt  }
0x84: {  	_ =	shalt  }
0x85: {  	_ =	shalt  }
0x86: {  	_ =	shalt  }
0x87: {  	_ =	shalt  }
.Lfunc_end0:
.L_simem_size_0:
called_computation_lowered:
.L_overlay_start_0:
0x88: {  	s0 =	sld [smem:$0x3FD9]  }
0x89: {  	s1 =	sld [smem:$0x3FFE];
	_ =	sdelay $0x3  }
0x8a: {  	s0 =	sadd.s32 s1, s0  }
0x8b: {  	[smem:$0x3FC3] =	sst s0  }
0x8c: {  	_ = 	snop  }
0x8d: {  	s0 =	sld [smem:$0x3FD0];
	(tm) =	ssettm $0x1  }
0x8e: {  	s16 =	sld [smem:$0x3FFB];
	_ =	sdelay $0x3  }
0x8f: {  	_ =	strace s16  }
0x90: {  	s1 =	sld [smem:$0x3FFC];
	_ =	sdelay $0x3  }
0x91: {  	_ =	strace s1  }
0x92: {  	s1 =	sld [smem:$0x3FFD];
	_ =	sdelay $0x3  }
0x93: {  	_ =	strace s1  }
0x94: {  	_ =	strace $0x8FFFFFFF  }
0x95: {  	s17 =	sld [smem:$0x3FDB];
	_ =	sdelay $0x1  }
0x96: {  	s2 =	simm.s32 $_scs_section_size  }
0x97: {  	s3 =	simm.s32 $_size__tile_overlayer_lowered;
	s4 =	simm.s32 $_tile_overlayer_lowered  }
0x98: {  	s20 =	simm.s32 $0x1BFF;
	s19 =	sshll.u32 s4, $0x1;
	s1 =	sadd.s32 s2, s17  }
0x99: {  	s5 =	simm.s32 $0x0;
	s18 =	sshll.u32 s3, $0x1;
	s3 =	sadd.s32 s19, s1  }
0x9a: {  	[timem:s5], [sflag:s20] =	dma.local [hbm:s3], s18  }
0x9b: {  	_ =	swait.ge [sflag:s20], s18  }
0x9c: {  	s2 =	ssub.s32 $0x0, s18;
	[sflag:s20] =	ssyncset.done $0x0  }
0x9d: {  	[sflag:s20] =	ssyncadd.s32 s2;
	_ =	sdelay $0x1  }
0x9e: {  	s21 =	simm.s32 $0x1B8B  }
0x9f: {  	_ =	swait.ge [sflag:s21], $0x1  }
0xa0: {  	[sflag:s21] =	ssyncset.done $0x0  }
0xa1: {  	s23 =	simm.s32 $0x1B8E;
	s22 =	sld [smem:$0x3FFE];
	[sflag:s21] =	ssyncadd.s32 $0xFFFFFFFF  }
0xa2: {  	s24 =	simm.s32 $execute0_lowered;
	[smem:$0x3FD2] =	sst s23  }
0xa3: {  	s3 =	sshll.u32 s24, $0x1;
	_ =	strace $0x80000049;
	[dreg:$0x1] =	wrdreg $0xFFFFFFFF  }
0xa4: {  	s25 =	simm.s32 $_size_execute0_lowered;
	s1 =	sadd.s32 s1, s3;
	[dreg:$0x0] =	wrdreg $0x0  }
0xa5: {  	s3 =	sshll.u32 s25, $0x1;
	[dreg:$0x2] =	wrdreg s1  }
0xa6: {  	[dreg:$0x3] =	wrdreg s3  }
0xa7: {  	[dreg:$0x4] =	wrdreg $0xC0  }
0xa8: {  	_ =	task [dreg:s5], $0x5FFFF  }
0xa9: {  	[dreg:$0x1] =	wrdreg $0xFFFFFFFF  }
0xaa: {  	[dreg:$0x0] =	wrdreg $0x60  }
0xab: {  	[dreg:$0x2] =	wrdreg s22  }
0xac: {  	[dreg:$0x3] =	wrdreg s0  }
0xad: {  	[dreg:$0x4] =	wrdreg $0x0  }
0xae: {  	[dreg:$0x5] =	wrdreg $0x163800  }
0xaf: {  	[dreg:$0x6] =	wrdreg $0x9  }
0xb0: {  	_ =	task.clear_ibuf [dreg:s5], $0x7FFFF;
	_ =	strace $0x90000049  }
0xb1: {  	s26 =	simm.s32 $0x9;
	_ =	strace $0x8000004B  }
0xb2: {  	_ =	swait.ge [sflag:s26], $0x1  }
0xb3: {  	[sflag:s26] =	ssyncadd.s32 $0xFFFFFFFF  }
0xb4: {  	_ =	strace $0x9000004B  }
0xb5: {  	_ =	sfence  }
0xb6: {  	s28 =	sld [smem:$0x0];
	_ =	sdelay $0x1  }
0xb7: {  	s29 =	srdreg.scid  }
0xb8: {  	s30 =	sshll.u32 s29, $0xD;
	s31 =	sshrl.u32 s29, $0x2  }
0xb9: {  	s2 =	sand.u32 $0x4000, s30;
	s1 =	sand.u32 $0x1, s29;
	s0 =	sadd.s32 s31, s28  }
0xba: {  	s1 =	sor.u32 s2, s1;
	s0 =	sshll.u32 s0, $0x11  }
0xbb: {  	s0 =	sor.u32 s0, s1  }
0xbc: {  	s0 =	sadd.s32 $0x8F2B, s0  }
0xbd: {  	[sflag:s0] =	ssyncadd.remote.s32 $0x1  }
0xbe: {  	_ =	sfence.sel $0xFFFF  }
0xbf: {  	[dreg:$0x0] =	wrdreg $0xFFFFFFFF;
	(pc) =	sbr.abs _section_cstart, $3  }
0xc0: {  	[dreg:$0x1] =	wrdreg $0xFFFFFFFF  }
0xc1: {  	_ =	task.clear_ibuf [dreg:s5], $0x2FFFF;
	_ =	strace $0x9FFFFFFF  }
0xc2: {  	(tm) =	ssettm $0x7FFFFFFF  }
0xc3: {  	_ =	shalt  }
tec
execute0_lowered:
.L_overlay_start_1:
0x0: {  	(tag) =	ssettag $0x1  }
0x1: {  	s7 =	rddreg [dreg:$0x0]  }
0x2: {  	s0 =	rddreg [dreg:$0x1]  }
0x3: {  	s5 =	rddreg [dreg:$0x2];
	s10 =	stileid.u32  }
0x4: {  	s2 =	rddreg [dreg:$0x3];
	s11 =	simm.s32 $0x0;
	s1 =	smul.u32 $0x16380, s10  }
0x5: {  	[smem:$0x7FF] =	sst s11;
	s4 =	smul.u32 $0x2780, s10;
	s6 =	sshll.u32 s10, $0x6  }
0x6: {  	s9 =	simm.s32 $0x3;
	_ =	strace $0x8000004A;
	s24 =	sor.u32 $0x1C03, s6  }
0x7: {  	s3 =	sshrl.u32 s1, $0x3;
	s1 =	sadd.s32 s1, s5;
	s25 =	sshrl.u32 s4, $0x3  }
0x8: {  	[dreg:$0x11] =	wrdreg s3;
	s3 =	sadd.s32 s3, s7;
	s1 =	sshrl.u32 s1, $0x3  }
0x9: {  	s4 =	sadd.s32 s4, s2;
	s8 =	sadd.s32 $0xCDC00, s3;
	[dreg:$0x13] =	wrdreg s1  }
0xa: {  	[spmem:s1], [sflag:s24] =	dma.local [hbm:s8], $0x2C70  }
0xb: {  	s4 =	sshrl.u32 s4, $0x3;
	_ =	swait.ge [sflag:s9], $0x2C70;
	[dreg:$0x12] =	wrdreg s25  }
0xc: {  	s1 =	sadd.s32 s25, s7;
	[dreg:$0x10] =	wrdreg s24;
	[sflag:s9] =	ssyncset.done $0x0  }
0xd: {  	s1 =	sadd.s32 $0xFA400, s1;
	[dreg:$0x14] =	wrdreg s4;
	[sflag:s9] =	ssyncadd.s32 $0xFFFFD390  }
0xe: {  	[spmem:s4], [sflag:s24] =	dma.local [hbm:s1], $0x4F0  }
0xf: {  	_ =	swait.ge [sflag:s9], $0x4F0  }
0x10: {  	s26 =	smul.u32 $0x500, s10;
	[sflag:s9] =	ssyncset.done $0x0  }
0x11: {  	[sflag:s9] =	ssyncadd.s32 $0xFFFFFB10  }
0x12: {  	s0 =	sadd.s32 s26, s0;
	[bflag:$0x0] =	sbarrier.arrive $0xFFFF  }
0x13: {  	s1 =	simm.s32 $0x200;
	[dreg:$0x5] =	wrdreg s0  }
0x14: {  	s3 =	simm.s32 $0x50000;
	[dreg:$0x6] =	wrdreg s1  }
0x15: {  	s4 =	simm.s32 $0x18D00;
	[dreg:$0x7] =	wrdreg s3  }
0x16: {  	s6 =	simm.s32 $0x18D40;
	[dreg:$0x8] =	wrdreg s4  }
0x17: {  	s8 =	simm.s32 $0x18D80;
	[dreg:$0x9] =	wrdreg s6  }
0x18: {  	s12 =	simm.s32 $0x1DB00;
	[dreg:$0xa] =	wrdreg s8  }
0x19: {  	s13 =	simm.s32 $0x18DC0;
	[dreg:$0xb] =	wrdreg s12  }
0x1a: {  	s14 =	simm.s32 $0x1DF00;
	[dreg:$0xc] =	wrdreg s13  }
0x1b: {  	s18 =	simm.s32 $0x18E00;
	[dreg:$0xd] =	wrdreg s14  }
0x1c: {  	s21 =	simm.s32 $0x1E300;
	[dreg:$0xe] =	wrdreg s18  }
0x1d: {  	[dreg:$0xf] =	wrdreg s21  }
0x1e: {  	s15 =	rddreg [dreg:$0x7]  }
0x1f: {  	s17 =	simm.s32 $0x18B00;
	s16 =	rddreg [dreg:$0x5]  }
0x20: {  	s20 =	smul.u32 $0x5000, s10;
	s19 =	rddreg [dreg:$0x6];
	s1 =	sadd.s32 $0x0, s16  }
0x21: {  	[tilespmem:s17], [sflag:$0x3] =	stream.strided.gather [hbm4b:s1+s19], $0x400, s15, s19, $0x38;
	[tilespmem:$0x1F700] =	vst v63  }
0x22: {  	_ =	swait.ge [sflag:s9], $0x400  }
0x23: {  	s22 =	sadd.s32 s20, s7;
	[sflag:s9] =	ssyncset.done $0x0  }
0x24: {  	s18 =	simm.s32 $0x1D700;
	s19 =	sadd.s32 $0x1C00, s22;
	[sflag:s9] =	ssyncadd.s32 $0xFFFFFC00  }
0x25: {  	[tilespmem:s18], [sflag:$0x3] =	stream.linear.gather [hbm4b:s19+s11], $0x2000, $0x38;
	[tilespmem:$0x1F700] =	vst v63  }
0x26: {  	s10 =	simm.s32 $0x40;
	_ =	swait.ge [sflag:s9], $0x2000  }
0x27: {  	s12 =	sadd.s32 $0xA1C00, s7;
	s13 =	simm.s32 $0x18F00;
	[sflag:s9] =	ssyncset.done $0x0  }
0x28: {  	s14 =	simm.s32 $0x1;
	s23 =	rddreg [dreg:$0x8];
	[sflag:s9] =	ssyncadd.s32 $0xFFFFE000  }
0x29: {  	[tilespmem:s13], [sflag:$0x1] =	stream.indirect.gather [hbm4b:s12+s10], $0x90, s23, s10, $0xb8;
	[tilespmem:$0x1F700] =	vst v63  }
0x2a: {  	_ =	swait.ge [sflag:s14], $0x2400  }
0x2b: {  	[sflag:s14] =	ssyncset.done $0x0  }
0x2c: {  	s11 =	simm.s32 $0x1B300;
	s24 =	rddreg [dreg:$0x9];
	[sflag:s14] =	ssyncadd.s32 $0xFFFFDC00  }
0x2d: {  	[tilespmem:s11], [sflag:$0x2] =	stream.indirect.gather [hbm4b:s12+s10], $0x90, s24, s10, $0xb8;
	[tilespmem:$0x1F700] =	vst v63  }
0x2e: {  	_ = 	snop  }
0x2f: {  	[spmem:s5] =	stream.indirect.scatter.add.f32 [tilespmem:s13], [sflag:$0x3], $0x90, s17, s10, $0xb8;
	[tilespmem:$0x1F700] =	vst v63  }
0x30: {  	_ =	swait.ge [sflag:s9], $0x2400  }
0x31: {  	[sflag:s9] =	ssyncset.done $0x0  }
0x32: {  	[sflag:s9] =	ssyncadd.s32 $0xFFFFDC00  }
0x33: {  	[spmem:s2] =	stream.indirect.scatter.add.f32 [tilespmem:s18], [sflag:$0x3], $0x10, s17, s10, $0xb8;
	[tilespmem:$0x1F700] =	vst v63  }
0x34: {  	_ =	swait.ge [sflag:s9], $0x400  }
0x35: {  	[sflag:s9] =	ssyncset.done $0x0  }
0x36: {  	s15 =	simm.s32 $0x2;
	[sflag:s9] =	ssyncadd.s32 $0xFFFFFC00  }
0x37: {  	_ =	swait.ge [sflag:s15], $0x2400  }
0x38: {  	[sflag:s15] =	ssyncset.done $0x0  }
0x39: {  	s25 =	rddreg [dreg:$0xa];
	[sflag:s15] =	ssyncadd.s32 $0xFFFFDC00  }
0x3a: {  	[tilespmem:s13], [sflag:$0x1] =	stream.indirect.gather [hbm4b:s12+s10], $0x90, s25, s10, $0xb8;
	[tilespmem:$0x1F700] =	vst v63  }
0x3b: {  	s20 =	simm.s32 $0x18B40  }
0x3c: {  	[spmem:s5] =	stream.indirect.scatter.add.f32 [tilespmem:s11], [sflag:$0x3], $0x90, s20, s10, $0xb8;
	[tilespmem:$0x1F700] =	vst v63  }
0x3d: {  	_ =	swait.ge [sflag:s9], $0x2400  }
0x3e: {  	[sflag:s9] =	ssyncset.done $0x0  }
0x3f: {  	s26 =	rddreg [dreg:$0xb];
	[sflag:s9] =	ssyncadd.s32 $0xFFFFDC00  }
0x40: {  	[spmem:s2] =	stream.indirect.scatter.add.f32 [tilespmem:s26], [sflag:$0x3], $0x10, s20, s10, $0xb8;
	[tilespmem:$0x1F700] =	vst v63  }
0x41: {  	_ =	swait.ge [sflag:s9], $0x400  }
0x42: {  	[sflag:s9] =	ssyncset.done $0x0  }
0x43: {  	[sflag:s9] =	ssyncadd.s32 $0xFFFFFC00  }
0x44: {  	_ =	swait.ge [sflag:s14], $0x2400  }
0x45: {  	[sflag:s14] =	ssyncset.done $0x0  }
0x46: {  	s1 =	rddreg [dreg:$0xc];
	[sflag:s14] =	ssyncadd.s32 $0xFFFFDC00  }
0x47: {  	[tilespmem:s11], [sflag:$0x2] =	stream.indirect.gather [hbm4b:s12+s10], $0x90, s1, s10, $0xb8;
	[tilespmem:$0x1F700] =	vst v63  }
0x48: {  	s21 =	simm.s32 $0x18B80  }
0x49: {  	[spmem:s5] =	stream.indirect.scatter.add.f32 [tilespmem:s13], [sflag:$0x3], $0x90, s21, s10, $0xb8;
	[tilespmem:$0x1F700] =	vst v63  }
0x4a: {  	_ =	swait.ge [sflag:s9], $0x2400  }
0x4b: {  	[sflag:s9] =	ssyncset.done $0x0  }
0x4c: {  	s3 =	rddreg [dreg:$0xd];
	[sflag:s9] =	ssyncadd.s32 $0xFFFFDC00  }
0x4d: {  	[spmem:s2] =	stream.indirect.scatter.add.f32 [tilespmem:s3], [sflag:$0x3], $0x10, s21, s10, $0xb8;
	[tilespmem:$0x1F700] =	vst v63  }
0x4e: {  	_ =	swait.ge [sflag:s9], $0x400  }
0x4f: {  	[sflag:s9] =	ssyncset.done $0x0  }
0x50: {  	[sflag:s9] =	ssyncadd.s32 $0xFFFFFC00  }
0x51: {  	_ =	swait.ge [sflag:s15], $0x2400  }
0x52: {  	[sflag:s15] =	ssyncset.done $0x0  }
0x53: {  	s4 =	rddreg [dreg:$0xe];
	[sflag:s15] =	ssyncadd.s32 $0xFFFFDC00  }
0x54: {  	[tilespmem:s13], [sflag:$0x1] =	stream.indirect.gather [hbm4b:s12+s10], $0x90, s4, s10, $0xb8;
	[tilespmem:$0x1F700] =	vst v63  }
0x55: {  	s22 =	simm.s32 $0x18BC0  }
0x56: {  	[spmem:s5] =	stream.indirect.scatter.add.f32 [tilespmem:s11], [sflag:$0x3], $0x90, s22, s10, $0xb8;
	[tilespmem:$0x1F700] =	vst v63  }
0x57: {  	_ =	swait.ge [sflag:s9], $0x2400  }
0x58: {  	[sflag:s9] =	ssyncset.done $0x0  }
0x59: {  	s6 =	rddreg [dreg:$0xf];
	[sflag:s9] =	ssyncadd.s32 $0xFFFFDC00  }
0x5a: {  	[spmem:s2] =	stream.indirect.scatter.add.f32 [tilespmem:s6], [sflag:$0x3], $0x10, s22, s10, $0xb8;
	[tilespmem:$0x1F700] =	vst v63  }
0x5b: {  	_ =	swait.ge [sflag:s9], $0x400  }
0x5c: {  	[sflag:s9] =	ssyncset.done $0x0  }
0x5d: {  	[sflag:s9] =	ssyncadd.s32 $0xFFFFFC00  }
0x5e: {  	_ =	swait.ge [sflag:s14], $0x2400  }
0x5f: {  	[sflag:s14] =	ssyncset.done $0x0  }
0x60: {  	s8 =	simm.s32 $0x18E40;
	[sflag:s14] =	ssyncadd.s32 $0xFFFFDC00  }
0x61: {  	[tilespmem:s11], [sflag:$0x2] =	stream.indirect.gather [hbm4b:s12+s10], $0x90, s8, s10, $0xb8;
	[tilespmem:$0x1F700] =	vst v63  }
0x62: {  	s23 =	simm.s32 $0x18C00  }
0x63: {  	[spmem:s5] =	stream.indirect.scatter.add.f32 [tilespmem:s13], [sflag:$0x3], $0x90, s23, s10, $0xb8;
	[tilespmem:$0x1F700] =	vst v63  }
0x64: {  	_ =	swait.ge [sflag:s9], $0x2400  }
0x65: {  	[sflag:s9] =	ssyncset.done $0x0  }
0x66: {  	s26 =	simm.s32 $0x1E700;
	[sflag:s9] =	ssyncadd.s32 $0xFFFFDC00  }
0x67: {  	[spmem:s2] =	stream.indirect.scatter.add.f32 [tilespmem:s26], [sflag:$0x3], $0x10, s23, s10, $0xb8;
	[tilespmem:$0x1F700] =	vst v63  }
0x68: {  	_ =	swait.ge [sflag:s9], $0x400  }
0x69: {  	[sflag:s9] =	ssyncset.done $0x0  }
0x6a: {  	[sflag:s9] =	ssyncadd.s32 $0xFFFFFC00  }
0x6b: {  	_ =	swait.ge [sflag:s15], $0x2400  }
0x6c: {  	[sflag:s15] =	ssyncset.done $0x0  }
0x6d: {  	s28 =	simm.s32 $0x18E80;
	[sflag:s15] =	ssyncadd.s32 $0xFFFFDC00  }
0x6e: {  	[tilespmem:s13], [sflag:$0x1] =	stream.indirect.gather [hbm4b:s12+s10], $0x90, s28, s10, $0xb8;
	[tilespmem:$0x1F700] =	vst v63  }
0x6f: {  	s25 =	simm.s32 $0x18C40  }
0x70: {  	[spmem:s5] =	stream.indirect.scatter.add.f32 [tilespmem:s11], [sflag:$0x3], $0x90, s25, s10, $0xb8;
	[tilespmem:$0x1F700] =	vst v63  }
0x71: {  	_ =	swait.ge [sflag:s9], $0x2400  }
0x72: {  	[sflag:s9] =	ssyncset.done $0x0  }
0x73: {  	s31 =	simm.s32 $0x1EB00;
	[sflag:s9] =	ssyncadd.s32 $0xFFFFDC00  }
0x74: {  	[spmem:s2] =	stream.indirect.scatter.add.f32 [tilespmem:s31], [sflag:$0x3], $0x10, s25, s10, $0xb8;
	[tilespmem:$0x1F700] =	vst v63  }
0x75: {  	_ =	swait.ge [sflag:s9], $0x400  }
0x76: {  	[sflag:s9] =	ssyncset.done $0x0  }
0x77: {  	[sflag:s9] =	ssyncadd.s32 $0xFFFFFC00  }
0x78: {  	_ =	swait.ge [sflag:s14], $0x2400  }
0x79: {  	[sflag:s14] =	ssyncset.done $0x0  }
0x7a: {  	s30 =	simm.s32 $0x18EC0;
	[sflag:s14] =	ssyncadd.s32 $0xFFFFDC00  }
0x7b: {  	[tilespmem:s11], [sflag:$0x2] =	stream.indirect.gather [hbm4b:s12+s10], $0x90, s30, s10, $0xb8;
	[tilespmem:$0x1F700] =	vst v63  }
0x7c: {  	s29 =	simm.s32 $0x18C80  }
0x7d: {  	[spmem:s5] =	stream.indirect.scatter.add.f32 [tilespmem:s13], [sflag:$0x3], $0x90, s29, s10, $0xb8;
	[tilespmem:$0x1F700] =	vst v63  }
0x7e: {  	_ =	swait.ge [sflag:s9], $0x2400  }
0x7f: {  	[sflag:s9] =	ssyncset.done $0x0  }
0x80: {  	s4 =	simm.s32 $0x1EF00;
	[sflag:s9] =	ssyncadd.s32 $0xFFFFDC00  }
0x81: {  	[spmem:s2] =	stream.indirect.scatter.add.f32 [tilespmem:s4], [sflag:$0x3], $0x10, s29, s10, $0xb8;
	[tilespmem:$0x1F700] =	vst v63  }
0x82: {  	_ =	swait.ge [sflag:s9], $0x400  }
0x83: {  	[sflag:s9] =	ssyncset.done $0x0  }
0x84: {  	[sflag:s9] =	ssyncadd.s32 $0xFFFFFC00  }
0x85: {  	_ =	swait.ge [sflag:s15], $0x2400  }
0x86: {  	[sflag:s15] =	ssyncset.done $0x0  }
0x87: {  	s0 =	simm.s32 $0x18CC0;
	[sflag:s15] =	ssyncadd.s32 $0xFFFFDC00  }
0x88: {  	[spmem:s5] =	stream.indirect.scatter.add.f32 [tilespmem:s11], [sflag:$0x3], $0x90, s0, s10, $0xb8;
	[tilespmem:$0x1F700] =	vst v63  }
0x89: {  	_ =	swait.ge [sflag:s9], $0x2400  }
0x8a: {  	[sflag:s9] =	ssyncset.done $0x0  }
0x8b: {  	s16 =	sadd.s32 $0x135C00, s7;
	s6 =	simm.s32 $0x1F300;
	[sflag:s9] =	ssyncadd.s32 $0xFFFFDC00  }
0x8c: {  	[spmem:s2] =	stream.indirect.scatter.add.f32 [tilespmem:s6], [sflag:$0x3], $0x10, s0, s10, $0xb8;
	[tilespmem:$0x1F700] =	vst v63  }
0x8d: {  	s24 =	sadd.s32 $0x130C00, s7;
	_ =	swait.ge [sflag:s9], $0x400;
	[dreg:$0x16] =	wrdreg s16  }
0x8e: {  	s7 =	simm.s32 $0x40;
	[dreg:$0x15] =	wrdreg s24  }
0x8f: {  	s8 =	simm.s32 $0x80;
	[sflag:s9] =	ssyncset.done $0x0;
	s1 =	rddreg [dreg:$0x7]  }
.LBB2_1:
0x90: {  	s3 =	rddreg [dreg:$0x5]  }
0x91: {  	[sflag:s9] =	ssyncadd.s32 $0xFFFFFC00;
	s24 =	rddreg [dreg:$0x6];
	s3 =	sadd.s32 s7, s3  }
0x92: {  	[tilespmem:s17], [sflag:$0x3] =	stream.strided.gather [hbm4b:s3+s24], $0x400, s1, s24, $0x38;
	[tilespmem:$0x1F700] =	vst v63  }
0x93: {  	_ =	swait.ge [sflag:s9], $0x400  }
0x94: {  	[sflag:s9] =	ssyncset.done $0x0  }
0x95: {  	s19 =	sadd.s32 $0x400, s19;
	s24 =	simm.s32 $0x0;
	[sflag:s9] =	ssyncadd.s32 $0xFFFFFC00  }
0x96: {  	[tilespmem:s18], [sflag:$0x3] =	stream.linear.gather [hbm4b:s19+s24], $0x2000, $0x38;
	[tilespmem:$0x1F700] =	vst v63  }
0x97: {  	_ =	swait.ge [sflag:s9], $0x2000  }
0x98: {  	[sflag:s9] =	ssyncset.done $0x0  }
0x99: {  	s3 =	rddreg [dreg:$0x8];
	[sflag:s9] =	ssyncadd.s32 $0xFFFFE000  }
0x9a: {  	[tilespmem:s13], [sflag:$0x1] =	stream.indirect.gather [hbm4b:s12+s10], $0x90, s3, s10, $0xb8;
	[tilespmem:$0x1F700] =	vst v63  }
0x9b: {  	_ =	swait.ge [sflag:s14], $0x2400  }
0x9c: {  	s16 =	smov.u32 s8;
	[sflag:s14] =	ssyncset.done $0x0  }
0x9d: {  	s7 =	smov.u32 s16;
	s16 =	rddreg [dreg:$0x9];
	[sflag:s14] =	ssyncadd.s32 $0xFFFFDC00  }
0x9e: {  	[tilespmem:s11], [sflag:$0x2] =	stream.indirect.gather [hbm4b:s12+s10], $0x90, s16, s10, $0xb8;
	[tilespmem:$0x1F700] =	vst v63  }
0x9f: {  	_ = 	snop  }
0xa0: {  	[spmem:s5] =	stream.indirect.scatter.add.f32 [tilespmem:s13], [sflag:$0x3], $0x90, s17, s10, $0xb8;
	[tilespmem:$0x1F700] =	vst v63  }
0xa1: {  	_ =	swait.ge [sflag:s9], $0x2400  }
0xa2: {  	[sflag:s9] =	ssyncset.done $0x0  }
0xa3: {  	[sflag:s9] =	ssyncadd.s32 $0xFFFFDC00  }
0xa4: {  	[spmem:s2] =	stream.indirect.scatter.add.f32 [tilespmem:s18], [sflag:$0x3], $0x10, s17, s10, $0xb8;
	[tilespmem:$0x1F700] =	vst v63  }
0xa5: {  	_ =	swait.ge [sflag:s9], $0x400  }
0xa6: {  	[sflag:s9] =	ssyncset.done $0x0  }
0xa7: {  	[sflag:s9] =	ssyncadd.s32 $0xFFFFFC00  }
0xa8: {  	_ =	swait.ge [sflag:s15], $0x2400  }
0xa9: {  	[sflag:s15] =	ssyncset.done $0x0  }
0xaa: {  	s24 =	rddreg [dreg:$0xa];
	[sflag:s15] =	ssyncadd.s32 $0xFFFFDC00  }
0xab: {  	[tilespmem:s13], [sflag:$0x1] =	stream.indirect.gather [hbm4b:s12+s10], $0x90, s24, s10, $0xb8;
	[tilespmem:$0x1F700] =	vst v63  }
0xac: {  	_ = 	snop  }
0xad: {  	[spmem:s5] =	stream.indirect.scatter.add.f32 [tilespmem:s11], [sflag:$0x3], $0x90, s20, s10, $0xb8;
	[tilespmem:$0x1F700] =	vst v63  }
0xae: {  	_ =	swait.ge [sflag:s9], $0x2400  }
0xaf: {  	[sflag:s9] =	ssyncset.done $0x0  }
0xb0: {  	s3 =	rddreg [dreg:$0xb];
	[sflag:s9] =	ssyncadd.s32 $0xFFFFDC00  }
0xb1: {  	[spmem:s2] =	stream.indirect.scatter.add.f32 [tilespmem:s3], [sflag:$0x3], $0x10, s20, s10, $0xb8;
	[tilespmem:$0x1F700] =	vst v63  }
0xb2: {  	_ =	swait.ge [sflag:s9], $0x400  }
0xb3: {  	[sflag:s9] =	ssyncset.done $0x0  }
0xb4: {  	[sflag:s9] =	ssyncadd.s32 $0xFFFFFC00  }
0xb5: {  	_ =	swait.ge [sflag:s14], $0x2400  }
0xb6: {  	[sflag:s14] =	ssyncset.done $0x0  }
0xb7: {  	s16 =	rddreg [dreg:$0xc];
	[sflag:s14] =	ssyncadd.s32 $0xFFFFDC00  }
0xb8: {  	[tilespmem:s11], [sflag:$0x2] =	stream.indirect.gather [hbm4b:s12+s10], $0x90, s16, s10, $0xb8;
	[tilespmem:$0x1F700] =	vst v63  }
0xb9: {  	_ = 	snop  }
0xba: {  	[spmem:s5] =	stream.indirect.scatter.add.f32 [tilespmem:s13], [sflag:$0x3], $0x90, s21, s10, $0xb8;
	[tilespmem:$0x1F700] =	vst v63  }
0xbb: {  	_ =	swait.ge [sflag:s9], $0x2400  }
0xbc: {  	[sflag:s9] =	ssyncset.done $0x0  }
0xbd: {  	s24 =	rddreg [dreg:$0xd];
	[sflag:s9] =	ssyncadd.s32 $0xFFFFDC00  }
0xbe: {  	[spmem:s2] =	stream.indirect.scatter.add.f32 [tilespmem:s24], [sflag:$0x3], $0x10, s21, s10, $0xb8;
	[tilespmem:$0x1F700] =	vst v63  }
0xbf: {  	_ =	swait.ge [sflag:s9], $0x400  }
0xc0: {  	[sflag:s9] =	ssyncset.done $0x0  }
0xc1: {  	[sflag:s9] =	ssyncadd.s32 $0xFFFFFC00  }
0xc2: {  	_ =	swait.ge [sflag:s15], $0x2400  }
0xc3: {  	[sflag:s15] =	ssyncset.done $0x0  }
0xc4: {  	s3 =	rddreg [dreg:$0xe];
	[sflag:s15] =	ssyncadd.s32 $0xFFFFDC00  }
0xc5: {  	[tilespmem:s13], [sflag:$0x1] =	stream.indirect.gather [hbm4b:s12+s10], $0x90, s3, s10, $0xb8;
	[tilespmem:$0x1F700] =	vst v63  }
0xc6: {  	_ = 	snop  }
0xc7: {  	[spmem:s5] =	stream.indirect.scatter.add.f32 [tilespmem:s11], [sflag:$0x3], $0x90, s22, s10, $0xb8;
	[tilespmem:$0x1F700] =	vst v63  }
0xc8: {  	_ =	swait.ge [sflag:s9], $0x2400  }
0xc9: {  	[sflag:s9] =	ssyncset.done $0x0  }
0xca: {  	s16 =	rddreg [dreg:$0xf];
	[sflag:s9] =	ssyncadd.s32 $0xFFFFDC00  }
0xcb: {  	[spmem:s2] =	stream.indirect.scatter.add.f32 [tilespmem:s16], [sflag:$0x3], $0x10, s22, s10, $0xb8;
	[tilespmem:$0x1F700] =	vst v63  }
0xcc: {  	_ =	swait.ge [sflag:s9], $0x400  }
0xcd: {  	[sflag:s9] =	ssyncset.done $0x0  }
0xce: {  	[sflag:s9] =	ssyncadd.s32 $0xFFFFFC00  }
0xcf: {  	_ =	swait.ge [sflag:s14], $0x2400  }
0xd0: {  	[sflag:s14] =	ssyncset.done $0x0  }
0xd1: {  	s24 =	simm.s32 $0x18E40;
	[sflag:s14] =	ssyncadd.s32 $0xFFFFDC00  }
0xd2: {  	[tilespmem:s11], [sflag:$0x2] =	stream.indirect.gather [hbm4b:s12+s10], $0x90, s24, s10, $0xb8;
	[tilespmem:$0x1F700] =	vst v63  }
0xd3: {  	_ = 	snop  }
0xd4: {  	[spmem:s5] =	stream.indirect.scatter.add.f32 [tilespmem:s13], [sflag:$0x3], $0x90, s23, s10, $0xb8;
	[tilespmem:$0x1F700] =	vst v63  }
0xd5: {  	_ =	swait.ge [sflag:s9], $0x2400  }
0xd6: {  	[sflag:s9] =	ssyncset.done $0x0  }
0xd7: {  	[sflag:s9] =	ssyncadd.s32 $0xFFFFDC00  }
0xd8: {  	[spmem:s2] =	stream.indirect.scatter.add.f32 [tilespmem:s26], [sflag:$0x3], $0x10, s23, s10, $0xb8;
	[tilespmem:$0x1F700] =	vst v63  }
0xd9: {  	_ =	swait.ge [sflag:s9], $0x400  }
0xda: {  	[sflag:s9] =	ssyncset.done $0x0  }
0xdb: {  	[sflag:s9] =	ssyncadd.s32 $0xFFFFFC00  }
0xdc: {  	_ =	swait.ge [sflag:s15], $0x2400  }
0xdd: {  	[sflag:s15] =	ssyncset.done $0x0  }
0xde: {  	[sflag:s15] =	ssyncadd.s32 $0xFFFFDC00  }
0xdf: {  	[tilespmem:s13], [sflag:$0x1] =	stream.indirect.gather [hbm4b:s12+s10], $0x90, s28, s10, $0xb8;
	[tilespmem:$0x1F700] =	vst v63  }
0xe0: {  	_ = 	snop  }
0xe1: {  	[spmem:s5] =	stream.indirect.scatter.add.f32 [tilespmem:s11], [sflag:$0x3], $0x90, s25, s10, $0xb8;
	[tilespmem:$0x1F700] =	vst v63  }
0xe2: {  	_ =	swait.ge [sflag:s9], $0x2400  }
0xe3: {  	[sflag:s9] =	ssyncset.done $0x0  }
0xe4: {  	[sflag:s9] =	ssyncadd.s32 $0xFFFFDC00  }
0xe5: {  	[spmem:s2] =	stream.indirect.scatter.add.f32 [tilespmem:s31], [sflag:$0x3], $0x10, s25, s10, $0xb8;
	[tilespmem:$0x1F700] =	vst v63  }
0xe6: {  	_ =	swait.ge [sflag:s9], $0x400  }
0xe7: {  	[sflag:s9] =	ssyncset.done $0x0  }
0xe8: {  	[sflag:s9] =	ssyncadd.s32 $0xFFFFFC00  }
0xe9: {  	_ =	swait.ge [sflag:s14], $0x2400  }
0xea: {  	[sflag:s14] =	ssyncset.done $0x0  }
0xeb: {  	[sflag:s14] =	ssyncadd.s32 $0xFFFFDC00  }
0xec: {  	[tilespmem:s11], [sflag:$0x2] =	stream.indirect.gather [hbm4b:s12+s10], $0x90, s30, s10, $0xb8;
	[tilespmem:$0x1F700] =	vst v63  }
0xed: {  	_ = 	snop  }
0xee: {  	[spmem:s5] =	stream.indirect.scatter.add.f32 [tilespmem:s13], [sflag:$0x3], $0x90, s29, s10, $0xb8;
	[tilespmem:$0x1F700] =	vst v63  }
0xef: {  	_ =	swait.ge [sflag:s9], $0x2400  }
0xf0: {  	[sflag:s9] =	ssyncset.done $0x0  }
0xf1: {  	[sflag:s9] =	ssyncadd.s32 $0xFFFFDC00  }
0xf2: {  	[spmem:s2] =	stream.indirect.scatter.add.f32 [tilespmem:s4], [sflag:$0x3], $0x10, s29, s10, $0xb8;
	[tilespmem:$0x1F700] =	vst v63  }
0xf3: {  	_ =	swait.ge [sflag:s9], $0x400  }
0xf4: {  	[sflag:s9] =	ssyncset.done $0x0  }
0xf5: {  	[sflag:s9] =	ssyncadd.s32 $0xFFFFFC00  }
0xf6: {  	_ =	swait.ge [sflag:s15], $0x2400  }
0xf7: {  	[sflag:s15] =	ssyncset.done $0x0  }
0xf8: {  	[sflag:s15] =	ssyncadd.s32 $0xFFFFDC00  }
0xf9: {  	[spmem:s5] =	stream.indirect.scatter.add.f32 [tilespmem:s11], [sflag:$0x3], $0x90, s0, s10, $0xb8;
	[tilespmem:$0x1F700] =	vst v63  }
0xfa: {  	p0 =	sne.s32 s8, $0x4C0;
	_ =	swait.ge [sflag:s9], $0x2400  }
.Ltmp0:
0xfb: {  	[sflag:s9] =	ssyncset.done $0x0;
	(pc) =	sbr.rel @p0 .LBB2_1-.Ltmp0, $4  }
0xfc: {  	[sflag:s9] =	ssyncadd.s32 $0xFFFFDC00  }
0xfd: {  	[spmem:s2] =	stream.indirect.scatter.add.f32 [tilespmem:s6], [sflag:$0x3], $0x10, s0, s10, $0xb8;
	[tilespmem:$0x1F700] =	vst v63  }
0xfe: {  	_ =	swait.ge [sflag:s9], $0x400  }
0xff: {  	s8 =	sadd.s32 $0x40, s8;
	s1 =	rddreg [dreg:$0x7];
	[sflag:s9] =	ssyncset.done $0x0  }
0x100: {  	s3 =	rddreg [dreg:$0x5]  }
0x101: {  	s8 =	rddreg [dreg:$0x6];
	[sflag:s9] =	ssyncadd.s32 $0xFFFFFC00;
	s3 =	sadd.s32 s7, s3  }
0x102: {  	[tilespmem:s17], [sflag:$0x3] =	stream.strided.gather [hbm4b:s3+s8], $0x400, s1, s8, $0x38;
	[tilespmem:$0x1F700] =	vst v63  }
0x103: {  	_ =	swait.ge [sflag:s9], $0x400  }
0x104: {  	[sflag:s9] =	ssyncset.done $0x0  }
0x105: {  	s19 =	sadd.s32 $0x400, s19;
	s24 =	simm.s32 $0x0;
	[sflag:s9] =	ssyncadd.s32 $0xFFFFFC00  }
0x106: {  	[tilespmem:s18], [sflag:$0x3] =	stream.linear.gather [hbm4b:s19+s24], $0x2000, $0x38;
	[tilespmem:$0x1F700] =	vst v63  }
0x107: {  	_ =	swait.ge [sflag:s9], $0x2000  }
0x108: {  	[sflag:s9] =	ssyncset.done $0x0  }
0x109: {  	s3 =	rddreg [dreg:$0x8];
	[sflag:s9] =	ssyncadd.s32 $0xFFFFE000  }
0x10a: {  	[tilespmem:s13], [sflag:$0x1] =	stream.indirect.gather [hbm4b:s12+s10], $0x90, s3, s10, $0xb8;
	[tilespmem:$0x1F700] =	vst v63  }
0x10b: {  	_ =	swait.ge [sflag:s14], $0x2400  }
0x10c: {  	[sflag:s14] =	ssyncset.done $0x0  }
0x10d: {  	s7 =	rddreg [dreg:$0x9];
	[sflag:s14] =	ssyncadd.s32 $0xFFFFDC00  }
0x10e: {  	[tilespmem:s11], [sflag:$0x2] =	stream.indirect.gather [hbm4b:s12+s10], $0x90, s7, s10, $0xb8;
	[tilespmem:$0x1F700] =	vst v63  }
0x10f: {  	_ = 	snop  }
0x110: {  	[spmem:s5] =	stream.indirect.scatter.add.f32 [tilespmem:s13], [sflag:$0x3], $0x90, s17, s10, $0xb8;
	[tilespmem:$0x1F700] =	vst v63  }
0x111: {  	_ =	swait.ge [sflag:s9], $0x2400  }
0x112: {  	[sflag:s9] =	ssyncset.done $0x0  }
0x113: {  	[sflag:s9] =	ssyncadd.s32 $0xFFFFDC00  }
0x114: {  	[spmem:s2] =	stream.indirect.scatter.add.f32 [tilespmem:s18], [sflag:$0x3], $0x10, s17, s10, $0xb8;
	[tilespmem:$0x1F700] =	vst v63  }
0x115: {  	_ =	swait.ge [sflag:s9], $0x400  }
0x116: {  	[sflag:s9] =	ssyncset.done $0x0  }
0x117: {  	[sflag:s9] =	ssyncadd.s32 $0xFFFFFC00  }
0x118: {  	_ =	swait.ge [sflag:s15], $0x2400  }
0x119: {  	[sflag:s15] =	ssyncset.done $0x0  }
0x11a: {  	s8 =	rddreg [dreg:$0xa];
	[sflag:s15] =	ssyncadd.s32 $0xFFFFDC00  }
0x11b: {  	[tilespmem:s13], [sflag:$0x1] =	stream.indirect.gather [hbm4b:s12+s10], $0x90, s8, s10, $0xb8;
	[tilespmem:$0x1F700] =	vst v63  }
0x11c: {  	_ = 	snop  }
0x11d: {  	[spmem:s5] =	stream.indirect.scatter.add.f32 [tilespmem:s11], [sflag:$0x3], $0x90, s20, s10, $0xb8;
	[tilespmem:$0x1F700] =	vst v63  }
0x11e: {  	_ =	swait.ge [sflag:s9], $0x2400  }
0x11f: {  	[sflag:s9] =	ssyncset.done $0x0  }
0x120: {  	s16 =	rddreg [dreg:$0xb];
	[sflag:s9] =	ssyncadd.s32 $0xFFFFDC00  }
0x121: {  	[spmem:s2] =	stream.indirect.scatter.add.f32 [tilespmem:s16], [sflag:$0x3], $0x10, s20, s10, $0xb8;
	[tilespmem:$0x1F700] =	vst v63  }
0x122: {  	_ =	swait.ge [sflag:s9], $0x400  }
0x123: {  	[sflag:s9] =	ssyncset.done $0x0  }
0x124: {  	[sflag:s9] =	ssyncadd.s32 $0xFFFFFC00  }
0x125: {  	_ =	swait.ge [sflag:s14], $0x2400  }
0x126: {  	[sflag:s14] =	ssyncset.done $0x0  }
0x127: {  	s17 =	rddreg [dreg:$0xc];
	[sflag:s14] =	ssyncadd.s32 $0xFFFFDC00  }
0x128: {  	[tilespmem:s11], [sflag:$0x2] =	stream.indirect.gather [hbm4b:s12+s10], $0x90, s17, s10, $0xb8;
	[tilespmem:$0x1F700] =	vst v63  }
0x129: {  	_ = 	snop  }
0x12a: {  	[spmem:s5] =	stream.indirect.scatter.add.f32 [tilespmem:s13], [sflag:$0x3], $0x90, s21, s10, $0xb8;
	[tilespmem:$0x1F700] =	vst v63  }
0x12b: {  	_ =	swait.ge [sflag:s9], $0x2400  }
0x12c: {  	[sflag:s9] =	ssyncset.done $0x0  }
0x12d: {  	s18 =	rddreg [dreg:$0xd];
	[sflag:s9] =	ssyncadd.s32 $0xFFFFDC00  }
0x12e: {  	[spmem:s2] =	stream.indirect.scatter.add.f32 [tilespmem:s18], [sflag:$0x3], $0x10, s21, s10, $0xb8;
	[tilespmem:$0x1F700] =	vst v63  }
0x12f: {  	_ =	swait.ge [sflag:s9], $0x400  }
0x130: {  	[sflag:s9] =	ssyncset.done $0x0  }
0x131: {  	[sflag:s9] =	ssyncadd.s32 $0xFFFFFC00  }
0x132: {  	_ =	swait.ge [sflag:s15], $0x2400  }
0x133: {  	[sflag:s15] =	ssyncset.done $0x0  }
0x134: {  	s19 =	rddreg [dreg:$0xe];
	[sflag:s15] =	ssyncadd.s32 $0xFFFFDC00  }
0x135: {  	[tilespmem:s13], [sflag:$0x1] =	stream.indirect.gather [hbm4b:s12+s10], $0x90, s19, s10, $0xb8;
	[tilespmem:$0x1F700] =	vst v63  }
0x136: {  	_ = 	snop  }
0x137: {  	[spmem:s5] =	stream.indirect.scatter.add.f32 [tilespmem:s11], [sflag:$0x3], $0x90, s22, s10, $0xb8;
	[tilespmem:$0x1F700] =	vst v63  }
0x138: {  	_ =	swait.ge [sflag:s9], $0x2400  }
0x139: {  	[sflag:s9] =	ssyncset.done $0x0  }
0x13a: {  	s20 =	rddreg [dreg:$0xf];
	[sflag:s9] =	ssyncadd.s32 $0xFFFFDC00  }
0x13b: {  	[spmem:s2] =	stream.indirect.scatter.add.f32 [tilespmem:s20], [sflag:$0x3], $0x10, s22, s10, $0xb8;
	[tilespmem:$0x1F700] =	vst v63  }
0x13c: {  	_ =	swait.ge [sflag:s9], $0x400  }
0x13d: {  	[sflag:s9] =	ssyncset.done $0x0  }
0x13e: {  	[sflag:s9] =	ssyncadd.s32 $0xFFFFFC00  }
0x13f: {  	_ =	swait.ge [sflag:s14], $0x2400  }
0x140: {  	[sflag:s14] =	ssyncset.done $0x0  }
0x141: {  	s21 =	simm.s32 $0x18E40;
	[sflag:s14] =	ssyncadd.s32 $0xFFFFDC00  }
0x142: {  	[tilespmem:s11], [sflag:$0x2] =	stream.indirect.gather [hbm4b:s12+s10], $0x90, s21, s10, $0xb8;
	[tilespmem:$0x1F700] =	vst v63  }
0x143: {  	_ = 	snop  }
0x144: {  	[spmem:s5] =	stream.indirect.scatter.add.f32 [tilespmem:s13], [sflag:$0x3], $0x90, s23, s10, $0xb8;
	[tilespmem:$0x1F700] =	vst v63  }
0x145: {  	_ =	swait.ge [sflag:s9], $0x2400  }
0x146: {  	[sflag:s9] =	ssyncset.done $0x0  }
0x147: {  	[sflag:s9] =	ssyncadd.s32 $0xFFFFDC00  }
0x148: {  	[spmem:s2] =	stream.indirect.scatter.add.f32 [tilespmem:s26], [sflag:$0x3], $0x10, s23, s10, $0xb8;
	[tilespmem:$0x1F700] =	vst v63  }
0x149: {  	_ =	swait.ge [sflag:s9], $0x400  }
0x14a: {  	[sflag:s9] =	ssyncset.done $0x0  }
0x14b: {  	[sflag:s9] =	ssyncadd.s32 $0xFFFFFC00  }
0x14c: {  	_ =	swait.ge [sflag:s15], $0x2400  }
0x14d: {  	[sflag:s15] =	ssyncset.done $0x0  }
0x14e: {  	[sflag:s15] =	ssyncadd.s32 $0xFFFFDC00  }
0x14f: {  	[tilespmem:s13], [sflag:$0x1] =	stream.indirect.gather [hbm4b:s12+s10], $0x90, s28, s10, $0xb8;
	[tilespmem:$0x1F700] =	vst v63  }
0x150: {  	_ = 	snop  }
0x151: {  	[spmem:s5] =	stream.indirect.scatter.add.f32 [tilespmem:s11], [sflag:$0x3], $0x90, s25, s10, $0xb8;
	[tilespmem:$0x1F700] =	vst v63  }
0x152: {  	_ =	swait.ge [sflag:s9], $0x2400  }
0x153: {  	[sflag:s9] =	ssyncset.done $0x0  }
0x154: {  	[sflag:s9] =	ssyncadd.s32 $0xFFFFDC00  }
0x155: {  	[spmem:s2] =	stream.indirect.scatter.add.f32 [tilespmem:s31], [sflag:$0x3], $0x10, s25, s10, $0xb8;
	[tilespmem:$0x1F700] =	vst v63  }
0x156: {  	_ =	swait.ge [sflag:s9], $0x400  }
0x157: {  	[sflag:s9] =	ssyncset.done $0x0  }
0x158: {  	[sflag:s9] =	ssyncadd.s32 $0xFFFFFC00  }
0x159: {  	_ =	swait.ge [sflag:s14], $0x2400  }
0x15a: {  	[sflag:s14] =	ssyncset.done $0x0  }
0x15b: {  	[sflag:s14] =	ssyncadd.s32 $0xFFFFDC00  }
0x15c: {  	[tilespmem:s11], [sflag:$0x2] =	stream.indirect.gather [hbm4b:s12+s10], $0x90, s30, s10, $0xb8;
	[tilespmem:$0x1F700] =	vst v63  }
0x15d: {  	_ = 	snop  }
0x15e: {  	[spmem:s5] =	stream.indirect.scatter.add.f32 [tilespmem:s13], [sflag:$0x3], $0x90, s29, s10, $0xb8;
	[tilespmem:$0x1F700] =	vst v63  }
0x15f: {  	_ =	swait.ge [sflag:s9], $0x2400  }
0x160: {  	[sflag:s9] =	ssyncset.done $0x0  }
0x161: {  	[sflag:s9] =	ssyncadd.s32 $0xFFFFDC00  }
0x162: {  	[spmem:s2] =	stream.indirect.scatter.add.f32 [tilespmem:s4], [sflag:$0x3], $0x10, s29, s10, $0xb8;
	[tilespmem:$0x1F700] =	vst v63  }
0x163: {  	_ =	swait.ge [sflag:s9], $0x400  }
0x164: {  	[sflag:s9] =	ssyncset.done $0x0  }
0x165: {  	[sflag:s9] =	ssyncadd.s32 $0xFFFFFC00  }
0x166: {  	_ =	swait.ge [sflag:s15], $0x2400  }
0x167: {  	[sflag:s15] =	ssyncset.done $0x0  }
0x168: {  	[sflag:s15] =	ssyncadd.s32 $0xFFFFDC00  }
0x169: {  	[spmem:s5] =	stream.indirect.scatter.add.f32 [tilespmem:s11], [sflag:$0x3], $0x90, s0, s10, $0xb8;
	[tilespmem:$0x1F700] =	vst v63  }
0x16a: {  	_ =	swait.ge [sflag:s9], $0x2400  }
0x16b: {  	[sflag:s9] =	ssyncset.done $0x0  }
0x16c: {  	[sflag:s9] =	ssyncadd.s32 $0xFFFFDC00  }
0x16d: {  	[spmem:s2] =	stream.indirect.scatter.add.f32 [tilespmem:s6], [sflag:$0x3], $0x10, s0, s10, $0xb8;
	[tilespmem:$0x1F700] =	vst v63  }
0x16e: {  	_ =	swait.ge [sflag:s9], $0x400  }
0x16f: {  	[sflag:s9] =	ssyncset.done $0x0  }
0x170: {  	s22 =	rddreg [dreg:$0x11];
	[sflag:s9] =	ssyncadd.s32 $0xFFFFFC00  }
0x171: {  	s23 =	rddreg [dreg:$0x16];
	[bflag:$0x0] =	sbarrier.arrive $0xFFFF  }
0x172: {  	s24 =	rddreg [dreg:$0x10]  }
0x173: {  	s26 =	simm.s32 $0x3;
	s0 =	sadd.s32 s23, s22;
	s25 =	rddreg [dreg:$0x13]  }
0x174: {  	[hbm:s0], [sflag:s24] =	dma.local [spmem:s25], $0x2C70  }
0x175: {  	_ =	swait.ge [sflag:s26], $0x2C70  }
0x176: {  	s28 =	rddreg [dreg:$0x12]  }
0x177: {  	[sflag:s26] =	ssyncset.done $0x0;
	s29 =	rddreg [dreg:$0x15]  }
0x178: {  	s30 =	rddreg [dreg:$0x14];
	s1 =	sadd.s32 s29, s28;
	[sflag:s26] =	ssyncadd.s32 $0xFFFFD390  }
0x179: {  	[hbm:s1], [sflag:s24] =	dma.local [spmem:s30], $0x4F0  }
0x17a: {  	_ =	swait.ge [sflag:s26], $0x4F0  }
0x17b: {  	[sflag:s26] =	ssyncset.done $0x0  }
0x17c: {  	[sflag:s26] =	ssyncadd.s32 $0xFFFFFB10  }
0x17d: {  	_ =	sfence.sel $0x180000  }
0x17e: {  	[bflag:$0x0] =	sbarrier.arrive $0xFFFF  }
0x17f: {  	_ =	strace $0x9000004A  }
0x180: {  	s31 =	stileid.u32;
	[bflag:$0x2] =	sbarrier.arrive $0xFFFF  }
0x181: {  	p0 =	sne.s32 s31, $0x0;
	s0 =	rddreg [dreg:$0x4]  }
0x182: {  	s0 =	sadd.s32 @!p0 $0x100000, s0  }
0x183: {  	[sflag:s0] =	ssyncadd.tile.s32 @!p0 $0x1;
	_ =	shalt  }
.Lfunc_end2:
_tile_overlayer_lowered:
.L_overlay_start_2:
0x184: {  	(tag) =	ssettag $0x2  }
0x185: {  	s0 =	rddreg [dreg:$0x0];
	s2 =	stileid.u32  }
0x186: {  	s1 =	rddreg [dreg:$0x1];
	p0 =	sne.s32 s2, $0x0  }
0x187: {  	s3 =	rddreg [dreg:$0x2];
	[bflag:$0x3] =	sbarrier.arrive $0xFFFF;
	s2 =	simm.s32 @!p0 $0x1C03  }
0x188: {  	[timem:s3], [sflag:s2] =	dma.local @!p0 [hbm:s0], s1  }
0x189: {  	s0 =	simm.s32 @!p0 $0x3  }
0x18a: {  	_ =	swait.ge @!p0 [sflag:s0], s1  }
0x18b: {  	s1 =	ssub.s32 @!p0 $0x0, s1;
	[sflag:s0] =	ssyncset.done @!p0 $0x0  }
0x18c: {  	[sflag:s0] =	ssyncadd.s32 @!p0 s1  }
0x18d: {  	[bflag:$0x3] =	sbarrier.arrive $0xFFFF  }
0x18e: {  	_ =	shalt  }

// kernel: kernel.8.cloned.1.call-start
scs
__scs_entry_jumppad:
0x0: {  	(pc) =	sbr.rel $0x88, $3  }
0x1: {  	(tag) =	ssettag $0x0;
	lr =	simm.s32 $0x1  }
0x2: {  	[smem:$0x3F9C] =	sst lr;
	_ =	strace $0xD0000000  }
0x3: {  	_ = 	snop  }
0x4: {  	_ = 	snop  }
0x5: {  	_ = 	snop  }
0x6: {  	_ = 	snop  }
0x7: {  	_ = 	snop  }
__scs_overlays_trampoline_lowered:
0x8: {  	[smem:$0x3FAB] =	sst s0  }
0x9: {  	[smem:$0x3FAC] =	sst s1  }
0xa: {  	[smem:$0x3FAD] =	sst s2  }
0xb: {  	[smem:$0x3FAE] =	sst s3  }
0xc: {  	[smem:$0x3FAF] =	sst s4  }
0xd: {  	[smem:$0x3FB0] =	sst s5  }
0xe: {  	[smem:$0x3FB1] =	sst s6  }
0xf: {  	[smem:$0x3FB2] =	sst s7  }
0x10: {  	[smem:$0x3FB3] =	sst s8  }
0x11: {  	[smem:$0x3FB4] =	sst s9;
	s0 =	simm.s32 @!p0 $0x0  }
0x12: {  	s1 =	sld [smem:$0x3F9A];
	s0 =	simm.s32 @p0 $0x1  }
0x13: {  	[smem:$0x3FB5] =	sst s0;
	s0 =	simm.s32 @!p1 $0x0  }
0x14: {  	s2 =	sld [smem:$0x3F99];
	s0 =	simm.s32 @p1 $0x1  }
0x15: {  	[smem:$0x3FB6] =	sst s0;
	s0 =	simm.s32 @!p2 $0x0  }
0x16: {  	s3 =	sld [smem:$0x3FDB];
	s0 =	simm.s32 @p2 $0x1  }
0x17: {  	s4 =	simm.s32 $0x1BF5;
	[smem:$0x3FB8] =	sst s0  }
0x18: {  	s0 =	sld [smem:$0x3F9B];
	_ =	swait.ge [sflag:s4], $0x0  }
0x19: {  	s7 =	sld [smem:$0x3F9C]  }
0x1a: {  	s8 =	sadd.s32 $0xFFFFE003, lr  }
0x1b: {  	s9 =	sadd.s32 $0xFFFFFEF7, lr;
	s5 =	simm.s32 $0xFFFFFFFF;
	p2 =	slt.u32 s8, $0xFFFFF086  }
0x1c: {  	p1 =	slt.u32 s9, $0xF7A;
	s5 =	simm.s32 @!p2 $0x0  }
0x1d: {  	s5 =	simm.s32 @p1 $0x1;
	p0 =	seq.s32 s7, s2  }
0x1e: {  	s7 =	smul.u32 @!p0 $0xF7A, s2;
	p2 =	seq.s32 @!p0 s5, $0x0  }
0x1f: {  	s9 =	smul.u32 $0xF7A, s1;
	s8 =	simm.s32 @!p0 $0x1BF5;
	p2 =	por !p2, p0  }
0x20: {  	[sflag:s8] =	ssyncset.s32 @!p0 $0xFFFFF086;
	s6 =	sadd.s32 @!p0 s3, s7;
	s7 =	simm.s32 @!p0 $0x108  }
0x21: {  	s3 =	sadd.s32 s3, s9;
	s6 =	sadd.s32 @!p0 $0x88, s6;
	s7 =	simm.s32 @p2 $0x1082  }
0x22: {  	[simem:s7], [sflag:s8] =	dma.local @!p0 [hbm:s6], $0xF7A  }
0x23: {  	s9 =	sor.u32 $0xD0000000, s2;
	s6 =	simm.s32 $0x108;
	_ =	swait.ge @!p0 [sflag:s8], $0x0  }
0x24: {  	s3 =	sadd.s32 $0x88, s3;
	s6 =	simm.s32 @!p1 $0x1082;
	[sflag:s4] =	ssyncset.s32 $0xFFFFF086  }
0x25: {  	[simem:s6], [sflag:s4] =	dma.local [hbm:s3], $0xF7A  }
0x26: {  	[smem:$0x3F9C] =	sst s1;
	(tag) =	ssettag s2;
	_ =	strace s9  }
0x27: {  	s1 =	sld [smem:$0x3FAC]  }
0x28: {  	s2 =	sld [smem:$0x3FAD]  }
0x29: {  	s4 =	sld [smem:$0x3FAF]  }
0x2a: {  	p0 =	seq.s32 s5, $0x0;
	s5 =	sld [smem:$0x3FB0]  }
0x2b: {  	s6 =	sld [smem:$0x3FB1]  }
0x2c: {  	s7 =	sld [smem:$0x3FB2]  }
0x2d: {  	s3 =	simm.s32 $0x108;
	s8 =	sld [smem:$0x3FB3]  }
0x2e: {  	s3 =	simm.s32 @!p0 $0x1082;
	s9 =	sld [smem:$0x3FB4]  }
0x2f: {  	lr =	sadd.s32 s0, s3;
	s0 =	sld [smem:$0x3FAB]  }
0x30: {  	s3 =	sld [smem:$0x3FAE]  }
0x31: {  	[smem:$0x3FB7] =	sst s10  }
0x32: {  	s10 =	sld [smem:$0x3FB5];
	_ =	sdelay $0x3  }
0x33: {  	p0 =	seq.s32 s10, $0x1;
	s10 =	sld [smem:$0x3FB7];
	_ =	sdelay $0x3  }
0x34: {  	[smem:$0x3FB7] =	sst s10  }
0x35: {  	s10 =	sld [smem:$0x3FB6];
	_ =	sdelay $0x3  }
0x36: {  	p1 =	seq.s32 s10, $0x1;
	s10 =	sld [smem:$0x3FB7];
	_ =	sdelay $0x3  }
0x37: {  	[smem:$0x3FB7] =	sst s10  }
0x38: {  	s10 =	sld [smem:$0x3FB8]  }
0x39: {  	_ = 	snop;
	(pc) =	sbr.ind lr, $3  }
0x3a: {  	_ = 	snop  }
0x3b: {  	_ = 	snop  }
0x3c: {  	p2 =	seq.s32 s10, $0x1;
	s10 =	sld [smem:$0x3FB7]  }
0x3d: {  	_ =	shalt  }
0x3e: {  	_ =	shalt  }
0x3f: {  	_ =	shalt  }
0x40: {  	_ =	shalt  }
0x41: {  	_ =	shalt  }
0x42: {  	_ =	shalt  }
0x43: {  	_ =	shalt  }
0x44: {  	_ =	shalt  }
0x45: {  	_ =	shalt  }
0x46: {  	_ =	shalt  }
0x47: {  	_ =	shalt  }
0x48: {  	_ =	shalt  }
0x49: {  	_ =	shalt  }
0x4a: {  	_ =	shalt  }
0x4b: {  	_ =	shalt  }
0x4c: {  	_ =	shalt  }
0x4d: {  	_ =	shalt  }
0x4e: {  	_ =	shalt  }
0x4f: {  	_ =	shalt  }
0x50: {  	_ =	shalt  }
0x51: {  	_ =	shalt  }
0x52: {  	_ =	shalt  }
0x53: {  	_ =	shalt  }
0x54: {  	_ =	shalt  }
0x55: {  	_ =	shalt  }
0x56: {  	_ =	shalt  }
0x57: {  	_ =	shalt  }
0x58: {  	_ =	shalt  }
0x59: {  	_ =	shalt  }
0x5a: {  	_ =	shalt  }
0x5b: {  	_ =	shalt  }
0x5c: {  	_ =	shalt  }
0x5d: {  	_ =	shalt  }
0x5e: {  	_ =	shalt  }
0x5f: {  	_ =	shalt  }
0x60: {  	_ =	shalt  }
0x61: {  	_ =	shalt  }
0x62: {  	_ =	shalt  }
0x63: {  	_ =	shalt  }
0x64: {  	_ =	shalt  }
0x65: {  	_ =	shalt  }
0x66: {  	_ =	shalt  }
0x67: {  	_ =	shalt  }
0x68: {  	_ =	shalt  }
0x69: {  	_ =	shalt  }
0x6a: {  	_ =	shalt  }
0x6b: {  	_ =	shalt  }
0x6c: {  	_ =	shalt  }
0x6d: {  	_ =	shalt  }
0x6e: {  	_ =	shalt  }
0x6f: {  	_ =	shalt  }
0x70: {  	_ =	shalt  }
0x71: {  	_ =	shalt  }
0x72: {  	_ =	shalt  }
0x73: {  	_ =	shalt  }
0x74: {  	_ =	shalt  }
0x75: {  	_ =	shalt  }
0x76: {  	_ =	shalt  }
0x77: {  	_ =	shalt  }
0x78: {  	_ =	shalt  }
0x79: {  	_ =	shalt  }
0x7a: {  	_ =	shalt  }
0x7b: {  	_ =	shalt  }
0x7c: {  	_ =	shalt  }
0x7d: {  	_ =	shalt  }
0x7e: {  	_ =	shalt  }
0x7f: {  	_ =	shalt  }
0x80: {  	_ =	shalt  }
0x81: {  	_ =	shalt  }
0x82: {  	_ =	shalt  }
0x83: {  	_ =	shalt  }
0x84: {  	_ =	shalt  }
0x85: {  	_ =	shalt  }
0x86: {  	_ =	shalt  }
0x87: {  	_ =	shalt  }
.Lfunc_end0:
.L_simem_size_0:
called_computation.1_lowered:
.L_overlay_start_0:
0x88: {  	s0 =	sld [smem:$0x3FD9]  }
0x89: {  	s1 =	sld [smem:$0x3FFE];
	_ =	sdelay $0x3  }
0x8a: {  	s0 =	sadd.s32 s1, s0  }
0x8b: {  	[smem:$0x3FC3] =	sst s0  }
0x8c: {  	_ = 	snop  }
0x8d: {  	s0 =	sld [smem:$0x3FD0];
	(tm) =	ssettm $0x1  }
0x8e: {  	s16 =	sld [smem:$0x3FFB];
	_ =	sdelay $0x3  }
0x8f: {  	_ =	strace s16  }
0x90: {  	s1 =	sld [smem:$0x3FFC];
	_ =	sdelay $0x3  }
0x91: {  	_ =	strace s1  }
0x92: {  	s1 =	sld [smem:$0x3FFD];
	_ =	sdelay $0x3  }
0x93: {  	_ =	strace s1  }
0x94: {  	_ =	strace $0x8FFFFFFF  }
0x95: {  	s17 =	sld [smem:$0x3FDB];
	_ =	sdelay $0x1  }
0x96: {  	s2 =	simm.s32 $_scs_section_size  }
0x97: {  	s3 =	simm.s32 $_size__tile_overlayer_lowered;
	s4 =	simm.s32 $_tile_overlayer_lowered  }
0x98: {  	s20 =	simm.s32 $0x1BFF;
	s19 =	sshll.u32 s4, $0x1;
	s1 =	sadd.s32 s2, s17  }
0x99: {  	s5 =	simm.s32 $0x0;
	s18 =	sshll.u32 s3, $0x1;
	s3 =	sadd.s32 s19, s1  }
0x9a: {  	[timem:s5], [sflag:s20] =	dma.local [hbm:s3], s18  }
0x9b: {  	_ =	swait.ge [sflag:s20], s18  }
0x9c: {  	s2 =	ssub.s32 $0x0, s18;
	[sflag:s20] =	ssyncset.done $0x0  }
0x9d: {  	[sflag:s20] =	ssyncadd.s32 s2;
	_ =	sdelay $0x1  }
0x9e: {  	s21 =	simm.s32 $0x1B8B  }
0x9f: {  	_ =	swait.ge [sflag:s21], $0x1  }
0xa0: {  	[sflag:s21] =	ssyncset.done $0x0  }
0xa1: {  	s23 =	simm.s32 $0x1B8E;
	s22 =	sld [smem:$0x3FFE];
	[sflag:s21] =	ssyncadd.s32 $0xFFFFFFFF  }
0xa2: {  	s24 =	simm.s32 $execute0_lowered;
	[smem:$0x3FD2] =	sst s23  }
0xa3: {  	s3 =	sshll.u32 s24, $0x1;
	_ =	strace $0x80000046;
	[dreg:$0x1] =	wrdreg $0xFFFFFFFF  }
0xa4: {  	s25 =	simm.s32 $_size_execute0_lowered;
	s1 =	sadd.s32 s1, s3;
	[dreg:$0x0] =	wrdreg $0x0  }
0xa5: {  	s3 =	sshll.u32 s25, $0x1;
	[dreg:$0x2] =	wrdreg s1  }
0xa6: {  	[dreg:$0x3] =	wrdreg s3  }
0xa7: {  	[dreg:$0x4] =	wrdreg $0xC0  }
0xa8: {  	_ =	task [dreg:s5], $0x5FFFF  }
0xa9: {  	[dreg:$0x1] =	wrdreg $0xFFFFFFFF  }
0xaa: {  	[dreg:$0x0] =	wrdreg $0x60  }
0xab: {  	[dreg:$0x2] =	wrdreg s22  }
0xac: {  	[dreg:$0x3] =	wrdreg s0  }
0xad: {  	[dreg:$0x4] =	wrdreg $0x0  }
0xae: {  	[dreg:$0x5] =	wrdreg $0x163800  }
0xaf: {  	[dreg:$0x6] =	wrdreg $0xA  }
0xb0: {  	_ =	task.clear_ibuf [dreg:s5], $0x7FFFF;
	_ =	strace $0x90000046  }
0xb1: {  	s26 =	simm.s32 $0xA;
	_ =	strace $0x80000048  }
0xb2: {  	_ =	swait.ge [sflag:s26], $0x1  }
0xb3: {  	[sflag:s26] =	ssyncadd.s32 $0xFFFFFFFF  }
0xb4: {  	_ =	strace $0x90000048  }
0xb5: {  	_ =	sfence  }
0xb6: {  	s28 =	sld [smem:$0x0];
	_ =	sdelay $0x1  }
0xb7: {  	s29 =	srdreg.scid  }
0xb8: {  	s30 =	sshll.u32 s29, $0xD;
	s31 =	sshrl.u32 s29, $0x2  }
0xb9: {  	s2 =	sand.u32 $0x4000, s30;
	s1 =	sand.u32 $0x1, s29;
	s0 =	sadd.s32 s31, s28  }
0xba: {  	s1 =	sor.u32 s2, s1;
	s0 =	sshll.u32 s0, $0x11  }
0xbb: {  	s0 =	sor.u32 s0, s1  }
0xbc: {  	s0 =	sadd.s32 $0x8F2B, s0  }
0xbd: {  	[sflag:s0] =	ssyncadd.remote.s32 $0x1  }
0xbe: {  	_ =	sfence.sel $0xFFFF  }
0xbf: {  	[dreg:$0x0] =	wrdreg $0xFFFFFFFF;
	(pc) =	sbr.abs _section_cstart, $3  }
0xc0: {  	[dreg:$0x1] =	wrdreg $0xFFFFFFFF  }
0xc1: {  	_ =	task.clear_ibuf [dreg:s5], $0x2FFFF;
	_ =	strace $0x9FFFFFFF  }
0xc2: {  	(tm) =	ssettm $0x7FFFFFFF  }
0xc3: {  	_ =	shalt  }
tec
execute0_lowered:
.L_overlay_start_1:
0x0: {  	(tag) =	ssettag $0x1  }
0x1: {  	s7 =	rddreg [dreg:$0x0]  }
0x2: {  	s0 =	rddreg [dreg:$0x1]  }
0x3: {  	s5 =	rddreg [dreg:$0x2];
	s10 =	stileid.u32  }
0x4: {  	s2 =	rddreg [dreg:$0x3];
	s11 =	simm.s32 $0x0;
	s1 =	smul.u32 $0x16380, s10  }
0x5: {  	[smem:$0x7FF] =	sst s11;
	s4 =	smul.u32 $0x2780, s10;
	s6 =	sshll.u32 s10, $0x6  }
0x6: {  	s9 =	simm.s32 $0x3;
	_ =	strace $0x80000047;
	s24 =	sor.u32 $0x1C03, s6  }
0x7: {  	s3 =	sshrl.u32 s1, $0x3;
	s1 =	sadd.s32 s1, s5;
	s25 =	sshrl.u32 s4, $0x3  }
0x8: {  	[dreg:$0x11] =	wrdreg s3;
	s3 =	sadd.s32 s3, s7;
	s1 =	sshrl.u32 s1, $0x3  }
0x9: {  	s4 =	sadd.s32 s4, s2;
	s8 =	sadd.s32 $0xCDC00, s3;
	[dreg:$0x13] =	wrdreg s1  }
0xa: {  	[spmem:s1], [sflag:s24] =	dma.local [hbm:s8], $0x2C70  }
0xb: {  	s4 =	sshrl.u32 s4, $0x3;
	_ =	swait.ge [sflag:s9], $0x2C70;
	[dreg:$0x12] =	wrdreg s25  }
0xc: {  	s1 =	sadd.s32 s25, s7;
	[dreg:$0x10] =	wrdreg s24;
	[sflag:s9] =	ssyncset.done $0x0  }
0xd: {  	s1 =	sadd.s32 $0xFA400, s1;
	[dreg:$0x14] =	wrdreg s4;
	[sflag:s9] =	ssyncadd.s32 $0xFFFFD390  }
0xe: {  	[spmem:s4], [sflag:s24] =	dma.local [hbm:s1], $0x4F0  }
0xf: {  	s26 =	smul.u32 $0x500, s10;
	_ =	swait.ge [sflag:s9], $0x4F0  }
0x10: {  	[sflag:s9] =	ssyncset.done $0x0  }
0x11: {  	s0 =	sadd.s32 s26, s0;
	[sflag:s9] =	ssyncadd.s32 $0xFFFFFB10  }
0x12: {  	s0 =	sadd.s32 $0x5000, s0;
	[bflag:$0x0] =	sbarrier.arrive $0xFFFF  }
0x13: {  	s1 =	simm.s32 $0x200;
	[dreg:$0x5] =	wrdreg s0  }
0x14: {  	s3 =	simm.s32 $0x50000;
	[dreg:$0x6] =	wrdreg s1  }
0x15: {  	s4 =	simm.s32 $0x18D00;
	[dreg:$0x7] =	wrdreg s3  }
0x16: {  	s6 =	simm.s32 $0x18D40;
	[dreg:$0x8] =	wrdreg s4  }
0x17: {  	s8 =	simm.s32 $0x18D80;
	[dreg:$0x9] =	wrdreg s6  }
0x18: {  	s12 =	simm.s32 $0x1DB00;
	[dreg:$0xa] =	wrdreg s8  }
0x19: {  	s13 =	simm.s32 $0x18DC0;
	[dreg:$0xb] =	wrdreg s12  }
0x1a: {  	s14 =	simm.s32 $0x1DF00;
	[dreg:$0xc] =	wrdreg s13  }
0x1b: {  	s18 =	simm.s32 $0x18E00;
	[dreg:$0xd] =	wrdreg s14  }
0x1c: {  	s21 =	simm.s32 $0x1E300;
	[dreg:$0xe] =	wrdreg s18  }
0x1d: {  	[dreg:$0xf] =	wrdreg s21  }
0x1e: {  	s15 =	rddreg [dreg:$0x7]  }
0x1f: {  	s17 =	simm.s32 $0x18B00;
	s16 =	rddreg [dreg:$0x5]  }
0x20: {  	s20 =	smul.u32 $0x5000, s10;
	s19 =	rddreg [dreg:$0x6];
	s1 =	sadd.s32 $0x0, s16  }
0x21: {  	[tilespmem:s17], [sflag:$0x3] =	stream.strided.gather [hbm4b:s1+s19], $0x400, s15, s19, $0x38;
	[tilespmem:$0x1F700] =	vst v63  }
0x22: {  	_ =	swait.ge [sflag:s9], $0x400  }
0x23: {  	s22 =	sadd.s32 s20, s7;
	[sflag:s9] =	ssyncset.done $0x0  }
0x24: {  	s18 =	simm.s32 $0x1D700;
	s19 =	sadd.s32 $0x51C00, s22;
	[sflag:s9] =	ssyncadd.s32 $0xFFFFFC00  }
0x25: {  	[tilespmem:s18], [sflag:$0x3] =	stream.linear.gather [hbm4b:s19+s11], $0x2000, $0x38;
	[tilespmem:$0x1F700] =	vst v63  }
0x26: {  	s10 =	simm.s32 $0x40;
	_ =	swait.ge [sflag:s9], $0x2000  }
0x27: {  	s12 =	sadd.s32 $0xA1C00, s7;
	s13 =	simm.s32 $0x18F00;
	[sflag:s9] =	ssyncset.done $0x0  }
0x28: {  	s14 =	simm.s32 $0x1;
	s23 =	rddreg [dreg:$0x8];
	[sflag:s9] =	ssyncadd.s32 $0xFFFFE000  }
0x29: {  	[tilespmem:s13], [sflag:$0x1] =	stream.indirect.gather [hbm4b:s12+s10], $0x90, s23, s10, $0xb8;
	[tilespmem:$0x1F700] =	vst v63  }
0x2a: {  	_ =	swait.ge [sflag:s14], $0x2400  }
0x2b: {  	[sflag:s14] =	ssyncset.done $0x0  }
0x2c: {  	s11 =	simm.s32 $0x1B300;
	s24 =	rddreg [dreg:$0x9];
	[sflag:s14] =	ssyncadd.s32 $0xFFFFDC00  }
0x2d: {  	[tilespmem:s11], [sflag:$0x2] =	stream.indirect.gather [hbm4b:s12+s10], $0x90, s24, s10, $0xb8;
	[tilespmem:$0x1F700] =	vst v63  }
0x2e: {  	_ = 	snop  }
0x2f: {  	[spmem:s5] =	stream.indirect.scatter.add.f32 [tilespmem:s13], [sflag:$0x3], $0x90, s17, s10, $0xb8;
	[tilespmem:$0x1F700] =	vst v63  }
0x30: {  	_ =	swait.ge [sflag:s9], $0x2400  }
0x31: {  	[sflag:s9] =	ssyncset.done $0x0  }
0x32: {  	[sflag:s9] =	ssyncadd.s32 $0xFFFFDC00  }
0x33: {  	[spmem:s2] =	stream.indirect.scatter.add.f32 [tilespmem:s18], [sflag:$0x3], $0x10, s17, s10, $0xb8;
	[tilespmem:$0x1F700] =	vst v63  }
0x34: {  	_ =	swait.ge [sflag:s9], $0x400  }
0x35: {  	[sflag:s9] =	ssyncset.done $0x0  }
0x36: {  	s15 =	simm.s32 $0x2;
	[sflag:s9] =	ssyncadd.s32 $0xFFFFFC00  }
0x37: {  	_ =	swait.ge [sflag:s15], $0x2400  }
0x38: {  	[sflag:s15] =	ssyncset.done $0x0  }
0x39: {  	s25 =	rddreg [dreg:$0xa];
	[sflag:s15] =	ssyncadd.s32 $0xFFFFDC00  }
0x3a: {  	[tilespmem:s13], [sflag:$0x1] =	stream.indirect.gather [hbm4b:s12+s10], $0x90, s25, s10, $0xb8;
	[tilespmem:$0x1F700] =	vst v63  }
0x3b: {  	s20 =	simm.s32 $0x18B40  }
0x3c: {  	[spmem:s5] =	stream.indirect.scatter.add.f32 [tilespmem:s11], [sflag:$0x3], $0x90, s20, s10, $0xb8;
	[tilespmem:$0x1F700] =	vst v63  }
0x3d: {  	_ =	swait.ge [sflag:s9], $0x2400  }
0x3e: {  	[sflag:s9] =	ssyncset.done $0x0  }
0x3f: {  	s26 =	rddreg [dreg:$0xb];
	[sflag:s9] =	ssyncadd.s32 $0xFFFFDC00  }
0x40: {  	[spmem:s2] =	stream.indirect.scatter.add.f32 [tilespmem:s26], [sflag:$0x3], $0x10, s20, s10, $0xb8;
	[tilespmem:$0x1F700] =	vst v63  }
0x41: {  	_ =	swait.ge [sflag:s9], $0x400  }
0x42: {  	[sflag:s9] =	ssyncset.done $0x0  }
0x43: {  	[sflag:s9] =	ssyncadd.s32 $0xFFFFFC00  }
0x44: {  	_ =	swait.ge [sflag:s14], $0x2400  }
0x45: {  	[sflag:s14] =	ssyncset.done $0x0  }
0x46: {  	s1 =	rddreg [dreg:$0xc];
	[sflag:s14] =	ssyncadd.s32 $0xFFFFDC00  }
0x47: {  	[tilespmem:s11], [sflag:$0x2] =	stream.indirect.gather [hbm4b:s12+s10], $0x90, s1, s10, $0xb8;
	[tilespmem:$0x1F700] =	vst v63  }
0x48: {  	s21 =	simm.s32 $0x18B80  }
0x49: {  	[spmem:s5] =	stream.indirect.scatter.add.f32 [tilespmem:s13], [sflag:$0x3], $0x90, s21, s10, $0xb8;
	[tilespmem:$0x1F700] =	vst v63  }
0x4a: {  	_ =	swait.ge [sflag:s9], $0x2400  }
0x4b: {  	[sflag:s9] =	ssyncset.done $0x0  }
0x4c: {  	s3 =	rddreg [dreg:$0xd];
	[sflag:s9] =	ssyncadd.s32 $0xFFFFDC00  }
0x4d: {  	[spmem:s2] =	stream.indirect.scatter.add.f32 [tilespmem:s3], [sflag:$0x3], $0x10, s21, s10, $0xb8;
	[tilespmem:$0x1F700] =	vst v63  }
0x4e: {  	_ =	swait.ge [sflag:s9], $0x400  }
0x4f: {  	[sflag:s9] =	ssyncset.done $0x0  }
0x50: {  	[sflag:s9] =	ssyncadd.s32 $0xFFFFFC00  }
0x51: {  	_ =	swait.ge [sflag:s15], $0x2400  }
0x52: {  	[sflag:s15] =	ssyncset.done $0x0  }
0x53: {  	s4 =	rddreg [dreg:$0xe];
	[sflag:s15] =	ssyncadd.s32 $0xFFFFDC00  }
0x54: {  	[tilespmem:s13], [sflag:$0x1] =	stream.indirect.gather [hbm4b:s12+s10], $0x90, s4, s10, $0xb8;
	[tilespmem:$0x1F700] =	vst v63  }
0x55: {  	s22 =	simm.s32 $0x18BC0  }
0x56: {  	[spmem:s5] =	stream.indirect.scatter.add.f32 [tilespmem:s11], [sflag:$0x3], $0x90, s22, s10, $0xb8;
	[tilespmem:$0x1F700] =	vst v63  }
0x57: {  	_ =	swait.ge [sflag:s9], $0x2400  }
0x58: {  	[sflag:s9] =	ssyncset.done $0x0  }
0x59: {  	s6 =	rddreg [dreg:$0xf];
	[sflag:s9] =	ssyncadd.s32 $0xFFFFDC00  }
0x5a: {  	[spmem:s2] =	stream.indirect.scatter.add.f32 [tilespmem:s6], [sflag:$0x3], $0x10, s22, s10, $0xb8;
	[tilespmem:$0x1F700] =	vst v63  }
0x5b: {  	_ =	swait.ge [sflag:s9], $0x400  }
0x5c: {  	[sflag:s9] =	ssyncset.done $0x0  }
0x5d: {  	[sflag:s9] =	ssyncadd.s32 $0xFFFFFC00  }
0x5e: {  	_ =	swait.ge [sflag:s14], $0x2400  }
0x5f: {  	[sflag:s14] =	ssyncset.done $0x0  }
0x60: {  	s8 =	simm.s32 $0x18E40;
	[sflag:s14] =	ssyncadd.s32 $0xFFFFDC00  }
0x61: {  	[tilespmem:s11], [sflag:$0x2] =	stream.indirect.gather [hbm4b:s12+s10], $0x90, s8, s10, $0xb8;
	[tilespmem:$0x1F700] =	vst v63  }
0x62: {  	s23 =	simm.s32 $0x18C00  }
0x63: {  	[spmem:s5] =	stream.indirect.scatter.add.f32 [tilespmem:s13], [sflag:$0x3], $0x90, s23, s10, $0xb8;
	[tilespmem:$0x1F700] =	vst v63  }
0x64: {  	_ =	swait.ge [sflag:s9], $0x2400  }
0x65: {  	[sflag:s9] =	ssyncset.done $0x0  }
0x66: {  	s26 =	simm.s32 $0x1E700;
	[sflag:s9] =	ssyncadd.s32 $0xFFFFDC00  }
0x67: {  	[spmem:s2] =	stream.indirect.scatter.add.f32 [tilespmem:s26], [sflag:$0x3], $0x10, s23, s10, $0xb8;
	[tilespmem:$0x1F700] =	vst v63  }
0x68: {  	_ =	swait.ge [sflag:s9], $0x400  }
0x69: {  	[sflag:s9] =	ssyncset.done $0x0  }
0x6a: {  	[sflag:s9] =	ssyncadd.s32 $0xFFFFFC00  }
0x6b: {  	_ =	swait.ge [sflag:s15], $0x2400  }
0x6c: {  	[sflag:s15] =	ssyncset.done $0x0  }
0x6d: {  	s28 =	simm.s32 $0x18E80;
	[sflag:s15] =	ssyncadd.s32 $0xFFFFDC00  }
0x6e: {  	[tilespmem:s13], [sflag:$0x1] =	stream.indirect.gather [hbm4b:s12+s10], $0x90, s28, s10, $0xb8;
	[tilespmem:$0x1F700] =	vst v63  }
0x6f: {  	s25 =	simm.s32 $0x18C40  }
0x70: {  	[spmem:s5] =	stream.indirect.scatter.add.f32 [tilespmem:s11], [sflag:$0x3], $0x90, s25, s10, $0xb8;
	[tilespmem:$0x1F700] =	vst v63  }
0x71: {  	_ =	swait.ge [sflag:s9], $0x2400  }
0x72: {  	[sflag:s9] =	ssyncset.done $0x0  }
0x73: {  	s31 =	simm.s32 $0x1EB00;
	[sflag:s9] =	ssyncadd.s32 $0xFFFFDC00  }
0x74: {  	[spmem:s2] =	stream.indirect.scatter.add.f32 [tilespmem:s31], [sflag:$0x3], $0x10, s25, s10, $0xb8;
	[tilespmem:$0x1F700] =	vst v63  }
0x75: {  	_ =	swait.ge [sflag:s9], $0x400  }
0x76: {  	[sflag:s9] =	ssyncset.done $0x0  }
0x77: {  	[sflag:s9] =	ssyncadd.s32 $0xFFFFFC00  }
0x78: {  	_ =	swait.ge [sflag:s14], $0x2400  }
0x79: {  	[sflag:s14] =	ssyncset.done $0x0  }
0x7a: {  	s30 =	simm.s32 $0x18EC0;
	[sflag:s14] =	ssyncadd.s32 $0xFFFFDC00  }
0x7b: {  	[tilespmem:s11], [sflag:$0x2] =	stream.indirect.gather [hbm4b:s12+s10], $0x90, s30, s10, $0xb8;
	[tilespmem:$0x1F700] =	vst v63  }
0x7c: {  	s29 =	simm.s32 $0x18C80  }
0x7d: {  	[spmem:s5] =	stream.indirect.scatter.add.f32 [tilespmem:s13], [sflag:$0x3], $0x90, s29, s10, $0xb8;
	[tilespmem:$0x1F700] =	vst v63  }
0x7e: {  	_ =	swait.ge [sflag:s9], $0x2400  }
0x7f: {  	[sflag:s9] =	ssyncset.done $0x0  }
0x80: {  	s4 =	simm.s32 $0x1EF00;
	[sflag:s9] =	ssyncadd.s32 $0xFFFFDC00  }
0x81: {  	[spmem:s2] =	stream.indirect.scatter.add.f32 [tilespmem:s4], [sflag:$0x3], $0x10, s29, s10, $0xb8;
	[tilespmem:$0x1F700] =	vst v63  }
0x82: {  	_ =	swait.ge [sflag:s9], $0x400  }
0x83: {  	[sflag:s9] =	ssyncset.done $0x0  }
0x84: {  	[sflag:s9] =	ssyncadd.s32 $0xFFFFFC00  }
0x85: {  	_ =	swait.ge [sflag:s15], $0x2400  }
0x86: {  	[sflag:s15] =	ssyncset.done $0x0  }
0x87: {  	s0 =	simm.s32 $0x18CC0;
	[sflag:s15] =	ssyncadd.s32 $0xFFFFDC00  }
0x88: {  	[spmem:s5] =	stream.indirect.scatter.add.f32 [tilespmem:s11], [sflag:$0x3], $0x90, s0, s10, $0xb8;
	[tilespmem:$0x1F700] =	vst v63  }
0x89: {  	_ =	swait.ge [sflag:s9], $0x2400  }
0x8a: {  	[sflag:s9] =	ssyncset.done $0x0  }
0x8b: {  	s16 =	sadd.s32 $0x104400, s7;
	s6 =	simm.s32 $0x1F300;
	[sflag:s9] =	ssyncadd.s32 $0xFFFFDC00  }
0x8c: {  	[spmem:s2] =	stream.indirect.scatter.add.f32 [tilespmem:s6], [sflag:$0x3], $0x10, s0, s10, $0xb8;
	[tilespmem:$0x1F700] =	vst v63  }
0x8d: {  	s24 =	sadd.s32 $0xFF400, s7;
	_ =	swait.ge [sflag:s9], $0x400;
	[dreg:$0x16] =	wrdreg s16  }
0x8e: {  	s7 =	simm.s32 $0x40;
	[dreg:$0x15] =	wrdreg s24  }
0x8f: {  	s8 =	simm.s32 $0x80;
	[sflag:s9] =	ssyncset.done $0x0;
	s1 =	rddreg [dreg:$0x7]  }
.LBB2_1:
0x90: {  	s3 =	rddreg [dreg:$0x5]  }
0x91: {  	[sflag:s9] =	ssyncadd.s32 $0xFFFFFC00;
	s24 =	rddreg [dreg:$0x6];
	s3 =	sadd.s32 s7, s3  }
0x92: {  	[tilespmem:s17], [sflag:$0x3] =	stream.strided.gather [hbm4b:s3+s24], $0x400, s1, s24, $0x38;
	[tilespmem:$0x1F700] =	vst v63  }
0x93: {  	_ =	swait.ge [sflag:s9], $0x400  }
0x94: {  	[sflag:s9] =	ssyncset.done $0x0  }
0x95: {  	s19 =	sadd.s32 $0x400, s19;
	s24 =	simm.s32 $0x0;
	[sflag:s9] =	ssyncadd.s32 $0xFFFFFC00  }
0x96: {  	[tilespmem:s18], [sflag:$0x3] =	stream.linear.gather [hbm4b:s19+s24], $0x2000, $0x38;
	[tilespmem:$0x1F700] =	vst v63  }
0x97: {  	_ =	swait.ge [sflag:s9], $0x2000  }
0x98: {  	[sflag:s9] =	ssyncset.done $0x0  }
0x99: {  	s3 =	rddreg [dreg:$0x8];
	[sflag:s9] =	ssyncadd.s32 $0xFFFFE000  }
0x9a: {  	[tilespmem:s13], [sflag:$0x1] =	stream.indirect.gather [hbm4b:s12+s10], $0x90, s3, s10, $0xb8;
	[tilespmem:$0x1F700] =	vst v63  }
0x9b: {  	_ =	swait.ge [sflag:s14], $0x2400  }
0x9c: {  	s16 =	smov.u32 s8;
	[sflag:s14] =	ssyncset.done $0x0  }
0x9d: {  	s7 =	smov.u32 s16;
	s16 =	rddreg [dreg:$0x9];
	[sflag:s14] =	ssyncadd.s32 $0xFFFFDC00  }
0x9e: {  	[tilespmem:s11], [sflag:$0x2] =	stream.indirect.gather [hbm4b:s12+s10], $0x90, s16, s10, $0xb8;
	[tilespmem:$0x1F700] =	vst v63  }
0x9f: {  	_ = 	snop  }
0xa0: {  	[spmem:s5] =	stream.indirect.scatter.add.f32 [tilespmem:s13], [sflag:$0x3], $0x90, s17, s10, $0xb8;
	[tilespmem:$0x1F700] =	vst v63  }
0xa1: {  	_ =	swait.ge [sflag:s9], $0x2400  }
0xa2: {  	[sflag:s9] =	ssyncset.done $0x0  }
0xa3: {  	[sflag:s9] =	ssyncadd.s32 $0xFFFFDC00  }
0xa4: {  	[spmem:s2] =	stream.indirect.scatter.add.f32 [tilespmem:s18], [sflag:$0x3], $0x10, s17, s10, $0xb8;
	[tilespmem:$0x1F700] =	vst v63  }
0xa5: {  	_ =	swait.ge [sflag:s9], $0x400  }
0xa6: {  	[sflag:s9] =	ssyncset.done $0x0  }
0xa7: {  	[sflag:s9] =	ssyncadd.s32 $0xFFFFFC00  }
0xa8: {  	_ =	swait.ge [sflag:s15], $0x2400  }
0xa9: {  	[sflag:s15] =	ssyncset.done $0x0  }
0xaa: {  	s24 =	rddreg [dreg:$0xa];
	[sflag:s15] =	ssyncadd.s32 $0xFFFFDC00  }
0xab: {  	[tilespmem:s13], [sflag:$0x1] =	stream.indirect.gather [hbm4b:s12+s10], $0x90, s24, s10, $0xb8;
	[tilespmem:$0x1F700] =	vst v63  }
0xac: {  	_ = 	snop  }
0xad: {  	[spmem:s5] =	stream.indirect.scatter.add.f32 [tilespmem:s11], [sflag:$0x3], $0x90, s20, s10, $0xb8;
	[tilespmem:$0x1F700] =	vst v63  }
0xae: {  	_ =	swait.ge [sflag:s9], $0x2400  }
0xaf: {  	[sflag:s9] =	ssyncset.done $0x0  }
0xb0: {  	s3 =	rddreg [dreg:$0xb];
	[sflag:s9] =	ssyncadd.s32 $0xFFFFDC00  }
0xb1: {  	[spmem:s2] =	stream.indirect.scatter.add.f32 [tilespmem:s3], [sflag:$0x3], $0x10, s20, s10, $0xb8;
	[tilespmem:$0x1F700] =	vst v63  }
0xb2: {  	_ =	swait.ge [sflag:s9], $0x400  }
0xb3: {  	[sflag:s9] =	ssyncset.done $0x0  }
0xb4: {  	[sflag:s9] =	ssyncadd.s32 $0xFFFFFC00  }
0xb5: {  	_ =	swait.ge [sflag:s14], $0x2400  }
0xb6: {  	[sflag:s14] =	ssyncset.done $0x0  }
0xb7: {  	s16 =	rddreg [dreg:$0xc];
	[sflag:s14] =	ssyncadd.s32 $0xFFFFDC00  }
0xb8: {  	[tilespmem:s11], [sflag:$0x2] =	stream.indirect.gather [hbm4b:s12+s10], $0x90, s16, s10, $0xb8;
	[tilespmem:$0x1F700] =	vst v63  }
0xb9: {  	_ = 	snop  }
0xba: {  	[spmem:s5] =	stream.indirect.scatter.add.f32 [tilespmem:s13], [sflag:$0x3], $0x90, s21, s10, $0xb8;
	[tilespmem:$0x1F700] =	vst v63  }
0xbb: {  	_ =	swait.ge [sflag:s9], $0x2400  }
0xbc: {  	[sflag:s9] =	ssyncset.done $0x0  }
0xbd: {  	s24 =	rddreg [dreg:$0xd];
	[sflag:s9] =	ssyncadd.s32 $0xFFFFDC00  }
0xbe: {  	[spmem:s2] =	stream.indirect.scatter.add.f32 [tilespmem:s24], [sflag:$0x3], $0x10, s21, s10, $0xb8;
	[tilespmem:$0x1F700] =	vst v63  }
0xbf: {  	_ =	swait.ge [sflag:s9], $0x400  }
0xc0: {  	[sflag:s9] =	ssyncset.done $0x0  }
0xc1: {  	[sflag:s9] =	ssyncadd.s32 $0xFFFFFC00  }
0xc2: {  	_ =	swait.ge [sflag:s15], $0x2400  }
0xc3: {  	[sflag:s15] =	ssyncset.done $0x0  }
0xc4: {  	s3 =	rddreg [dreg:$0xe];
	[sflag:s15] =	ssyncadd.s32 $0xFFFFDC00  }
0xc5: {  	[tilespmem:s13], [sflag:$0x1] =	stream.indirect.gather [hbm4b:s12+s10], $0x90, s3, s10, $0xb8;
	[tilespmem:$0x1F700] =	vst v63  }
0xc6: {  	_ = 	snop  }
0xc7: {  	[spmem:s5] =	stream.indirect.scatter.add.f32 [tilespmem:s11], [sflag:$0x3], $0x90, s22, s10, $0xb8;
	[tilespmem:$0x1F700] =	vst v63  }
0xc8: {  	_ =	swait.ge [sflag:s9], $0x2400  }
0xc9: {  	[sflag:s9] =	ssyncset.done $0x0  }
0xca: {  	s16 =	rddreg [dreg:$0xf];
	[sflag:s9] =	ssyncadd.s32 $0xFFFFDC00  }
0xcb: {  	[spmem:s2] =	stream.indirect.scatter.add.f32 [tilespmem:s16], [sflag:$0x3], $0x10, s22, s10, $0xb8;
	[tilespmem:$0x1F700] =	vst v63  }
0xcc: {  	_ =	swait.ge [sflag:s9], $0x400  }
0xcd: {  	[sflag:s9] =	ssyncset.done $0x0  }
0xce: {  	[sflag:s9] =	ssyncadd.s32 $0xFFFFFC00  }
0xcf: {  	_ =	swait.ge [sflag:s14], $0x2400  }
0xd0: {  	[sflag:s14] =	ssyncset.done $0x0  }
0xd1: {  	s24 =	simm.s32 $0x18E40;
	[sflag:s14] =	ssyncadd.s32 $0xFFFFDC00  }
0xd2: {  	[tilespmem:s11], [sflag:$0x2] =	stream.indirect.gather [hbm4b:s12+s10], $0x90, s24, s10, $0xb8;
	[tilespmem:$0x1F700] =	vst v63  }
0xd3: {  	_ = 	snop  }
0xd4: {  	[spmem:s5] =	stream.indirect.scatter.add.f32 [tilespmem:s13], [sflag:$0x3], $0x90, s23, s10, $0xb8;
	[tilespmem:$0x1F700] =	vst v63  }
0xd5: {  	_ =	swait.ge [sflag:s9], $0x2400  }
0xd6: {  	[sflag:s9] =	ssyncset.done $0x0  }
0xd7: {  	[sflag:s9] =	ssyncadd.s32 $0xFFFFDC00  }
0xd8: {  	[spmem:s2] =	stream.indirect.scatter.add.f32 [tilespmem:s26], [sflag:$0x3], $0x10, s23, s10, $0xb8;
	[tilespmem:$0x1F700] =	vst v63  }
0xd9: {  	_ =	swait.ge [sflag:s9], $0x400  }
0xda: {  	[sflag:s9] =	ssyncset.done $0x0  }
0xdb: {  	[sflag:s9] =	ssyncadd.s32 $0xFFFFFC00  }
0xdc: {  	_ =	swait.ge [sflag:s15], $0x2400  }
0xdd: {  	[sflag:s15] =	ssyncset.done $0x0  }
0xde: {  	[sflag:s15] =	ssyncadd.s32 $0xFFFFDC00  }
0xdf: {  	[tilespmem:s13], [sflag:$0x1] =	stream.indirect.gather [hbm4b:s12+s10], $0x90, s28, s10, $0xb8;
	[tilespmem:$0x1F700] =	vst v63  }
0xe0: {  	_ = 	snop  }
0xe1: {  	[spmem:s5] =	stream.indirect.scatter.add.f32 [tilespmem:s11], [sflag:$0x3], $0x90, s25, s10, $0xb8;
	[tilespmem:$0x1F700] =	vst v63  }
0xe2: {  	_ =	swait.ge [sflag:s9], $0x2400  }
0xe3: {  	[sflag:s9] =	ssyncset.done $0x0  }
0xe4: {  	[sflag:s9] =	ssyncadd.s32 $0xFFFFDC00  }
0xe5: {  	[spmem:s2] =	stream.indirect.scatter.add.f32 [tilespmem:s31], [sflag:$0x3], $0x10, s25, s10, $0xb8;
	[tilespmem:$0x1F700] =	vst v63  }
0xe6: {  	_ =	swait.ge [sflag:s9], $0x400  }
0xe7: {  	[sflag:s9] =	ssyncset.done $0x0  }
0xe8: {  	[sflag:s9] =	ssyncadd.s32 $0xFFFFFC00  }
0xe9: {  	_ =	swait.ge [sflag:s14], $0x2400  }
0xea: {  	[sflag:s14] =	ssyncset.done $0x0  }
0xeb: {  	[sflag:s14] =	ssyncadd.s32 $0xFFFFDC00  }
0xec: {  	[tilespmem:s11], [sflag:$0x2] =	stream.indirect.gather [hbm4b:s12+s10], $0x90, s30, s10, $0xb8;
	[tilespmem:$0x1F700] =	vst v63  }
0xed: {  	_ = 	snop  }
0xee: {  	[spmem:s5] =	stream.indirect.scatter.add.f32 [tilespmem:s13], [sflag:$0x3], $0x90, s29, s10, $0xb8;
	[tilespmem:$0x1F700] =	vst v63  }
0xef: {  	_ =	swait.ge [sflag:s9], $0x2400  }
0xf0: {  	[sflag:s9] =	ssyncset.done $0x0  }
0xf1: {  	[sflag:s9] =	ssyncadd.s32 $0xFFFFDC00  }
0xf2: {  	[spmem:s2] =	stream.indirect.scatter.add.f32 [tilespmem:s4], [sflag:$0x3], $0x10, s29, s10, $0xb8;
	[tilespmem:$0x1F700] =	vst v63  }
0xf3: {  	_ =	swait.ge [sflag:s9], $0x400  }
0xf4: {  	[sflag:s9] =	ssyncset.done $0x0  }
0xf5: {  	[sflag:s9] =	ssyncadd.s32 $0xFFFFFC00  }
0xf6: {  	_ =	swait.ge [sflag:s15], $0x2400  }
0xf7: {  	[sflag:s15] =	ssyncset.done $0x0  }
0xf8: {  	[sflag:s15] =	ssyncadd.s32 $0xFFFFDC00  }
0xf9: {  	[spmem:s5] =	stream.indirect.scatter.add.f32 [tilespmem:s11], [sflag:$0x3], $0x90, s0, s10, $0xb8;
	[tilespmem:$0x1F700] =	vst v63  }
0xfa: {  	p0 =	sne.s32 s8, $0x4C0;
	_ =	swait.ge [sflag:s9], $0x2400  }
.Ltmp0:
0xfb: {  	[sflag:s9] =	ssyncset.done $0x0;
	(pc) =	sbr.rel @p0 .LBB2_1-.Ltmp0, $4  }
0xfc: {  	[sflag:s9] =	ssyncadd.s32 $0xFFFFDC00  }
0xfd: {  	[spmem:s2] =	stream.indirect.scatter.add.f32 [tilespmem:s6], [sflag:$0x3], $0x10, s0, s10, $0xb8;
	[tilespmem:$0x1F700] =	vst v63  }
0xfe: {  	_ =	swait.ge [sflag:s9], $0x400  }
0xff: {  	s8 =	sadd.s32 $0x40, s8;
	s1 =	rddreg [dreg:$0x7];
	[sflag:s9] =	ssyncset.done $0x0  }
0x100: {  	s3 =	rddreg [dreg:$0x5]  }
0x101: {  	s8 =	rddreg [dreg:$0x6];
	[sflag:s9] =	ssyncadd.s32 $0xFFFFFC00;
	s3 =	sadd.s32 s7, s3  }
0x102: {  	[tilespmem:s17], [sflag:$0x3] =	stream.strided.gather [hbm4b:s3+s8], $0x400, s1, s8, $0x38;
	[tilespmem:$0x1F700] =	vst v63  }
0x103: {  	_ =	swait.ge [sflag:s9], $0x400  }
0x104: {  	[sflag:s9] =	ssyncset.done $0x0  }
0x105: {  	s19 =	sadd.s32 $0x400, s19;
	s24 =	simm.s32 $0x0;
	[sflag:s9] =	ssyncadd.s32 $0xFFFFFC00  }
0x106: {  	[tilespmem:s18], [sflag:$0x3] =	stream.linear.gather [hbm4b:s19+s24], $0x2000, $0x38;
	[tilespmem:$0x1F700] =	vst v63  }
0x107: {  	_ =	swait.ge [sflag:s9], $0x2000  }
0x108: {  	[sflag:s9] =	ssyncset.done $0x0  }
0x109: {  	s3 =	rddreg [dreg:$0x8];
	[sflag:s9] =	ssyncadd.s32 $0xFFFFE000  }
0x10a: {  	[tilespmem:s13], [sflag:$0x1] =	stream.indirect.gather [hbm4b:s12+s10], $0x90, s3, s10, $0xb8;
	[tilespmem:$0x1F700] =	vst v63  }
0x10b: {  	_ =	swait.ge [sflag:s14], $0x2400  }
0x10c: {  	[sflag:s14] =	ssyncset.done $0x0  }
0x10d: {  	s7 =	rddreg [dreg:$0x9];
	[sflag:s14] =	ssyncadd.s32 $0xFFFFDC00  }
0x10e: {  	[tilespmem:s11], [sflag:$0x2] =	stream.indirect.gather [hbm4b:s12+s10], $0x90, s7, s10, $0xb8;
	[tilespmem:$0x1F700] =	vst v63  }
0x10f: {  	_ = 	snop  }
0x110: {  	[spmem:s5] =	stream.indirect.scatter.add.f32 [tilespmem:s13], [sflag:$0x3], $0x90, s17, s10, $0xb8;
	[tilespmem:$0x1F700] =	vst v63  }
0x111: {  	_ =	swait.ge [sflag:s9], $0x2400  }
0x112: {  	[sflag:s9] =	ssyncset.done $0x0  }
0x113: {  	[sflag:s9] =	ssyncadd.s32 $0xFFFFDC00  }
0x114: {  	[spmem:s2] =	stream.indirect.scatter.add.f32 [tilespmem:s18], [sflag:$0x3], $0x10, s17, s10, $0xb8;
	[tilespmem:$0x1F700] =	vst v63  }
0x115: {  	_ =	swait.ge [sflag:s9], $0x400  }
0x116: {  	[sflag:s9] =	ssyncset.done $0x0  }
0x117: {  	[sflag:s9] =	ssyncadd.s32 $0xFFFFFC00  }
0x118: {  	_ =	swait.ge [sflag:s15], $0x2400  }
0x119: {  	[sflag:s15] =	ssyncset.done $0x0  }
0x11a: {  	s8 =	rddreg [dreg:$0xa];
	[sflag:s15] =	ssyncadd.s32 $0xFFFFDC00  }
0x11b: {  	[tilespmem:s13], [sflag:$0x1] =	stream.indirect.gather [hbm4b:s12+s10], $0x90, s8, s10, $0xb8;
	[tilespmem:$0x1F700] =	vst v63  }
0x11c: {  	_ = 	snop  }
0x11d: {  	[spmem:s5] =	stream.indirect.scatter.add.f32 [tilespmem:s11], [sflag:$0x3], $0x90, s20, s10, $0xb8;
	[tilespmem:$0x1F700] =	vst v63  }
0x11e: {  	_ =	swait.ge [sflag:s9], $0x2400  }
0x11f: {  	[sflag:s9] =	ssyncset.done $0x0  }
0x120: {  	s16 =	rddreg [dreg:$0xb];
	[sflag:s9] =	ssyncadd.s32 $0xFFFFDC00  }
0x121: {  	[spmem:s2] =	stream.indirect.scatter.add.f32 [tilespmem:s16], [sflag:$0x3], $0x10, s20, s10, $0xb8;
	[tilespmem:$0x1F700] =	vst v63  }
0x122: {  	_ =	swait.ge [sflag:s9], $0x400  }
0x123: {  	[sflag:s9] =	ssyncset.done $0x0  }
0x124: {  	[sflag:s9] =	ssyncadd.s32 $0xFFFFFC00  }
0x125: {  	_ =	swait.ge [sflag:s14], $0x2400  }
0x126: {  	[sflag:s14] =	ssyncset.done $0x0  }
0x127: {  	s17 =	rddreg [dreg:$0xc];
	[sflag:s14] =	ssyncadd.s32 $0xFFFFDC00  }
0x128: {  	[tilespmem:s11], [sflag:$0x2] =	stream.indirect.gather [hbm4b:s12+s10], $0x90, s17, s10, $0xb8;
	[tilespmem:$0x1F700] =	vst v63  }
0x129: {  	_ = 	snop  }
0x12a: {  	[spmem:s5] =	stream.indirect.scatter.add.f32 [tilespmem:s13], [sflag:$0x3], $0x90, s21, s10, $0xb8;
	[tilespmem:$0x1F700] =	vst v63  }
0x12b: {  	_ =	swait.ge [sflag:s9], $0x2400  }
0x12c: {  	[sflag:s9] =	ssyncset.done $0x0  }
0x12d: {  	s18 =	rddreg [dreg:$0xd];
	[sflag:s9] =	ssyncadd.s32 $0xFFFFDC00  }
0x12e: {  	[spmem:s2] =	stream.indirect.scatter.add.f32 [tilespmem:s18], [sflag:$0x3], $0x10, s21, s10, $0xb8;
	[tilespmem:$0x1F700] =	vst v63  }
0x12f: {  	_ =	swait.ge [sflag:s9], $0x400  }
0x130: {  	[sflag:s9] =	ssyncset.done $0x0  }
0x131: {  	[sflag:s9] =	ssyncadd.s32 $0xFFFFFC00  }
0x132: {  	_ =	swait.ge [sflag:s15], $0x2400  }
0x133: {  	[sflag:s15] =	ssyncset.done $0x0  }
0x134: {  	s19 =	rddreg [dreg:$0xe];
	[sflag:s15] =	ssyncadd.s32 $0xFFFFDC00  }
0x135: {  	[tilespmem:s13], [sflag:$0x1] =	stream.indirect.gather [hbm4b:s12+s10], $0x90, s19, s10, $0xb8;
	[tilespmem:$0x1F700] =	vst v63  }
0x136: {  	_ = 	snop  }
0x137: {  	[spmem:s5] =	stream.indirect.scatter.add.f32 [tilespmem:s11], [sflag:$0x3], $0x90, s22, s10, $0xb8;
	[tilespmem:$0x1F700] =	vst v63  }
0x138: {  	_ =	swait.ge [sflag:s9], $0x2400  }
0x139: {  	[sflag:s9] =	ssyncset.done $0x0  }
0x13a: {  	s20 =	rddreg [dreg:$0xf];
	[sflag:s9] =	ssyncadd.s32 $0xFFFFDC00  }
0x13b: {  	[spmem:s2] =	stream.indirect.scatter.add.f32 [tilespmem:s20], [sflag:$0x3], $0x10, s22, s10, $0xb8;
	[tilespmem:$0x1F700] =	vst v63  }
0x13c: {  	_ =	swait.ge [sflag:s9], $0x400  }
0x13d: {  	[sflag:s9] =	ssyncset.done $0x0  }
0x13e: {  	[sflag:s9] =	ssyncadd.s32 $0xFFFFFC00  }
0x13f: {  	_ =	swait.ge [sflag:s14], $0x2400  }
0x140: {  	[sflag:s14] =	ssyncset.done $0x0  }
0x141: {  	s21 =	simm.s32 $0x18E40;
	[sflag:s14] =	ssyncadd.s32 $0xFFFFDC00  }
0x142: {  	[tilespmem:s11], [sflag:$0x2] =	stream.indirect.gather [hbm4b:s12+s10], $0x90, s21, s10, $0xb8;
	[tilespmem:$0x1F700] =	vst v63  }
0x143: {  	_ = 	snop  }
0x144: {  	[spmem:s5] =	stream.indirect.scatter.add.f32 [tilespmem:s13], [sflag:$0x3], $0x90, s23, s10, $0xb8;
	[tilespmem:$0x1F700] =	vst v63  }
0x145: {  	_ =	swait.ge [sflag:s9], $0x2400  }
0x146: {  	[sflag:s9] =	ssyncset.done $0x0  }
0x147: {  	[sflag:s9] =	ssyncadd.s32 $0xFFFFDC00  }
0x148: {  	[spmem:s2] =	stream.indirect.scatter.add.f32 [tilespmem:s26], [sflag:$0x3], $0x10, s23, s10, $0xb8;
	[tilespmem:$0x1F700] =	vst v63  }
0x149: {  	_ =	swait.ge [sflag:s9], $0x400  }
0x14a: {  	[sflag:s9] =	ssyncset.done $0x0  }
0x14b: {  	[sflag:s9] =	ssyncadd.s32 $0xFFFFFC00  }
0x14c: {  	_ =	swait.ge [sflag:s15], $0x2400  }
0x14d: {  	[sflag:s15] =	ssyncset.done $0x0  }
0x14e: {  	[sflag:s15] =	ssyncadd.s32 $0xFFFFDC00  }
0x14f: {  	[tilespmem:s13], [sflag:$0x1] =	stream.indirect.gather [hbm4b:s12+s10], $0x90, s28, s10, $0xb8;
	[tilespmem:$0x1F700] =	vst v63  }
0x150: {  	_ = 	snop  }
0x151: {  	[spmem:s5] =	stream.indirect.scatter.add.f32 [tilespmem:s11], [sflag:$0x3], $0x90, s25, s10, $0xb8;
	[tilespmem:$0x1F700] =	vst v63  }
0x152: {  	_ =	swait.ge [sflag:s9], $0x2400  }
0x153: {  	[sflag:s9] =	ssyncset.done $0x0  }
0x154: {  	[sflag:s9] =	ssyncadd.s32 $0xFFFFDC00  }
0x155: {  	[spmem:s2] =	stream.indirect.scatter.add.f32 [tilespmem:s31], [sflag:$0x3], $0x10, s25, s10, $0xb8;
	[tilespmem:$0x1F700] =	vst v63  }
0x156: {  	_ =	swait.ge [sflag:s9], $0x400  }
0x157: {  	[sflag:s9] =	ssyncset.done $0x0  }
0x158: {  	[sflag:s9] =	ssyncadd.s32 $0xFFFFFC00  }
0x159: {  	_ =	swait.ge [sflag:s14], $0x2400  }
0x15a: {  	[sflag:s14] =	ssyncset.done $0x0  }
0x15b: {  	[sflag:s14] =	ssyncadd.s32 $0xFFFFDC00  }
0x15c: {  	[tilespmem:s11], [sflag:$0x2] =	stream.indirect.gather [hbm4b:s12+s10], $0x90, s30, s10, $0xb8;
	[tilespmem:$0x1F700] =	vst v63  }
0x15d: {  	_ = 	snop  }
0x15e: {  	[spmem:s5] =	stream.indirect.scatter.add.f32 [tilespmem:s13], [sflag:$0x3], $0x90, s29, s10, $0xb8;
	[tilespmem:$0x1F700] =	vst v63  }
0x15f: {  	_ =	swait.ge [sflag:s9], $0x2400  }
0x160: {  	[sflag:s9] =	ssyncset.done $0x0  }
0x161: {  	[sflag:s9] =	ssyncadd.s32 $0xFFFFDC00  }
0x162: {  	[spmem:s2] =	stream.indirect.scatter.add.f32 [tilespmem:s4], [sflag:$0x3], $0x10, s29, s10, $0xb8;
	[tilespmem:$0x1F700] =	vst v63  }
0x163: {  	_ =	swait.ge [sflag:s9], $0x400  }
0x164: {  	[sflag:s9] =	ssyncset.done $0x0  }
0x165: {  	[sflag:s9] =	ssyncadd.s32 $0xFFFFFC00  }
0x166: {  	_ =	swait.ge [sflag:s15], $0x2400  }
0x167: {  	[sflag:s15] =	ssyncset.done $0x0  }
0x168: {  	[sflag:s15] =	ssyncadd.s32 $0xFFFFDC00  }
0x169: {  	[spmem:s5] =	stream.indirect.scatter.add.f32 [tilespmem:s11], [sflag:$0x3], $0x90, s0, s10, $0xb8;
	[tilespmem:$0x1F700] =	vst v63  }
0x16a: {  	_ =	swait.ge [sflag:s9], $0x2400  }
0x16b: {  	[sflag:s9] =	ssyncset.done $0x0  }
0x16c: {  	[sflag:s9] =	ssyncadd.s32 $0xFFFFDC00  }
0x16d: {  	[spmem:s2] =	stream.indirect.scatter.add.f32 [tilespmem:s6], [sflag:$0x3], $0x10, s0, s10, $0xb8;
	[tilespmem:$0x1F700] =	vst v63  }
0x16e: {  	_ =	swait.ge [sflag:s9], $0x400  }
0x16f: {  	[sflag:s9] =	ssyncset.done $0x0  }
0x170: {  	s22 =	rddreg [dreg:$0x11];
	[sflag:s9] =	ssyncadd.s32 $0xFFFFFC00  }
0x171: {  	s23 =	rddreg [dreg:$0x16];
	[bflag:$0x0] =	sbarrier.arrive $0xFFFF  }
0x172: {  	s24 =	rddreg [dreg:$0x10]  }
0x173: {  	s26 =	simm.s32 $0x3;
	s0 =	sadd.s32 s23, s22;
	s25 =	rddreg [dreg:$0x13]  }
0x174: {  	[hbm:s0], [sflag:s24] =	dma.local [spmem:s25], $0x2C70  }
0x175: {  	_ =	swait.ge [sflag:s26], $0x2C70  }
0x176: {  	s28 =	rddreg [dreg:$0x12]  }
0x177: {  	[sflag:s26] =	ssyncset.done $0x0;
	s29 =	rddreg [dreg:$0x15]  }
0x178: {  	s30 =	rddreg [dreg:$0x14];
	s1 =	sadd.s32 s29, s28;
	[sflag:s26] =	ssyncadd.s32 $0xFFFFD390  }
0x179: {  	[hbm:s1], [sflag:s24] =	dma.local [spmem:s30], $0x4F0  }
0x17a: {  	_ =	swait.ge [sflag:s26], $0x4F0  }
0x17b: {  	[sflag:s26] =	ssyncset.done $0x0  }
0x17c: {  	[sflag:s26] =	ssyncadd.s32 $0xFFFFFB10  }
0x17d: {  	_ =	sfence.sel $0x180000  }
0x17e: {  	[bflag:$0x0] =	sbarrier.arrive $0xFFFF  }
0x17f: {  	_ =	strace $0x90000047  }
0x180: {  	s31 =	stileid.u32;
	[bflag:$0x2] =	sbarrier.arrive $0xFFFF  }
0x181: {  	p0 =	sne.s32 s31, $0x0;
	s0 =	rddreg [dreg:$0x4]  }
0x182: {  	s0 =	sadd.s32 @!p0 $0x100000, s0  }
0x183: {  	[sflag:s0] =	ssyncadd.tile.s32 @!p0 $0x1;
	_ =	shalt  }
.Lfunc_end2:
_tile_overlayer_lowered:
.L_overlay_start_2:
0x184: {  	(tag) =	ssettag $0x2  }
0x185: {  	s0 =	rddreg [dreg:$0x0];
	s2 =	stileid.u32  }
0x186: {  	s1 =	rddreg [dreg:$0x1];
	p0 =	sne.s32 s2, $0x0  }
0x187: {  	s3 =	rddreg [dreg:$0x2];
	[bflag:$0x3] =	sbarrier.arrive $0xFFFF;
	s2 =	simm.s32 @!p0 $0x1C03  }
0x188: {  	[timem:s3], [sflag:s2] =	dma.local @!p0 [hbm:s0], s1  }
0x189: {  	s0 =	simm.s32 @!p0 $0x3  }
0x18a: {  	_ =	swait.ge @!p0 [sflag:s0], s1  }
0x18b: {  	s1 =	ssub.s32 @!p0 $0x0, s1;
	[sflag:s0] =	ssyncset.done @!p0 $0x0  }
0x18c: {  	[sflag:s0] =	ssyncadd.s32 @!p0 s1  }
0x18d: {  	[bflag:$0x3] =	sbarrier.arrive $0xFFFF  }
0x18e: {  	_ =	shalt  }

</sc_bundles>
